<compile_context>
chip_gen: v7x
topology: tpu7x:2x2x1
jax: 0.10.2.dev20260603
libtpu: 0.0.44.dev20260713+nightly
codegen_flags: <defaults>
</compile_context>

<pallas_src>
import jax
import jax.numpy as jnp
from jax import lax
from jax.experimental import pallas as pl
from jax.experimental.pallas import tpu as pltpu
from jax.experimental.pallas import tpu_sc as plsc

N_USER = 1000000
N_ITEM = 1000000
DIM = 64
BATCH = 16384

NC = 2
NS = 16
NW = NC * NS
B_PER_W = BATCH // NW
LANES = 128


def _scalar(vec16):
    return lax.reduce_max(vec16, axes=(0,))


NSLOT = 7
MAIN = (B_PER_W // NSLOT) * NSLOT


def _mf_body(u_hbm, i_hbm, UT_hbm, VT_hbm, out_hbm,
             u_v, i_v, ubuf, vbuf, out_v,
             sem0, sem1, sem2, sem3, sem4, sem5, sem6):
    sems = (sem0, sem1, sem2, sem3, sem4, sem5, sem6)
    wid = lax.axis_index("s") * NC + lax.axis_index("c")
    base = wid * B_PER_W

    pltpu.sync_copy(u_hbm.at[pl.ds(base, B_PER_W)], u_v)
    pltpu.sync_copy(i_hbm.at[pl.ds(base, B_PER_W)], i_v)

    iota16 = lax.iota(jnp.int32, 16)
    lane0 = iota16 == 0

    oz = jnp.right_shift(u_v[pl.ds(0, 16)], 30)

    def splat(ref, k):
        return plsc.load_gather(ref, [oz + k])

    def fire(k, j, sem):
        tc_u = _scalar(jnp.right_shift(splat(u_v, k), 7))
        tc_v = _scalar(jnp.right_shift(splat(i_v, k), 7))
        off_u = pl.multiple_of(tc_u * LANES, LANES)
        off_v = pl.multiple_of(tc_v * LANES, LANES)
        pltpu.make_async_copy(
            UT_hbm.at[:, pl.ds(off_u, LANES)], ubuf.at[j], sem).start()
        pltpu.make_async_copy(
            VT_hbm.at[:, pl.ds(off_v, LANES)], vbuf.at[j], sem).start()

    def wait(j, sem):
        pltpu.make_async_copy(
            UT_hbm.at[:, pl.ds(0, LANES)], ubuf.at[j], sem).wait()
        pltpu.make_async_copy(
            VT_hbm.at[:, pl.ds(0, LANES)], vbuf.at[j], sem).wait()

    def compute(k, j, _):
        rl_u = jnp.bitwise_and(splat(u_v, k), LANES - 1)
        rl_v = jnp.bitwise_and(splat(i_v, k), LANES - 1)
        acc = jnp.zeros((16,), jnp.float32)
        for c in range(DIM // 16):
            d16 = iota16 + 16 * c
            uu = plsc.load_gather(ubuf.at[j], [d16, rl_u])
            vv = plsc.load_gather(vbuf.at[j], [d16, rl_v])
            acc = acc + uu * vv
        dot = lax.reduce_sum(acc, axes=(0,))
        plsc.store_scatter(
            out_v, [jnp.full((16,), 0, jnp.int32) + k],
            jnp.zeros((16,), jnp.float32) + dot, mask=lane0)

    last = MAIN - 1

    def step(g, carry):
        k0 = g * NSLOT

        @pl.when(g == 0)
        def _():
            for j in range(NSLOT):
                fire(g * NSLOT + j, j, sems[j])

        for j in range(NSLOT):
            wait(j, sems[j])
            compute(k0 + j, j, j)
            fire(jnp.minimum(k0 + j + NSLOT, last), j, sems[j])
        return carry

    lax.fori_loop(0, MAIN // NSLOT, step, 0, unroll=False)

    for j in range(NSLOT):
        wait(j, sems[j])

    def tail(k, carry):
        fire(k, 0, sems[0])
        wait(0, sems[0])
        compute(k, 0, 0)
        return carry

    lax.fori_loop(MAIN, B_PER_W, tail, 0, unroll=False)

    pltpu.sync_copy(out_v, out_hbm.at[pl.ds(base, B_PER_W)])


@jax.jit
def kernel(u, i, U_emb, V_emb):
    UT = U_emb.T
    VT = V_emb.T
    mesh = plsc.VectorSubcoreMesh(core_axis_name="c", subcore_axis_name="s")
    f = pl.kernel(
        _mf_body,
        out_type=jax.ShapeDtypeStruct((BATCH,), jnp.float32),
        mesh=mesh,
        compiler_params=pltpu.CompilerParams(
            needs_layout_passes=False, use_tc_tiling_on_sc=True),
        scratch_types=[
            pltpu.VMEM((B_PER_W,), jnp.int32),
            pltpu.VMEM((B_PER_W,), jnp.int32),
            pltpu.VMEM((NSLOT, DIM, LANES), jnp.float32),
            pltpu.VMEM((NSLOT, DIM, LANES), jnp.float32),
            pltpu.VMEM((B_PER_W,), jnp.float32),
            pltpu.SemaphoreType.DMA,
            pltpu.SemaphoreType.DMA,
            pltpu.SemaphoreType.DMA,
            pltpu.SemaphoreType.DMA,
            pltpu.SemaphoreType.DMA,
            pltpu.SemaphoreType.DMA,
            pltpu.SemaphoreType.DMA,
        ],
    )
    return f(u, i, UT, VT)

# --- scband reference (transcript-rebuilt; emitter-appended) ---
"""Pipeline reference for scband-mf-11261404250194 (READ-ONLY COPY).

The authoritative reference and input builder live on the scoring server;
editing this copy changes nothing except your own understanding.
"""

import jax, jax.numpy as jnp
import numpy as np

N_USER = 1000000
N_ITEM = 1000000
DIM = 64
BATCH = 16384

def setup_inputs(seed: int = 0) -> dict:
    key = jax.random.key(seed)
    k1, k2, k3, k4 = jax.random.split(key, 4)
    u = jax.random.randint(k1, (BATCH,), 0, N_USER, dtype=jnp.int64 if jax.config.jax_enable_x64 else jnp.int32).astype(jnp.int32)
    i = jax.random.randint(k2, (BATCH,), 0, N_ITEM, dtype=jnp.int64 if jax.config.jax_enable_x64 else jnp.int32).astype(jnp.int32)
    U_emb = jax.random.normal(k3, (N_USER, DIM), dtype=jnp.float32)
    V_emb = jax.random.normal(k4, (N_ITEM, DIM), dtype=jnp.float32)
    return {"u": u, "i": i, "U_emb": U_emb, "V_emb": V_emb}

def reference(u, i, U_emb, V_emb):
    # MF.forward: gather user and item embeddings, elementwise product, sum over dim
    user = jnp.take(U_emb, u, axis=0)   # [B, DIM]
    item = jnp.take(V_emb, i, axis=0)   # [B, DIM]
    score = jnp.sum(user * item, axis=1)  # [B]
    return score

if __name__ == "__main__":
    import jax
    _d = setup_inputs()
    print(jax.jit(kernel)(*tuple(_d.values())))

</pallas_src>

<mosaic_0001>
#map = affine_map<(d0, d1) -> (0)>
#map1 = affine_map<(d0, d1) -> (0, 0)>
module attributes {stable_mosaic.version = 14 : i64} {
  func.func @_mf_body(%arg0: i32, %arg1: i32, %arg2: memref<16384xi32, #tpu.memory_space<hbm>>, %arg3: memref<16384xi32, #tpu.memory_space<hbm>>, %arg4: memref<64x1000000xf32, #tpu.memory_space<hbm>>, %arg5: memref<64x1000000xf32, #tpu.memory_space<hbm>>, %arg6: memref<16384xf32, #tpu.memory_space<hbm>>, %arg7: memref<512xi32, #tpu.memory_space<vmem>>, %arg8: memref<512xi32, #tpu.memory_space<vmem>>, %arg9: memref<7x64x128xf32, #tpu.memory_space<vmem>>, %arg10: memref<7x64x128xf32, #tpu.memory_space<vmem>>, %arg11: memref<512xf32, #tpu.memory_space<vmem>>, %arg12: memref<!tpu.dma_semaphore, #tpu.memory_space<semaphore_mem>>, %arg13: memref<!tpu.dma_semaphore, #tpu.memory_space<semaphore_mem>>, %arg14: memref<!tpu.dma_semaphore, #tpu.memory_space<semaphore_mem>>, %arg15: memref<!tpu.dma_semaphore, #tpu.memory_space<semaphore_mem>>, %arg16: memref<!tpu.dma_semaphore, #tpu.memory_space<semaphore_mem>>, %arg17: memref<!tpu.dma_semaphore, #tpu.memory_space<semaphore_mem>>, %arg18: memref<!tpu.dma_semaphore, #tpu.memory_space<semaphore_mem>>) attributes {dimension_semantics = [#tpu.dimension_semantics<core_parallel>, #tpu.dimension_semantics<subcore_parallel>], iteration_bounds = array<i64: 2, 16>, scalar_prefetch = 0 : i64, scratch_operands = 12 : i64, tpu.core_type = #tpu.core_type<sc_vector_subcore>, window_params = [{transform_indices = #map}, {transform_indices = #map}, {transform_indices = #map1}, {transform_indices = #map1}, {transform_indices = #map}]} {
    %mul3A = arith.constant 2 : i32
    %mul3A_0 = arith.muli %arg1, %mul3A : i32
    %add3A = arith.addi %mul3A_0, %arg0 : i32
    %mul3A_1 = arith.constant 512 : i32
    %mul3A_2 = arith.muli %add3A, %mul3A_1 : i32
    "tpu.region"() ({
      %run_scoped3A = tpu.sem_alloc : memref<!tpu.dma_semaphore, #tpu.memory_space<semaphore_mem>>
      %dma_start3A_402 = tpu.memref_slice %arg2[%mul3A_2] : memref<16384xi32, #tpu.memory_space<hbm>> -> memref<512xi32, #tpu.memory_space<hbm>>
      %dma_start3A_403 = tpu.memref_slice %arg2[%mul3A_2] : memref<16384xi32, #tpu.memory_space<hbm>> -> memref<512xi32, #tpu.memory_space<hbm>>
      tpu.enqueue_dma source(%dma_start3A_403 : memref<512xi32, #tpu.memory_space<hbm>>) target(%arg7 : memref<512xi32, #tpu.memory_space<vmem>>) target_semaphore(%run_scoped3A : memref<!tpu.dma_semaphore, #tpu.memory_space<semaphore_mem>>)
      %dma_wait3A_404 = tpu.memref_slice %arg2[%mul3A_2] : memref<16384xi32, #tpu.memory_space<hbm>> -> memref<512xi32, #tpu.memory_space<hbm>>
      %dma_wait3A_405 = tpu.memref_slice %arg2[%mul3A_2] : memref<16384xi32, #tpu.memory_space<hbm>> -> memref<512xi32, #tpu.memory_space<hbm>>
      tpu.wait_dma2 semaphore(%run_scoped3A : memref<!tpu.dma_semaphore, #tpu.memory_space<semaphore_mem>>) src(%dma_wait3A_405 : memref<512xi32, #tpu.memory_space<hbm>>) dst(%arg7 : memref<512xi32, #tpu.memory_space<vmem>>)
      tpu.yield
    }) : () -> ()
    "tpu.region"() ({
      %run_scoped3A = tpu.sem_alloc : memref<!tpu.dma_semaphore, #tpu.memory_space<semaphore_mem>>
      %dma_start3A_402 = tpu.memref_slice %arg3[%mul3A_2] : memref<16384xi32, #tpu.memory_space<hbm>> -> memref<512xi32, #tpu.memory_space<hbm>>
      %dma_start3A_403 = tpu.memref_slice %arg3[%mul3A_2] : memref<16384xi32, #tpu.memory_space<hbm>> -> memref<512xi32, #tpu.memory_space<hbm>>
      tpu.enqueue_dma source(%dma_start3A_403 : memref<512xi32, #tpu.memory_space<hbm>>) target(%arg8 : memref<512xi32, #tpu.memory_space<vmem>>) target_semaphore(%run_scoped3A : memref<!tpu.dma_semaphore, #tpu.memory_space<semaphore_mem>>)
      %dma_wait3A_404 = tpu.memref_slice %arg3[%mul3A_2] : memref<16384xi32, #tpu.memory_space<hbm>> -> memref<512xi32, #tpu.memory_space<hbm>>
      %dma_wait3A_405 = tpu.memref_slice %arg3[%mul3A_2] : memref<16384xi32, #tpu.memory_space<hbm>> -> memref<512xi32, #tpu.memory_space<hbm>>
      tpu.wait_dma2 semaphore(%run_scoped3A : memref<!tpu.dma_semaphore, #tpu.memory_space<semaphore_mem>>) src(%dma_wait3A_405 : memref<512xi32, #tpu.memory_space<hbm>>) dst(%arg8 : memref<512xi32, #tpu.memory_space<vmem>>)
      tpu.yield
    }) : () -> ()
    %iota3A = tpu.iota {dimensions = array<i32: 0>} : vector<16xi32>
    %eq3A = arith.constant 0 : i32
    %eq3A_3 = vector.broadcast %eq3A : i32 to vector<16xi32>
    %eq3A_4 = arith.cmpi eq, %iota3A, %eq3A_3 : vector<16xi32>
    %get3A = arith.constant 0 : index
    %get3A_5 = tpu.vector_load %arg7[%get3A] {strides = array<i32>} : memref<512xi32, #tpu.memory_space<vmem>>, vector<16xi32>,
    %shift_right_arithmetic3A = arith.constant 30 : i32
    %shift_right_arithmetic3A_6 = vector.broadcast %shift_right_arithmetic3A : i32 to vector<16xi32>
    %shift_right_arithmetic3A_7 = arith.shrsi %get3A_5, %shift_right_arithmetic3A_6 : vector<16xi32>
    %scan3A = arith.constant 0 : i32
    %scan3A_8 = arith.constant 0 : i32
    %scan3A_9 = arith.constant 73 : i32
    %scan3A_10 = arith.addi %scan3A_8, %scan3A_9 : i32
    %scan3A_11 = arith.constant 1 : i32
    scf.for %scan3A_402 = %scan3A_8 to %scan3A_10 step %scan3A_11  : i32 {
      %mul3A_403 = arith.constant 7 : i32
      %mul3A_404 = arith.muli %scan3A_402, %mul3A_403 : i32
      %eq3A_405 = arith.constant 0 : i32
      %eq3A_406 = arith.cmpi eq, %scan3A_402, %eq3A_405 : i32
      %convert_element_type3A = arith.extui %eq3A_406 : i1 to i32
      %cond3A = arith.constant 0 : i32
      %cond3A_407 = arith.cmpi ne, %convert_element_type3A, %cond3A : i32
      scf.if %cond3A_407 {
        %mul3A_1751 = arith.constant 7 : i32
        %mul3A_1752 = arith.muli %scan3A_402, %mul3A_1751 : i32
        %add3A_1753 = arith.constant 0 : i32
        %add3A_1754 = arith.addi %mul3A_1752, %add3A_1753 : i32
        %add3A_1755 = vector.broadcast %add3A_1754 : i32 to vector<16xi32>
        %add3A_1756 = arith.addi %shift_right_arithmetic3A_7, %add3A_1755 : vector<16xi32>
        %gather3A_1757 = tpu.vector_load_idx %arg7[%add3A_1756] : memref<512xi32, #tpu.memory_space<vmem>>[vector<16xi32>], vector<16xi32>,
        %shift_right_arithmetic3A_1758 = arith.constant 7 : i32
        %shift_right_arithmetic3A_1759 = vector.broadcast %shift_right_arithmetic3A_1758 : i32 to vector<16xi32>
        %shift_right_arithmetic3A_1760 = arith.shrsi %gather3A_1757, %shift_right_arithmetic3A_1759 : vector<16xi32>
        %reduce_max3A_1761 = arith.constant true
        %reduce_max3A_1762 = vector.broadcast %reduce_max3A_1761 : i1 to vector<16xi1>
        %reduce_max3A_1763 = arith.constant -2147483648 : i32
        %reduce_max3A_1764 = vector.broadcast %reduce_max3A_1763 : i32 to vector<16xi32>
        %reduce_max3A_1765 = arith.xori %shift_right_arithmetic3A_1760, %reduce_max3A_1764 : vector<16xi32>
        %reduce_max3A_1766 = tpu.scan <max>, %reduce_max3A_1765 masked %reduce_max3A_1762 : vector<16xi32>, vector<16xi1> -> vector<16xi32>
        %reduce_max3A_1767 = arith.xori %reduce_max3A_1766, %reduce_max3A_1764 : vector<16xi32>
        %reduce_max3A_1768 = vector.extract %reduce_max3A_1767[15] : i32 from vector<16xi32>
        %add3A_1769 = vector.broadcast %add3A_1754 : i32 to vector<16xi32>
        %add3A_1770 = arith.addi %shift_right_arithmetic3A_7, %add3A_1769 : vector<16xi32>
        %gather3A_1771 = tpu.vector_load_idx %arg8[%add3A_1770] : memref<512xi32, #tpu.memory_space<vmem>>[vector<16xi32>], vector<16xi32>,
        %shift_right_arithmetic3A_1772 = arith.constant 7 : i32
        %shift_right_arithmetic3A_1773 = vector.broadcast %shift_right_arithmetic3A_1772 : i32 to vector<16xi32>
        %shift_right_arithmetic3A_1774 = arith.shrsi %gather3A_1771, %shift_right_arithmetic3A_1773 : vector<16xi32>
        %reduce_max3A_1775 = arith.constant true
        %reduce_max3A_1776 = vector.broadcast %reduce_max3A_1775 : i1 to vector<16xi1>
        %reduce_max3A_1777 = arith.constant -2147483648 : i32
        %reduce_max3A_1778 = vector.broadcast %reduce_max3A_1777 : i32 to vector<16xi32>
        %reduce_max3A_1779 = arith.xori %shift_right_arithmetic3A_1774, %reduce_max3A_1778 : vector<16xi32>
        %reduce_max3A_1780 = tpu.scan <max>, %reduce_max3A_1779 masked %reduce_max3A_1776 : vector<16xi32>, vector<16xi1> -> vector<16xi32>
        %reduce_max3A_1781 = arith.xori %reduce_max3A_1780, %reduce_max3A_1778 : vector<16xi32>
        %reduce_max3A_1782 = vector.extract %reduce_max3A_1781[15] : i32 from vector<16xi32>
        %mul3A_1783 = arith.constant 128 : i32
        %mul3A_1784 = arith.muli %reduce_max3A_1768, %mul3A_1783 : i32
        %multiple_of3A_1785 = tpu.assume_multiple %mul3A_1784, 128 : i32
        %mul3A_1786 = arith.constant 128 : i32
        %mul3A_1787 = arith.muli %reduce_max3A_1782, %mul3A_1786 : i32
        %multiple_of3A_1788 = tpu.assume_multiple %mul3A_1787, 128 : i32
        %dma_start3A_1789 = arith.constant 0 : i32
        %dma_start3A_1790 = arith.constant 0 : i32
        %dma_start3A_1791 = arith.constant 0 : i32
        %dma_start3A_1792 = tpu.memref_slice %arg9[%dma_start3A_1789, %dma_start3A_1790, %dma_start3A_1791] : memref<7x64x128xf32, #tpu.memory_space<vmem>> -> memref<1x64x128xf32, #tpu.memory_space<vmem>>
        %dma_start3A_1793 = tpu.memref_squeeze %dma_start3A_1792 : memref<1x64x128xf32, #tpu.memory_space<vmem>> -> memref<64x128xf32, #tpu.memory_space<vmem>>
        %dma_start3A_1794 = arith.constant 0 : i32
        %dma_start3A_1795 = tpu.memref_slice %arg4[%dma_start3A_1794, %multiple_of3A_1785] : memref<64x1000000xf32, #tpu.memory_space<hbm>> -> memref<64x128xf32, #tpu.memory_space<hbm>>
        %dma_start3A_1796 = arith.constant 0 : i32
        %dma_start3A_1797 = arith.constant 0 : i32
        %dma_start3A_1798 = tpu.memref_slice %arg9[%dma_start3A_1789, %dma_start3A_1796, %dma_start3A_1797] : memref<7x64x128xf32, #tpu.memory_space<vmem>> -> memref<1x64x128xf32, #tpu.memory_space<vmem>>
        %dma_start3A_1799 = tpu.memref_squeeze %dma_start3A_1798 : memref<1x64x128xf32, #tpu.memory_space<vmem>> -> memref<64x128xf32, #tpu.memory_space<vmem>>
        %dma_start3A_1800 = arith.constant 0 : i32
        %dma_start3A_1801 = tpu.memref_slice %arg4[%dma_start3A_1800, %multiple_of3A_1785] : memref<64x1000000xf32, #tpu.memory_space<hbm>> -> memref<64x128xf32, #tpu.memory_space<hbm>>
        tpu.enqueue_dma source(%dma_start3A_1801 : memref<64x128xf32, #tpu.memory_space<hbm>>) target(%dma_start3A_1799 : memref<64x128xf32, #tpu.memory_space<vmem>>) target_semaphore(%arg12 : memref<!tpu.dma_semaphore, #tpu.memory_space<semaphore_mem>>)
        %dma_start3A_1802 = arith.constant 0 : i32
        %dma_start3A_1803 = arith.constant 0 : i32
        %dma_start3A_1804 = arith.constant 0 : i32
        %dma_start3A_1805 = tpu.memref_slice %arg10[%dma_start3A_1802, %dma_start3A_1803, %dma_start3A_1804] : memref<7x64x128xf32, #tpu.memory_space<vmem>> -> memref<1x64x128xf32, #tpu.memory_space<vmem>>
        %dma_start3A_1806 = tpu.memref_squeeze %dma_start3A_1805 : memref<1x64x128xf32, #tpu.memory_space<vmem>> -> memref<64x128xf32, #tpu.memory_space<vmem>>
        %dma_start3A_1807 = arith.constant 0 : i32
        %dma_start3A_1808 = tpu.memref_slice %arg5[%dma_start3A_1807, %multiple_of3A_1788] : memref<64x1000000xf32, #tpu.memory_space<hbm>> -> memref<64x128xf32, #tpu.memory_space<hbm>>
        %dma_start3A_1809 = arith.constant 0 : i32
        %dma_start3A_1810 = arith.constant 0 : i32
        %dma_start3A_1811 = tpu.memref_slice %arg10[%dma_start3A_1802, %dma_start3A_1809, %dma_start3A_1810] : memref<7x64x128xf32, #tpu.memory_space<vmem>> -> memref<1x64x128xf32, #tpu.memory_space<vmem>>
        %dma_start3A_1812 = tpu.memref_squeeze %dma_start3A_1811 : memref<1x64x128xf32, #tpu.memory_space<vmem>> -> memref<64x128xf32, #tpu.memory_space<vmem>>
        %dma_start3A_1813 = arith.constant 0 : i32
        %dma_start3A_1814 = tpu.memref_slice %arg5[%dma_start3A_1813, %multiple_of3A_1788] : memref<64x1000000xf32, #tpu.memory_space<hbm>> -> memref<64x128xf32, #tpu.memory_space<hbm>>
        tpu.enqueue_dma source(%dma_start3A_1814 : memref<64x128xf32, #tpu.memory_space<hbm>>) target(%dma_start3A_1812 : memref<64x128xf32, #tpu.memory_space<vmem>>) target_semaphore(%arg12 : memref<!tpu.dma_semaphore, #tpu.memory_space<semaphore_mem>>)
        %mul3A_1815 = arith.constant 7 : i32
        %mul3A_1816 = arith.muli %scan3A_402, %mul3A_1815 : i32
        %add3A_1817 = arith.constant 1 : i32
        %add3A_1818 = arith.addi %mul3A_1816, %add3A_1817 : i32
        %add3A_1819 = vector.broadcast %add3A_1818 : i32 to vector<16xi32>
        %add3A_1820 = arith.addi %shift_right_arithmetic3A_7, %add3A_1819 : vector<16xi32>
        %gather3A_1821 = tpu.vector_load_idx %arg7[%add3A_1820] : memref<512xi32, #tpu.memory_space<vmem>>[vector<16xi32>], vector<16xi32>,
        %shift_right_arithmetic3A_1822 = arith.constant 7 : i32
        %shift_right_arithmetic3A_1823 = vector.broadcast %shift_right_arithmetic3A_1822 : i32 to vector<16xi32>
        %shift_right_arithmetic3A_1824 = arith.shrsi %gather3A_1821, %shift_right_arithmetic3A_1823 : vector<16xi32>
        %reduce_max3A_1825 = arith.constant true
        %reduce_max3A_1826 = vector.broadcast %reduce_max3A_1825 : i1 to vector<16xi1>
        %reduce_max3A_1827 = arith.constant -2147483648 : i32
        %reduce_max3A_1828 = vector.broadcast %reduce_max3A_1827 : i32 to vector<16xi32>
        %reduce_max3A_1829 = arith.xori %shift_right_arithmetic3A_1824, %reduce_max3A_1828 : vector<16xi32>
        %reduce_max3A_1830 = tpu.scan <max>, %reduce_max3A_1829 masked %reduce_max3A_1826 : vector<16xi32>, vector<16xi1> -> vector<16xi32>
        %reduce_max3A_1831 = arith.xori %reduce_max3A_1830, %reduce_max3A_1828 : vector<16xi32>
        %reduce_max3A_1832 = vector.extract %reduce_max3A_1831[15] : i32 from vector<16xi32>
        %add3A_1833 = vector.broadcast %add3A_1818 : i32 to vector<16xi32>
        %add3A_1834 = arith.addi %shift_right_arithmetic3A_7, %add3A_1833 : vector<16xi32>
        %gather3A_1835 = tpu.vector_load_idx %arg8[%add3A_1834] : memref<512xi32, #tpu.memory_space<vmem>>[vector<16xi32>], vector<16xi32>,
        %shift_right_arithmetic3A_1836 = arith.constant 7 : i32
        %shift_right_arithmetic3A_1837 = vector.broadcast %shift_right_arithmetic3A_1836 : i32 to vector<16xi32>
        %shift_right_arithmetic3A_1838 = arith.shrsi %gather3A_1835, %shift_right_arithmetic3A_1837 : vector<16xi32>
        %reduce_max3A_1839 = arith.constant true
        %reduce_max3A_1840 = vector.broadcast %reduce_max3A_1839 : i1 to vector<16xi1>
        %reduce_max3A_1841 = arith.constant -2147483648 : i32
        %reduce_max3A_1842 = vector.broadcast %reduce_max3A_1841 : i32 to vector<16xi32>
        %reduce_max3A_1843 = arith.xori %shift_right_arithmetic3A_1838, %reduce_max3A_1842 : vector<16xi32>
        %reduce_max3A_1844 = tpu.scan <max>, %reduce_max3A_1843 masked %reduce_max3A_1840 : vector<16xi32>, vector<16xi1> -> vector<16xi32>
        %reduce_max3A_1845 = arith.xori %reduce_max3A_1844, %reduce_max3A_1842 : vector<16xi32>
        %reduce_max3A_1846 = vector.extract %reduce_max3A_1845[15] : i32 from vector<16xi32>
        %mul3A_1847 = arith.constant 128 : i32
        %mul3A_1848 = arith.muli %reduce_max3A_1832, %mul3A_1847 : i32
        %multiple_of3A_1849 = tpu.assume_multiple %mul3A_1848, 128 : i32
        %mul3A_1850 = arith.constant 128 : i32
        %mul3A_1851 = arith.muli %reduce_max3A_1846, %mul3A_1850 : i32
        %multiple_of3A_1852 = tpu.assume_multiple %mul3A_1851, 128 : i32
        %dma_start3A_1853 = arith.constant 1 : i32
        %dma_start3A_1854 = arith.constant 0 : i32
        %dma_start3A_1855 = arith.constant 0 : i32
        %dma_start3A_1856 = tpu.memref_slice %arg9[%dma_start3A_1853, %dma_start3A_1854, %dma_start3A_1855] : memref<7x64x128xf32, #tpu.memory_space<vmem>> -> memref<1x64x128xf32, #tpu.memory_space<vmem>>
        %dma_start3A_1857 = tpu.memref_squeeze %dma_start3A_1856 : memref<1x64x128xf32, #tpu.memory_space<vmem>> -> memref<64x128xf32, #tpu.memory_space<vmem>>
        %dma_start3A_1858 = arith.constant 0 : i32
        %dma_start3A_1859 = tpu.memref_slice %arg4[%dma_start3A_1858, %multiple_of3A_1849] : memref<64x1000000xf32, #tpu.memory_space<hbm>> -> memref<64x128xf32, #tpu.memory_space<hbm>>
        %dma_start3A_1860 = arith.constant 0 : i32
        %dma_start3A_1861 = arith.constant 0 : i32
        %dma_start3A_1862 = tpu.memref_slice %arg9[%dma_start3A_1853, %dma_start3A_1860, %dma_start3A_1861] : memref<7x64x128xf32, #tpu.memory_space<vmem>> -> memref<1x64x128xf32, #tpu.memory_space<vmem>>
        %dma_start3A_1863 = tpu.memref_squeeze %dma_start3A_1862 : memref<1x64x128xf32, #tpu.memory_space<vmem>> -> memref<64x128xf32, #tpu.memory_space<vmem>>
        %dma_start3A_1864 = arith.constant 0 : i32
        %dma_start3A_1865 = tpu.memref_slice %arg4[%dma_start3A_1864, %multiple_of3A_1849] : memref<64x1000000xf32, #tpu.memory_space<hbm>> -> memref<64x128xf32, #tpu.memory_space<hbm>>
        tpu.enqueue_dma source(%dma_start3A_1865 : memref<64x128xf32, #tpu.memory_space<hbm>>) target(%dma_start3A_1863 : memref<64x128xf32, #tpu.memory_space<vmem>>) target_semaphore(%arg13 : memref<!tpu.dma_semaphore, #tpu.memory_space<semaphore_mem>>)
        %dma_start3A_1866 = arith.constant 1 : i32
        %dma_start3A_1867 = arith.constant 0 : i32
        %dma_start3A_1868 = arith.constant 0 : i32
        %dma_start3A_1869 = tpu.memref_slice %arg10[%dma_start3A_1866, %dma_start3A_1867, %dma_start3A_1868] : memref<7x64x128xf32, #tpu.memory_space<vmem>> -> memref<1x64x128xf32, #tpu.memory_space<vmem>>
        %dma_start3A_1870 = tpu.memref_squeeze %dma_start3A_1869 : memref<1x64x128xf32, #tpu.memory_space<vmem>> -> memref<64x128xf32, #tpu.memory_space<vmem>>
        %dma_start3A_1871 = arith.constant 0 : i32
        %dma_start3A_1872 = tpu.memref_slice %arg5[%dma_start3A_1871, %multiple_of3A_1852] : memref<64x1000000xf32, #tpu.memory_space<hbm>> -> memref<64x128xf32, #tpu.memory_space<hbm>>
        %dma_start3A_1873 = arith.constant 0 : i32
        %dma_start3A_1874 = arith.constant 0 : i32
        %dma_start3A_1875 = tpu.memref_slice %arg10[%dma_start3A_1866, %dma_start3A_1873, %dma_start3A_1874] : memref<7x64x128xf32, #tpu.memory_space<vmem>> -> memref<1x64x128xf32, #tpu.memory_space<vmem>>
        %dma_start3A_1876 = tpu.memref_squeeze %dma_start3A_1875 : memref<1x64x128xf32, #tpu.memory_space<vmem>> -> memref<64x128xf32, #tpu.memory_space<vmem>>
        %dma_start3A_1877 = arith.constant 0 : i32
        %dma_start3A_1878 = tpu.memref_slice %arg5[%dma_start3A_1877, %multiple_of3A_1852] : memref<64x1000000xf32, #tpu.memory_space<hbm>> -> memref<64x128xf32, #tpu.memory_space<hbm>>
        tpu.enqueue_dma source(%dma_start3A_1878 : memref<64x128xf32, #tpu.memory_space<hbm>>) target(%dma_start3A_1876 : memref<64x128xf32, #tpu.memory_space<vmem>>) target_semaphore(%arg13 : memref<!tpu.dma_semaphore, #tpu.memory_space<semaphore_mem>>)
        %mul3A_1879 = arith.constant 7 : i32
        %mul3A_1880 = arith.muli %scan3A_402, %mul3A_1879 : i32
        %add3A_1881 = arith.constant 2 : i32
        %add3A_1882 = arith.addi %mul3A_1880, %add3A_1881 : i32
        %add3A_1883 = vector.broadcast %add3A_1882 : i32 to vector<16xi32>
        %add3A_1884 = arith.addi %shift_right_arithmetic3A_7, %add3A_1883 : vector<16xi32>
        %gather3A_1885 = tpu.vector_load_idx %arg7[%add3A_1884] : memref<512xi32, #tpu.memory_space<vmem>>[vector<16xi32>], vector<16xi32>,
        %shift_right_arithmetic3A_1886 = arith.constant 7 : i32
        %shift_right_arithmetic3A_1887 = vector.broadcast %shift_right_arithmetic3A_1886 : i32 to vector<16xi32>
        %shift_right_arithmetic3A_1888 = arith.shrsi %gather3A_1885, %shift_right_arithmetic3A_1887 : vector<16xi32>
        %reduce_max3A_1889 = arith.constant true
        %reduce_max3A_1890 = vector.broadcast %reduce_max3A_1889 : i1 to vector<16xi1>
        %reduce_max3A_1891 = arith.constant -2147483648 : i32
        %reduce_max3A_1892 = vector.broadcast %reduce_max3A_1891 : i32 to vector<16xi32>
        %reduce_max3A_1893 = arith.xori %shift_right_arithmetic3A_1888, %reduce_max3A_1892 : vector<16xi32>
        %reduce_max3A_1894 = tpu.scan <max>, %reduce_max3A_1893 masked %reduce_max3A_1890 : vector<16xi32>, vector<16xi1> -> vector<16xi32>
        %reduce_max3A_1895 = arith.xori %reduce_max3A_1894, %reduce_max3A_1892 : vector<16xi32>
        %reduce_max3A_1896 = vector.extract %reduce_max3A_1895[15] : i32 from vector<16xi32>
        %add3A_1897 = vector.broadcast %add3A_1882 : i32 to vector<16xi32>
        %add3A_1898 = arith.addi %shift_right_arithmetic3A_7, %add3A_1897 : vector<16xi32>
        %gather3A_1899 = tpu.vector_load_idx %arg8[%add3A_1898] : memref<512xi32, #tpu.memory_space<vmem>>[vector<16xi32>], vector<16xi32>,
        %shift_right_arithmetic3A_1900 = arith.constant 7 : i32
        %shift_right_arithmetic3A_1901 = vector.broadcast %shift_right_arithmetic3A_1900 : i32 to vector<16xi32>
        %shift_right_arithmetic3A_1902 = arith.shrsi %gather3A_1899, %shift_right_arithmetic3A_1901 : vector<16xi32>
        %reduce_max3A_1903 = arith.constant true
        %reduce_max3A_1904 = vector.broadcast %reduce_max3A_1903 : i1 to vector<16xi1>
        %reduce_max3A_1905 = arith.constant -2147483648 : i32
        %reduce_max3A_1906 = vector.broadcast %reduce_max3A_1905 : i32 to vector<16xi32>
        %reduce_max3A_1907 = arith.xori %shift_right_arithmetic3A_1902, %reduce_max3A_1906 : vector<16xi32>
        %reduce_max3A_1908 = tpu.scan <max>, %reduce_max3A_1907 masked %reduce_max3A_1904 : vector<16xi32>, vector<16xi1> -> vector<16xi32>
        %reduce_max3A_1909 = arith.xori %reduce_max3A_1908, %reduce_max3A_1906 : vector<16xi32>
        %reduce_max3A_1910 = vector.extract %reduce_max3A_1909[15] : i32 from vector<16xi32>
        %mul3A_1911 = arith.constant 128 : i32
        %mul3A_1912 = arith.muli %reduce_max3A_1896, %mul3A_1911 : i32
        %multiple_of3A_1913 = tpu.assume_multiple %mul3A_1912, 128 : i32
        %mul3A_1914 = arith.constant 128 : i32
        %mul3A_1915 = arith.muli %reduce_max3A_1910, %mul3A_1914 : i32
        %multiple_of3A_1916 = tpu.assume_multiple %mul3A_1915, 128 : i32
        %dma_start3A_1917 = arith.constant 2 : i32
        %dma_start3A_1918 = arith.constant 0 : i32
        %dma_start3A_1919 = arith.constant 0 : i32
        %dma_start3A_1920 = tpu.memref_slice %arg9[%dma_start3A_1917, %dma_start3A_1918, %dma_start3A_1919] : memref<7x64x128xf32, #tpu.memory_space<vmem>> -> memref<1x64x128xf32, #tpu.memory_space<vmem>>
        %dma_start3A_1921 = tpu.memref_squeeze %dma_start3A_1920 : memref<1x64x128xf32, #tpu.memory_space<vmem>> -> memref<64x128xf32, #tpu.memory_space<vmem>>
        %dma_start3A_1922 = arith.constant 0 : i32
        %dma_start3A_1923 = tpu.memref_slice %arg4[%dma_start3A_1922, %multiple_of3A_1913] : memref<64x1000000xf32, #tpu.memory_space<hbm>> -> memref<64x128xf32, #tpu.memory_space<hbm>>
        %dma_start3A_1924 = arith.constant 0 : i32
        %dma_start3A_1925 = arith.constant 0 : i32
        %dma_start3A_1926 = tpu.memref_slice %arg9[%dma_start3A_1917, %dma_start3A_1924, %dma_start3A_1925] : memref<7x64x128xf32, #tpu.memory_space<vmem>> -> memref<1x64x128xf32, #tpu.memory_space<vmem>>
        %dma_start3A_1927 = tpu.memref_squeeze %dma_start3A_1926 : memref<1x64x128xf32, #tpu.memory_space<vmem>> -> memref<64x128xf32, #tpu.memory_space<vmem>>
        %dma_start3A_1928 = arith.constant 0 : i32
        %dma_start3A_1929 = tpu.memref_slice %arg4[%dma_start3A_1928, %multiple_of3A_1913] : memref<64x1000000xf32, #tpu.memory_space<hbm>> -> memref<64x128xf32, #tpu.memory_space<hbm>>
        tpu.enqueue_dma source(%dma_start3A_1929 : memref<64x128xf32, #tpu.memory_space<hbm>>) target(%dma_start3A_1927 : memref<64x128xf32, #tpu.memory_space<vmem>>) target_semaphore(%arg14 : memref<!tpu.dma_semaphore, #tpu.memory_space<semaphore_mem>>)
        %dma_start3A_1930 = arith.constant 2 : i32
        %dma_start3A_1931 = arith.constant 0 : i32
        %dma_start3A_1932 = arith.constant 0 : i32
        %dma_start3A_1933 = tpu.memref_slice %arg10[%dma_start3A_1930, %dma_start3A_1931, %dma_start3A_1932] : memref<7x64x128xf32, #tpu.memory_space<vmem>> -> memref<1x64x128xf32, #tpu.memory_space<vmem>>
        %dma_start3A_1934 = tpu.memref_squeeze %dma_start3A_1933 : memref<1x64x128xf32, #tpu.memory_space<vmem>> -> memref<64x128xf32, #tpu.memory_space<vmem>>
        %dma_start3A_1935 = arith.constant 0 : i32
        %dma_start3A_1936 = tpu.memref_slice %arg5[%dma_start3A_1935, %multiple_of3A_1916] : memref<64x1000000xf32, #tpu.memory_space<hbm>> -> memref<64x128xf32, #tpu.memory_space<hbm>>
        %dma_start3A_1937 = arith.constant 0 : i32
        %dma_start3A_1938 = arith.constant 0 : i32
        %dma_start3A_1939 = tpu.memref_slice %arg10[%dma_start3A_1930, %dma_start3A_1937, %dma_start3A_1938] : memref<7x64x128xf32, #tpu.memory_space<vmem>> -> memref<1x64x128xf32, #tpu.memory_space<vmem>>
        %dma_start3A_1940 = tpu.memref_squeeze %dma_start3A_1939 : memref<1x64x128xf32, #tpu.memory_space<vmem>> -> memref<64x128xf32, #tpu.memory_space<vmem>>
        %dma_start3A_1941 = arith.constant 0 : i32
        %dma_start3A_1942 = tpu.memref_slice %arg5[%dma_start3A_1941, %multiple_of3A_1916] : memref<64x1000000xf32, #tpu.memory_space<hbm>> -> memref<64x128xf32, #tpu.memory_space<hbm>>
        tpu.enqueue_dma source(%dma_start3A_1942 : memref<64x128xf32, #tpu.memory_space<hbm>>) target(%dma_start3A_1940 : memref<64x128xf32, #tpu.memory_space<vmem>>) target_semaphore(%arg14 : memref<!tpu.dma_semaphore, #tpu.memory_space<semaphore_mem>>)
        %mul3A_1943 = arith.constant 7 : i32
        %mul3A_1944 = arith.muli %scan3A_402, %mul3A_1943 : i32
        %add3A_1945 = arith.constant 3 : i32
        %add3A_1946 = arith.addi %mul3A_1944, %add3A_1945 : i32
        %add3A_1947 = vector.broadcast %add3A_1946 : i32 to vector<16xi32>
        %add3A_1948 = arith.addi %shift_right_arithmetic3A_7, %add3A_1947 : vector<16xi32>
        %gather3A_1949 = tpu.vector_load_idx %arg7[%add3A_1948] : memref<512xi32, #tpu.memory_space<vmem>>[vector<16xi32>], vector<16xi32>,
        %shift_right_arithmetic3A_1950 = arith.constant 7 : i32
        %shift_right_arithmetic3A_1951 = vector.broadcast %shift_right_arithmetic3A_1950 : i32 to vector<16xi32>
        %shift_right_arithmetic3A_1952 = arith.shrsi %gather3A_1949, %shift_right_arithmetic3A_1951 : vector<16xi32>
        %reduce_max3A_1953 = arith.constant true
        %reduce_max3A_1954 = vector.broadcast %reduce_max3A_1953 : i1 to vector<16xi1>
        %reduce_max3A_1955 = arith.constant -2147483648 : i32
        %reduce_max3A_1956 = vector.broadcast %reduce_max3A_1955 : i32 to vector<16xi32>
        %reduce_max3A_1957 = arith.xori %shift_right_arithmetic3A_1952, %reduce_max3A_1956 : vector<16xi32>
        %reduce_max3A_1958 = tpu.scan <max>, %reduce_max3A_1957 masked %reduce_max3A_1954 : vector<16xi32>, vector<16xi1> -> vector<16xi32>
        %reduce_max3A_1959 = arith.xori %reduce_max3A_1958, %reduce_max3A_1956 : vector<16xi32>
        %reduce_max3A_1960 = vector.extract %reduce_max3A_1959[15] : i32 from vector<16xi32>
        %add3A_1961 = vector.broadcast %add3A_1946 : i32 to vector<16xi32>
        %add3A_1962 = arith.addi %shift_right_arithmetic3A_7, %add3A_1961 : vector<16xi32>
        %gather3A_1963 = tpu.vector_load_idx %arg8[%add3A_1962] : memref<512xi32, #tpu.memory_space<vmem>>[vector<16xi32>], vector<16xi32>,
        %shift_right_arithmetic3A_1964 = arith.constant 7 : i32
        %shift_right_arithmetic3A_1965 = vector.broadcast %shift_right_arithmetic3A_1964 : i32 to vector<16xi32>
        %shift_right_arithmetic3A_1966 = arith.shrsi %gather3A_1963, %shift_right_arithmetic3A_1965 : vector<16xi32>
        %reduce_max3A_1967 = arith.constant true
        %reduce_max3A_1968 = vector.broadcast %reduce_max3A_1967 : i1 to vector<16xi1>
        %reduce_max3A_1969 = arith.constant -2147483648 : i32
        %reduce_max3A_1970 = vector.broadcast %reduce_max3A_1969 : i32 to vector<16xi32>
        %reduce_max3A_1971 = arith.xori %shift_right_arithmetic3A_1966, %reduce_max3A_1970 : vector<16xi32>
        %reduce_max3A_1972 = tpu.scan <max>, %reduce_max3A_1971 masked %reduce_max3A_1968 : vector<16xi32>, vector<16xi1> -> vector<16xi32>
        %reduce_max3A_1973 = arith.xori %reduce_max3A_1972, %reduce_max3A_1970 : vector<16xi32>
        %reduce_max3A_1974 = vector.extract %reduce_max3A_1973[15] : i32 from vector<16xi32>
        %mul3A_1975 = arith.constant 128 : i32
        %mul3A_1976 = arith.muli %reduce_max3A_1960, %mul3A_1975 : i32
        %multiple_of3A_1977 = tpu.assume_multiple %mul3A_1976, 128 : i32
        %mul3A_1978 = arith.constant 128 : i32
        %mul3A_1979 = arith.muli %reduce_max3A_1974, %mul3A_1978 : i32
        %multiple_of3A_1980 = tpu.assume_multiple %mul3A_1979, 128 : i32
        %dma_start3A_1981 = arith.constant 3 : i32
        %dma_start3A_1982 = arith.constant 0 : i32
        %dma_start3A_1983 = arith.constant 0 : i32
        %dma_start3A_1984 = tpu.memref_slice %arg9[%dma_start3A_1981, %dma_start3A_1982, %dma_start3A_1983] : memref<7x64x128xf32, #tpu.memory_space<vmem>> -> memref<1x64x128xf32, #tpu.memory_space<vmem>>
        %dma_start3A_1985 = tpu.memref_squeeze %dma_start3A_1984 : memref<1x64x128xf32, #tpu.memory_space<vmem>> -> memref<64x128xf32, #tpu.memory_space<vmem>>
        %dma_start3A_1986 = arith.constant 0 : i32
        %dma_start3A_1987 = tpu.memref_slice %arg4[%dma_start3A_1986, %multiple_of3A_1977] : memref<64x1000000xf32, #tpu.memory_space<hbm>> -> memref<64x128xf32, #tpu.memory_space<hbm>>
        %dma_start3A_1988 = arith.constant 0 : i32
        %dma_start3A_1989 = arith.constant 0 : i32
        %dma_start3A_1990 = tpu.memref_slice %arg9[%dma_start3A_1981, %dma_start3A_1988, %dma_start3A_1989] : memref<7x64x128xf32, #tpu.memory_space<vmem>> -> memref<1x64x128xf32, #tpu.memory_space<vmem>>
        %dma_start3A_1991 = tpu.memref_squeeze %dma_start3A_1990 : memref<1x64x128xf32, #tpu.memory_space<vmem>> -> memref<64x128xf32, #tpu.memory_space<vmem>>
        %dma_start3A_1992 = arith.constant 0 : i32
        %dma_start3A_1993 = tpu.memref_slice %arg4[%dma_start3A_1992, %multiple_of3A_1977] : memref<64x1000000xf32, #tpu.memory_space<hbm>> -> memref<64x128xf32, #tpu.memory_space<hbm>>
        tpu.enqueue_dma source(%dma_start3A_1993 : memref<64x128xf32, #tpu.memory_space<hbm>>) target(%dma_start3A_1991 : memref<64x128xf32, #tpu.memory_space<vmem>>) target_semaphore(%arg15 : memref<!tpu.dma_semaphore, #tpu.memory_space<semaphore_mem>>)
        %dma_start3A_1994 = arith.constant 3 : i32
        %dma_start3A_1995 = arith.constant 0 : i32
        %dma_start3A_1996 = arith.constant 0 : i32
        %dma_start3A_1997 = tpu.memref_slice %arg10[%dma_start3A_1994, %dma_start3A_1995, %dma_start3A_1996] : memref<7x64x128xf32, #tpu.memory_space<vmem>> -> memref<1x64x128xf32, #tpu.memory_space<vmem>>
        %dma_start3A_1998 = tpu.memref_squeeze %dma_start3A_1997 : memref<1x64x128xf32, #tpu.memory_space<vmem>> -> memref<64x128xf32, #tpu.memory_space<vmem>>
        %dma_start3A_1999 = arith.constant 0 : i32
        %dma_start3A_2000 = tpu.memref_slice %arg5[%dma_start3A_1999, %multiple_of3A_1980] : memref<64x1000000xf32, #tpu.memory_space<hbm>> -> memref<64x128xf32, #tpu.memory_space<hbm>>
        %dma_start3A_2001 = arith.constant 0 : i32
        %dma_start3A_2002 = arith.constant 0 : i32
        %dma_start3A_2003 = tpu.memref_slice %arg10[%dma_start3A_1994, %dma_start3A_2001, %dma_start3A_2002] : memref<7x64x128xf32, #tpu.memory_space<vmem>> -> memref<1x64x128xf32, #tpu.memory_space<vmem>>
        %dma_start3A_2004 = tpu.memref_squeeze %dma_start3A_2003 : memref<1x64x128xf32, #tpu.memory_space<vmem>> -> memref<64x128xf32, #tpu.memory_space<vmem>>
        %dma_start3A_2005 = arith.constant 0 : i32
        %dma_start3A_2006 = tpu.memref_slice %arg5[%dma_start3A_2005, %multiple_of3A_1980] : memref<64x1000000xf32, #tpu.memory_space<hbm>> -> memref<64x128xf32, #tpu.memory_space<hbm>>
        tpu.enqueue_dma source(%dma_start3A_2006 : memref<64x128xf32, #tpu.memory_space<hbm>>) target(%dma_start3A_2004 : memref<64x128xf32, #tpu.memory_space<vmem>>) target_semaphore(%arg15 : memref<!tpu.dma_semaphore, #tpu.memory_space<semaphore_mem>>)
        %mul3A_2007 = arith.constant 7 : i32
        %mul3A_2008 = arith.muli %scan3A_402, %mul3A_2007 : i32
        %add3A_2009 = arith.constant 4 : i32
        %add3A_2010 = arith.addi %mul3A_2008, %add3A_2009 : i32
        %add3A_2011 = vector.broadcast %add3A_2010 : i32 to vector<16xi32>
        %add3A_2012 = arith.addi %shift_right_arithmetic3A_7, %add3A_2011 : vector<16xi32>
        %gather3A_2013 = tpu.vector_load_idx %arg7[%add3A_2012] : memref<512xi32, #tpu.memory_space<vmem>>[vector<16xi32>], vector<16xi32>,
        %shift_right_arithmetic3A_2014 = arith.constant 7 : i32
        %shift_right_arithmetic3A_2015 = vector.broadcast %shift_right_arithmetic3A_2014 : i32 to vector<16xi32>
        %shift_right_arithmetic3A_2016 = arith.shrsi %gather3A_2013, %shift_right_arithmetic3A_2015 : vector<16xi32>
        %reduce_max3A_2017 = arith.constant true
        %reduce_max3A_2018 = vector.broadcast %reduce_max3A_2017 : i1 to vector<16xi1>
        %reduce_max3A_2019 = arith.constant -2147483648 : i32
        %reduce_max3A_2020 = vector.broadcast %reduce_max3A_2019 : i32 to vector<16xi32>
        %reduce_max3A_2021 = arith.xori %shift_right_arithmetic3A_2016, %reduce_max3A_2020 : vector<16xi32>
        %reduce_max3A_2022 = tpu.scan <max>, %reduce_max3A_2021 masked %reduce_max3A_2018 : vector<16xi32>, vector<16xi1> -> vector<16xi32>
        %reduce_max3A_2023 = arith.xori %reduce_max3A_2022, %reduce_max3A_2020 : vector<16xi32>
        %reduce_max3A_2024 = vector.extract %reduce_max3A_2023[15] : i32 from vector<16xi32>
        %add3A_2025 = vector.broadcast %add3A_2010 : i32 to vector<16xi32>
        %add3A_2026 = arith.addi %shift_right_arithmetic3A_7, %add3A_2025 : vector<16xi32>
        %gather3A_2027 = tpu.vector_load_idx %arg8[%add3A_2026] : memref<512xi32, #tpu.memory_space<vmem>>[vector<16xi32>], vector<16xi32>,
        %shift_right_arithmetic3A_2028 = arith.constant 7 : i32
        %shift_right_arithmetic3A_2029 = vector.broadcast %shift_right_arithmetic3A_2028 : i32 to vector<16xi32>
        %shift_right_arithmetic3A_2030 = arith.shrsi %gather3A_2027, %shift_right_arithmetic3A_2029 : vector<16xi32>
        %reduce_max3A_2031 = arith.constant true
        %reduce_max3A_2032 = vector.broadcast %reduce_max3A_2031 : i1 to vector<16xi1>
        %reduce_max3A_2033 = arith.constant -2147483648 : i32
        %reduce_max3A_2034 = vector.broadcast %reduce_max3A_2033 : i32 to vector<16xi32>
        %reduce_max3A_2035 = arith.xori %shift_right_arithmetic3A_2030, %reduce_max3A_2034 : vector<16xi32>
        %reduce_max3A_2036 = tpu.scan <max>, %reduce_max3A_2035 masked %reduce_max3A_2032 : vector<16xi32>, vector<16xi1> -> vector<16xi32>
        %reduce_max3A_2037 = arith.xori %reduce_max3A_2036, %reduce_max3A_2034 : vector<16xi32>
        %reduce_max3A_2038 = vector.extract %reduce_max3A_2037[15] : i32 from vector<16xi32>
        %mul3A_2039 = arith.constant 128 : i32
        %mul3A_2040 = arith.muli %reduce_max3A_2024, %mul3A_2039 : i32
        %multiple_of3A_2041 = tpu.assume_multiple %mul3A_2040, 128 : i32
        %mul3A_2042 = arith.constant 128 : i32
        %mul3A_2043 = arith.muli %reduce_max3A_2038, %mul3A_2042 : i32
        %multiple_of3A_2044 = tpu.assume_multiple %mul3A_2043, 128 : i32
        %dma_start3A_2045 = arith.constant 4 : i32
        %dma_start3A_2046 = arith.constant 0 : i32
        %dma_start3A_2047 = arith.constant 0 : i32
        %dma_start3A_2048 = tpu.memref_slice %arg9[%dma_start3A_2045, %dma_start3A_2046, %dma_start3A_2047] : memref<7x64x128xf32, #tpu.memory_space<vmem>> -> memref<1x64x128xf32, #tpu.memory_space<vmem>>
        %dma_start3A_2049 = tpu.memref_squeeze %dma_start3A_2048 : memref<1x64x128xf32, #tpu.memory_space<vmem>> -> memref<64x128xf32, #tpu.memory_space<vmem>>
        %dma_start3A_2050 = arith.constant 0 : i32
        %dma_start3A_2051 = tpu.memref_slice %arg4[%dma_start3A_2050, %multiple_of3A_2041] : memref<64x1000000xf32, #tpu.memory_space<hbm>> -> memref<64x128xf32, #tpu.memory_space<hbm>>
        %dma_start3A_2052 = arith.constant 0 : i32
        %dma_start3A_2053 = arith.constant 0 : i32
        %dma_start3A_2054 = tpu.memref_slice %arg9[%dma_start3A_2045, %dma_start3A_2052, %dma_start3A_2053] : memref<7x64x128xf32, #tpu.memory_space<vmem>> -> memref<1x64x128xf32, #tpu.memory_space<vmem>>
        %dma_start3A_2055 = tpu.memref_squeeze %dma_start3A_2054 : memref<1x64x128xf32, #tpu.memory_space<vmem>> -> memref<64x128xf32, #tpu.memory_space<vmem>>
        %dma_start3A_2056 = arith.constant 0 : i32
        %dma_start3A_2057 = tpu.memref_slice %arg4[%dma_start3A_2056, %multiple_of3A_2041] : memref<64x1000000xf32, #tpu.memory_space<hbm>> -> memref<64x128xf32, #tpu.memory_space<hbm>>
        tpu.enqueue_dma source(%dma_start3A_2057 : memref<64x128xf32, #tpu.memory_space<hbm>>) target(%dma_start3A_2055 : memref<64x128xf32, #tpu.memory_space<vmem>>) target_semaphore(%arg16 : memref<!tpu.dma_semaphore, #tpu.memory_space<semaphore_mem>>)
        %dma_start3A_2058 = arith.constant 4 : i32
        %dma_start3A_2059 = arith.constant 0 : i32
        %dma_start3A_2060 = arith.constant 0 : i32
        %dma_start3A_2061 = tpu.memref_slice %arg10[%dma_start3A_2058, %dma_start3A_2059, %dma_start3A_2060] : memref<7x64x128xf32, #tpu.memory_space<vmem>> -> memref<1x64x128xf32, #tpu.memory_space<vmem>>
        %dma_start3A_2062 = tpu.memref_squeeze %dma_start3A_2061 : memref<1x64x128xf32, #tpu.memory_space<vmem>> -> memref<64x128xf32, #tpu.memory_space<vmem>>
        %dma_start3A_2063 = arith.constant 0 : i32
        %dma_start3A_2064 = tpu.memref_slice %arg5[%dma_start3A_2063, %multiple_of3A_2044] : memref<64x1000000xf32, #tpu.memory_space<hbm>> -> memref<64x128xf32, #tpu.memory_space<hbm>>
        %dma_start3A_2065 = arith.constant 0 : i32
        %dma_start3A_2066 = arith.constant 0 : i32
        %dma_start3A_2067 = tpu.memref_slice %arg10[%dma_start3A_2058, %dma_start3A_2065, %dma_start3A_2066] : memref<7x64x128xf32, #tpu.memory_space<vmem>> -> memref<1x64x128xf32, #tpu.memory_space<vmem>>
        %dma_start3A_2068 = tpu.memref_squeeze %dma_start3A_2067 : memref<1x64x128xf32, #tpu.memory_space<vmem>> -> memref<64x128xf32, #tpu.memory_space<vmem>>
        %dma_start3A_2069 = arith.constant 0 : i32
        %dma_start3A_2070 = tpu.memref_slice %arg5[%dma_start3A_2069, %multiple_of3A_2044] : memref<64x1000000xf32, #tpu.memory_space<hbm>> -> memref<64x128xf32, #tpu.memory_space<hbm>>
        tpu.enqueue_dma source(%dma_start3A_2070 : memref<64x128xf32, #tpu.memory_space<hbm>>) target(%dma_start3A_2068 : memref<64x128xf32, #tpu.memory_space<vmem>>) target_semaphore(%arg16 : memref<!tpu.dma_semaphore, #tpu.memory_space<semaphore_mem>>)
        %mul3A_2071 = arith.constant 7 : i32
        %mul3A_2072 = arith.muli %scan3A_402, %mul3A_2071 : i32
        %add3A_2073 = arith.constant 5 : i32
        %add3A_2074 = arith.addi %mul3A_2072, %add3A_2073 : i32
        %add3A_2075 = vector.broadcast %add3A_2074 : i32 to vector<16xi32>
        %add3A_2076 = arith.addi %shift_right_arithmetic3A_7, %add3A_2075 : vector<16xi32>
        %gather3A_2077 = tpu.vector_load_idx %arg7[%add3A_2076] : memref<512xi32, #tpu.memory_space<vmem>>[vector<16xi32>], vector<16xi32>,
        %shift_right_arithmetic3A_2078 = arith.constant 7 : i32
        %shift_right_arithmetic3A_2079 = vector.broadcast %shift_right_arithmetic3A_2078 : i32 to vector<16xi32>
        %shift_right_arithmetic3A_2080 = arith.shrsi %gather3A_2077, %shift_right_arithmetic3A_2079 : vector<16xi32>
        %reduce_max3A_2081 = arith.constant true
        %reduce_max3A_2082 = vector.broadcast %reduce_max3A_2081 : i1 to vector<16xi1>
        %reduce_max3A_2083 = arith.constant -2147483648 : i32
        %reduce_max3A_2084 = vector.broadcast %reduce_max3A_2083 : i32 to vector<16xi32>
        %reduce_max3A_2085 = arith.xori %shift_right_arithmetic3A_2080, %reduce_max3A_2084 : vector<16xi32>
        %reduce_max3A_2086 = tpu.scan <max>, %reduce_max3A_2085 masked %reduce_max3A_2082 : vector<16xi32>, vector<16xi1> -> vector<16xi32>
        %reduce_max3A_2087 = arith.xori %reduce_max3A_2086, %reduce_max3A_2084 : vector<16xi32>
        %reduce_max3A_2088 = vector.extract %reduce_max3A_2087[15] : i32 from vector<16xi32>
        %add3A_2089 = vector.broadcast %add3A_2074 : i32 to vector<16xi32>
        %add3A_2090 = arith.addi %shift_right_arithmetic3A_7, %add3A_2089 : vector<16xi32>
        %gather3A_2091 = tpu.vector_load_idx %arg8[%add3A_2090] : memref<512xi32, #tpu.memory_space<vmem>>[vector<16xi32>], vector<16xi32>,
        %shift_right_arithmetic3A_2092 = arith.constant 7 : i32
        %shift_right_arithmetic3A_2093 = vector.broadcast %shift_right_arithmetic3A_2092 : i32 to vector<16xi32>
        %shift_right_arithmetic3A_2094 = arith.shrsi %gather3A_2091, %shift_right_arithmetic3A_2093 : vector<16xi32>
        %reduce_max3A_2095 = arith.constant true
        %reduce_max3A_2096 = vector.broadcast %reduce_max3A_2095 : i1 to vector<16xi1>
        %reduce_max3A_2097 = arith.constant -2147483648 : i32
        %reduce_max3A_2098 = vector.broadcast %reduce_max3A_2097 : i32 to vector<16xi32>
        %reduce_max3A_2099 = arith.xori %shift_right_arithmetic3A_2094, %reduce_max3A_2098 : vector<16xi32>
        %reduce_max3A_2100 = tpu.scan <max>, %reduce_max3A_2099 masked %reduce_max3A_2096 : vector<16xi32>, vector<16xi1> -> vector<16xi32>
        %reduce_max3A_2101 = arith.xori %reduce_max3A_2100, %reduce_max3A_2098 : vector<16xi32>
        %reduce_max3A_2102 = vector.extract %reduce_max3A_2101[15] : i32 from vector<16xi32>
        %mul3A_2103 = arith.constant 128 : i32
        %mul3A_2104 = arith.muli %reduce_max3A_2088, %mul3A_2103 : i32
        %multiple_of3A_2105 = tpu.assume_multiple %mul3A_2104, 128 : i32
        %mul3A_2106 = arith.constant 128 : i32
        %mul3A_2107 = arith.muli %reduce_max3A_2102, %mul3A_2106 : i32
        %multiple_of3A_2108 = tpu.assume_multiple %mul3A_2107, 128 : i32
        %dma_start3A_2109 = arith.constant 5 : i32
        %dma_start3A_2110 = arith.constant 0 : i32
        %dma_start3A_2111 = arith.constant 0 : i32
        %dma_start3A_2112 = tpu.memref_slice %arg9[%dma_start3A_2109, %dma_start3A_2110, %dma_start3A_2111] : memref<7x64x128xf32, #tpu.memory_space<vmem>> -> memref<1x64x128xf32, #tpu.memory_space<vmem>>
        %dma_start3A_2113 = tpu.memref_squeeze %dma_start3A_2112 : memref<1x64x128xf32, #tpu.memory_space<vmem>> -> memref<64x128xf32, #tpu.memory_space<vmem>>
        %dma_start3A_2114 = arith.constant 0 : i32
        %dma_start3A_2115 = tpu.memref_slice %arg4[%dma_start3A_2114, %multiple_of3A_2105] : memref<64x1000000xf32, #tpu.memory_space<hbm>> -> memref<64x128xf32, #tpu.memory_space<hbm>>
        %dma_start3A_2116 = arith.constant 0 : i32
        %dma_start3A_2117 = arith.constant 0 : i32
        %dma_start3A_2118 = tpu.memref_slice %arg9[%dma_start3A_2109, %dma_start3A_2116, %dma_start3A_2117] : memref<7x64x128xf32, #tpu.memory_space<vmem>> -> memref<1x64x128xf32, #tpu.memory_space<vmem>>
        %dma_start3A_2119 = tpu.memref_squeeze %dma_start3A_2118 : memref<1x64x128xf32, #tpu.memory_space<vmem>> -> memref<64x128xf32, #tpu.memory_space<vmem>>
        %dma_start3A_2120 = arith.constant 0 : i32
        %dma_start3A_2121 = tpu.memref_slice %arg4[%dma_start3A_2120, %multiple_of3A_2105] : memref<64x1000000xf32, #tpu.memory_space<hbm>> -> memref<64x128xf32, #tpu.memory_space<hbm>>
        tpu.enqueue_dma source(%dma_start3A_2121 : memref<64x128xf32, #tpu.memory_space<hbm>>) target(%dma_start3A_2119 : memref<64x128xf32, #tpu.memory_space<vmem>>) target_semaphore(%arg17 : memref<!tpu.dma_semaphore, #tpu.memory_space<semaphore_mem>>)
        %dma_start3A_2122 = arith.constant 5 : i32
        %dma_start3A_2123 = arith.constant 0 : i32
        %dma_start3A_2124 = arith.constant 0 : i32
        %dma_start3A_2125 = tpu.memref_slice %arg10[%dma_start3A_2122, %dma_start3A_2123, %dma_start3A_2124] : memref<7x64x128xf32, #tpu.memory_space<vmem>> -> memref<1x64x128xf32, #tpu.memory_space<vmem>>
        %dma_start3A_2126 = tpu.memref_squeeze %dma_start3A_2125 : memref<1x64x128xf32, #tpu.memory_space<vmem>> -> memref<64x128xf32, #tpu.memory_space<vmem>>
        %dma_start3A_2127 = arith.constant 0 : i32
        %dma_start3A_2128 = tpu.memref_slice %arg5[%dma_start3A_2127, %multiple_of3A_2108] : memref<64x1000000xf32, #tpu.memory_space<hbm>> -> memref<64x128xf32, #tpu.memory_space<hbm>>
        %dma_start3A_2129 = arith.constant 0 : i32
        %dma_start3A_2130 = arith.constant 0 : i32
        %dma_start3A_2131 = tpu.memref_slice %arg10[%dma_start3A_2122, %dma_start3A_2129, %dma_start3A_2130] : memref<7x64x128xf32, #tpu.memory_space<vmem>> -> memref<1x64x128xf32, #tpu.memory_space<vmem>>
        %dma_start3A_2132 = tpu.memref_squeeze %dma_start3A_2131 : memref<1x64x128xf32, #tpu.memory_space<vmem>> -> memref<64x128xf32, #tpu.memory_space<vmem>>
        %dma_start3A_2133 = arith.constant 0 : i32
        %dma_start3A_2134 = tpu.memref_slice %arg5[%dma_start3A_2133, %multiple_of3A_2108] : memref<64x1000000xf32, #tpu.memory_space<hbm>> -> memref<64x128xf32, #tpu.memory_space<hbm>>
        tpu.enqueue_dma source(%dma_start3A_2134 : memref<64x128xf32, #tpu.memory_space<hbm>>) target(%dma_start3A_2132 : memref<64x128xf32, #tpu.memory_space<vmem>>) target_semaphore(%arg17 : memref<!tpu.dma_semaphore, #tpu.memory_space<semaphore_mem>>)
        %mul3A_2135 = arith.constant 7 : i32
        %mul3A_2136 = arith.muli %scan3A_402, %mul3A_2135 : i32
        %add3A_2137 = arith.constant 6 : i32
        %add3A_2138 = arith.addi %mul3A_2136, %add3A_2137 : i32
        %add3A_2139 = vector.broadcast %add3A_2138 : i32 to vector<16xi32>
        %add3A_2140 = arith.addi %shift_right_arithmetic3A_7, %add3A_2139 : vector<16xi32>
        %gather3A_2141 = tpu.vector_load_idx %arg7[%add3A_2140] : memref<512xi32, #tpu.memory_space<vmem>>[vector<16xi32>], vector<16xi32>,
        %shift_right_arithmetic3A_2142 = arith.constant 7 : i32
        %shift_right_arithmetic3A_2143 = vector.broadcast %shift_right_arithmetic3A_2142 : i32 to vector<16xi32>
        %shift_right_arithmetic3A_2144 = arith.shrsi %gather3A_2141, %shift_right_arithmetic3A_2143 : vector<16xi32>
        %reduce_max3A_2145 = arith.constant true
        %reduce_max3A_2146 = vector.broadcast %reduce_max3A_2145 : i1 to vector<16xi1>
        %reduce_max3A_2147 = arith.constant -2147483648 : i32
        %reduce_max3A_2148 = vector.broadcast %reduce_max3A_2147 : i32 to vector<16xi32>
        %reduce_max3A_2149 = arith.xori %shift_right_arithmetic3A_2144, %reduce_max3A_2148 : vector<16xi32>
        %reduce_max3A_2150 = tpu.scan <max>, %reduce_max3A_2149 masked %reduce_max3A_2146 : vector<16xi32>, vector<16xi1> -> vector<16xi32>
        %reduce_max3A_2151 = arith.xori %reduce_max3A_2150, %reduce_max3A_2148 : vector<16xi32>
        %reduce_max3A_2152 = vector.extract %reduce_max3A_2151[15] : i32 from vector<16xi32>
        %add3A_2153 = vector.broadcast %add3A_2138 : i32 to vector<16xi32>
        %add3A_2154 = arith.addi %shift_right_arithmetic3A_7, %add3A_2153 : vector<16xi32>
        %gather3A_2155 = tpu.vector_load_idx %arg8[%add3A_2154] : memref<512xi32, #tpu.memory_space<vmem>>[vector<16xi32>], vector<16xi32>,
        %shift_right_arithmetic3A_2156 = arith.constant 7 : i32
        %shift_right_arithmetic3A_2157 = vector.broadcast %shift_right_arithmetic3A_2156 : i32 to vector<16xi32>
        %shift_right_arithmetic3A_2158 = arith.shrsi %gather3A_2155, %shift_right_arithmetic3A_2157 : vector<16xi32>
        %reduce_max3A_2159 = arith.constant true
        %reduce_max3A_2160 = vector.broadcast %reduce_max3A_2159 : i1 to vector<16xi1>
        %reduce_max3A_2161 = arith.constant -2147483648 : i32
        %reduce_max3A_2162 = vector.broadcast %reduce_max3A_2161 : i32 to vector<16xi32>
        %reduce_max3A_2163 = arith.xori %shift_right_arithmetic3A_2158, %reduce_max3A_2162 : vector<16xi32>
        %reduce_max3A_2164 = tpu.scan <max>, %reduce_max3A_2163 masked %reduce_max3A_2160 : vector<16xi32>, vector<16xi1> -> vector<16xi32>
        %reduce_max3A_2165 = arith.xori %reduce_max3A_2164, %reduce_max3A_2162 : vector<16xi32>
        %reduce_max3A_2166 = vector.extract %reduce_max3A_2165[15] : i32 from vector<16xi32>
        %mul3A_2167 = arith.constant 128 : i32
        %mul3A_2168 = arith.muli %reduce_max3A_2152, %mul3A_2167 : i32
        %multiple_of3A_2169 = tpu.assume_multiple %mul3A_2168, 128 : i32
        %mul3A_2170 = arith.constant 128 : i32
        %mul3A_2171 = arith.muli %reduce_max3A_2166, %mul3A_2170 : i32
        %multiple_of3A_2172 = tpu.assume_multiple %mul3A_2171, 128 : i32
        %dma_start3A_2173 = arith.constant 6 : i32
        %dma_start3A_2174 = arith.constant 0 : i32
        %dma_start3A_2175 = arith.constant 0 : i32
        %dma_start3A_2176 = tpu.memref_slice %arg9[%dma_start3A_2173, %dma_start3A_2174, %dma_start3A_2175] : memref<7x64x128xf32, #tpu.memory_space<vmem>> -> memref<1x64x128xf32, #tpu.memory_space<vmem>>
        %dma_start3A_2177 = tpu.memref_squeeze %dma_start3A_2176 : memref<1x64x128xf32, #tpu.memory_space<vmem>> -> memref<64x128xf32, #tpu.memory_space<vmem>>
        %dma_start3A_2178 = arith.constant 0 : i32
        %dma_start3A_2179 = tpu.memref_slice %arg4[%dma_start3A_2178, %multiple_of3A_2169] : memref<64x1000000xf32, #tpu.memory_space<hbm>> -> memref<64x128xf32, #tpu.memory_space<hbm>>
        %dma_start3A_2180 = arith.constant 0 : i32
        %dma_start3A_2181 = arith.constant 0 : i32
        %dma_start3A_2182 = tpu.memref_slice %arg9[%dma_start3A_2173, %dma_start3A_2180, %dma_start3A_2181] : memref<7x64x128xf32, #tpu.memory_space<vmem>> -> memref<1x64x128xf32, #tpu.memory_space<vmem>>
        %dma_start3A_2183 = tpu.memref_squeeze %dma_start3A_2182 : memref<1x64x128xf32, #tpu.memory_space<vmem>> -> memref<64x128xf32, #tpu.memory_space<vmem>>
        %dma_start3A_2184 = arith.constant 0 : i32
        %dma_start3A_2185 = tpu.memref_slice %arg4[%dma_start3A_2184, %multiple_of3A_2169] : memref<64x1000000xf32, #tpu.memory_space<hbm>> -> memref<64x128xf32, #tpu.memory_space<hbm>>
        tpu.enqueue_dma source(%dma_start3A_2185 : memref<64x128xf32, #tpu.memory_space<hbm>>) target(%dma_start3A_2183 : memref<64x128xf32, #tpu.memory_space<vmem>>) target_semaphore(%arg18 : memref<!tpu.dma_semaphore, #tpu.memory_space<semaphore_mem>>)
        %dma_start3A_2186 = arith.constant 6 : i32
        %dma_start3A_2187 = arith.constant 0 : i32
        %dma_start3A_2188 = arith.constant 0 : i32
        %dma_start3A_2189 = tpu.memref_slice %arg10[%dma_start3A_2186, %dma_start3A_2187, %dma_start3A_2188] : memref<7x64x128xf32, #tpu.memory_space<vmem>> -> memref<1x64x128xf32, #tpu.memory_space<vmem>>
        %dma_start3A_2190 = tpu.memref_squeeze %dma_start3A_2189 : memref<1x64x128xf32, #tpu.memory_space<vmem>> -> memref<64x128xf32, #tpu.memory_space<vmem>>
        %dma_start3A_2191 = arith.constant 0 : i32
        %dma_start3A_2192 = tpu.memref_slice %arg5[%dma_start3A_2191, %multiple_of3A_2172] : memref<64x1000000xf32, #tpu.memory_space<hbm>> -> memref<64x128xf32, #tpu.memory_space<hbm>>
        %dma_start3A_2193 = arith.constant 0 : i32
        %dma_start3A_2194 = arith.constant 0 : i32
        %dma_start3A_2195 = tpu.memref_slice %arg10[%dma_start3A_2186, %dma_start3A_2193, %dma_start3A_2194] : memref<7x64x128xf32, #tpu.memory_space<vmem>> -> memref<1x64x128xf32, #tpu.memory_space<vmem>>
        %dma_start3A_2196 = tpu.memref_squeeze %dma_start3A_2195 : memref<1x64x128xf32, #tpu.memory_space<vmem>> -> memref<64x128xf32, #tpu.memory_space<vmem>>
        %dma_start3A_2197 = arith.constant 0 : i32
        %dma_start3A_2198 = tpu.memref_slice %arg5[%dma_start3A_2197, %multiple_of3A_2172] : memref<64x1000000xf32, #tpu.memory_space<hbm>> -> memref<64x128xf32, #tpu.memory_space<hbm>>
        tpu.enqueue_dma source(%dma_start3A_2198 : memref<64x128xf32, #tpu.memory_space<hbm>>) target(%dma_start3A_2196 : memref<64x128xf32, #tpu.memory_space<vmem>>) target_semaphore(%arg18 : memref<!tpu.dma_semaphore, #tpu.memory_space<semaphore_mem>>)
      } else {
      }
      %dma_wait3A_408 = arith.constant 0 : i32
      %dma_wait3A_409 = arith.constant 0 : i32
      %dma_wait3A_410 = arith.constant 0 : i32
      %dma_wait3A_411 = tpu.memref_slice %arg9[%dma_wait3A_408, %dma_wait3A_409, %dma_wait3A_410] : memref<7x64x128xf32, #tpu.memory_space<vmem>> -> memref<1x64x128xf32, #tpu.memory_space<vmem>>
      %dma_wait3A_412 = tpu.memref_squeeze %dma_wait3A_411 : memref<1x64x128xf32, #tpu.memory_space<vmem>> -> memref<64x128xf32, #tpu.memory_space<vmem>>
      %dma_wait3A_413 = arith.constant 0 : i32
      %dma_wait3A_414 = arith.constant 0 : i32
      %dma_wait3A_415 = tpu.memref_slice %arg4[%dma_wait3A_413, %dma_wait3A_414] : memref<64x1000000xf32, #tpu.memory_space<hbm>> -> memref<64x128xf32, #tpu.memory_space<hbm>>
      %dma_wait3A_416 = arith.constant 0 : i32
      %dma_wait3A_417 = arith.constant 0 : i32
      %dma_wait3A_418 = tpu.memref_slice %arg9[%dma_wait3A_408, %dma_wait3A_416, %dma_wait3A_417] : memref<7x64x128xf32, #tpu.memory_space<vmem>> -> memref<1x64x128xf32, #tpu.memory_space<vmem>>
      %dma_wait3A_419 = tpu.memref_squeeze %dma_wait3A_418 : memref<1x64x128xf32, #tpu.memory_space<vmem>> -> memref<64x128xf32, #tpu.memory_space<vmem>>
      %dma_wait3A_420 = arith.constant 0 : i32
      %dma_wait3A_421 = arith.constant 0 : i32
      %dma_wait3A_422 = tpu.memref_slice %arg4[%dma_wait3A_420, %dma_wait3A_421] : memref<64x1000000xf32, #tpu.memory_space<hbm>> -> memref<64x128xf32, #tpu.memory_space<hbm>>
      tpu.wait_dma2 semaphore(%arg12 : memref<!tpu.dma_semaphore, #tpu.memory_space<semaphore_mem>>) src(%dma_wait3A_422 : memref<64x128xf32, #tpu.memory_space<hbm>>) dst(%dma_wait3A_419 : memref<64x128xf32, #tpu.memory_space<vmem>>)
      %dma_wait3A_423 = arith.constant 0 : i32
      %dma_wait3A_424 = arith.constant 0 : i32
      %dma_wait3A_425 = arith.constant 0 : i32
      %dma_wait3A_426 = tpu.memref_slice %arg10[%dma_wait3A_423, %dma_wait3A_424, %dma_wait3A_425] : memref<7x64x128xf32, #tpu.memory_space<vmem>> -> memref<1x64x128xf32, #tpu.memory_space<vmem>>
      %dma_wait3A_427 = tpu.memref_squeeze %dma_wait3A_426 : memref<1x64x128xf32, #tpu.memory_space<vmem>> -> memref<64x128xf32, #tpu.memory_space<vmem>>
      %dma_wait3A_428 = arith.constant 0 : i32
      %dma_wait3A_429 = arith.constant 0 : i32
      %dma_wait3A_430 = tpu.memref_slice %arg5[%dma_wait3A_428, %dma_wait3A_429] : memref<64x1000000xf32, #tpu.memory_space<hbm>> -> memref<64x128xf32, #tpu.memory_space<hbm>>
      %dma_wait3A_431 = arith.constant 0 : i32
      %dma_wait3A_432 = arith.constant 0 : i32
      %dma_wait3A_433 = tpu.memref_slice %arg10[%dma_wait3A_423, %dma_wait3A_431, %dma_wait3A_432] : memref<7x64x128xf32, #tpu.memory_space<vmem>> -> memref<1x64x128xf32, #tpu.memory_space<vmem>>
      %dma_wait3A_434 = tpu.memref_squeeze %dma_wait3A_433 : memref<1x64x128xf32, #tpu.memory_space<vmem>> -> memref<64x128xf32, #tpu.memory_space<vmem>>
      %dma_wait3A_435 = arith.constant 0 : i32
      %dma_wait3A_436 = arith.constant 0 : i32
      %dma_wait3A_437 = tpu.memref_slice %arg5[%dma_wait3A_435, %dma_wait3A_436] : memref<64x1000000xf32, #tpu.memory_space<hbm>> -> memref<64x128xf32, #tpu.memory_space<hbm>>
      tpu.wait_dma2 semaphore(%arg12 : memref<!tpu.dma_semaphore, #tpu.memory_space<semaphore_mem>>) src(%dma_wait3A_437 : memref<64x128xf32, #tpu.memory_space<hbm>>) dst(%dma_wait3A_434 : memref<64x128xf32, #tpu.memory_space<vmem>>)
      %add3A_438 = arith.constant 0 : i32
      %add3A_439 = arith.addi %mul3A_404, %add3A_438 : i32
      %add3A_440 = vector.broadcast %add3A_439 : i32 to vector<16xi32>
      %add3A_441 = arith.addi %shift_right_arithmetic3A_7, %add3A_440 : vector<16xi32>
      %gather3A_442 = tpu.vector_load_idx %arg7[%add3A_441] : memref<512xi32, #tpu.memory_space<vmem>>[vector<16xi32>], vector<16xi32>,
      %and3A_443 = arith.constant 127 : i32
      %and3A_444 = vector.broadcast %and3A_443 : i32 to vector<16xi32>
      %and3A_445 = arith.andi %gather3A_442, %and3A_444 : vector<16xi32>
      %add3A_446 = vector.broadcast %add3A_439 : i32 to vector<16xi32>
      %add3A_447 = arith.addi %shift_right_arithmetic3A_7, %add3A_446 : vector<16xi32>
      %gather3A_448 = tpu.vector_load_idx %arg8[%add3A_447] : memref<512xi32, #tpu.memory_space<vmem>>[vector<16xi32>], vector<16xi32>,
      %and3A_449 = arith.constant 127 : i32
      %and3A_450 = vector.broadcast %and3A_449 : i32 to vector<16xi32>
      %and3A_451 = arith.andi %gather3A_448, %and3A_450 : vector<16xi32>
      %broadcast_in_dim3A_452 = arith.constant 0.000000e+00 : f32
      %broadcast_in_dim3A_453 = vector.broadcast %broadcast_in_dim3A_452 : f32 to vector<16xf32>
      %add3A_454 = arith.constant 0 : i32
      %add3A_455 = vector.broadcast %add3A_454 : i32 to vector<16xi32>
      %add3A_456 = arith.addi %iota3A, %add3A_455 : vector<16xi32>
      %gather3A_457 = arith.constant 0 : i32
      %gather3A_458 = arith.constant 0 : i32
      %gather3A_459 = arith.constant 0 : i32
      %gather3A_460 = tpu.memref_slice %arg9[%gather3A_457, %gather3A_458, %gather3A_459] : memref<7x64x128xf32, #tpu.memory_space<vmem>> -> memref<1x64x128xf32, #tpu.memory_space<vmem>>
      %gather3A_461 = tpu.memref_squeeze %gather3A_460 : memref<1x64x128xf32, #tpu.memory_space<vmem>> -> memref<64x128xf32, #tpu.memory_space<vmem>>
      %gather3A_462 = tpu.vector_load_idx %gather3A_461[%add3A_456, %and3A_445] : memref<64x128xf32, #tpu.memory_space<vmem>>[vector<16xi32>, vector<16xi32>], vector<16xf32>,
      %gather3A_463 = arith.constant 0 : i32
      %gather3A_464 = arith.constant 0 : i32
      %gather3A_465 = arith.constant 0 : i32
      %gather3A_466 = tpu.memref_slice %arg10[%gather3A_463, %gather3A_464, %gather3A_465] : memref<7x64x128xf32, #tpu.memory_space<vmem>> -> memref<1x64x128xf32, #tpu.memory_space<vmem>>
      %gather3A_467 = tpu.memref_squeeze %gather3A_466 : memref<1x64x128xf32, #tpu.memory_space<vmem>> -> memref<64x128xf32, #tpu.memory_space<vmem>>
      %gather3A_468 = tpu.vector_load_idx %gather3A_467[%add3A_456, %and3A_451] : memref<64x128xf32, #tpu.memory_space<vmem>>[vector<16xi32>, vector<16xi32>], vector<16xf32>,
      %mul3A_469 = arith.mulf %gather3A_462, %gather3A_468 : vector<16xf32>
      %add3A_470 = arith.addf %broadcast_in_dim3A_453, %mul3A_469 : vector<16xf32>
      %add3A_471 = arith.constant 16 : i32
      %add3A_472 = vector.broadcast %add3A_471 : i32 to vector<16xi32>
      %add3A_473 = arith.addi %iota3A, %add3A_472 : vector<16xi32>
      %gather3A_474 = arith.constant 0 : i32
      %gather3A_475 = arith.constant 0 : i32
      %gather3A_476 = arith.constant 0 : i32
      %gather3A_477 = tpu.memref_slice %arg9[%gather3A_474, %gather3A_475, %gather3A_476] : memref<7x64x128xf32, #tpu.memory_space<vmem>> -> memref<1x64x128xf32, #tpu.memory_space<vmem>>
      %gather3A_478 = tpu.memref_squeeze %gather3A_477 : memref<1x64x128xf32, #tpu.memory_space<vmem>> -> memref<64x128xf32, #tpu.memory_space<vmem>>
      %gather3A_479 = tpu.vector_load_idx %gather3A_478[%add3A_473, %and3A_445] : memref<64x128xf32, #tpu.memory_space<vmem>>[vector<16xi32>, vector<16xi32>], vector<16xf32>,
      %gather3A_480 = arith.constant 0 : i32
      %gather3A_481 = arith.constant 0 : i32
      %gather3A_482 = arith.constant 0 : i32
      %gather3A_483 = tpu.memref_slice %arg10[%gather3A_480, %gather3A_481, %gather3A_482] : memref<7x64x128xf32, #tpu.memory_space<vmem>> -> memref<1x64x128xf32, #tpu.memory_space<vmem>>
      %gather3A_484 = tpu.memref_squeeze %gather3A_483 : memref<1x64x128xf32, #tpu.memory_space<vmem>> -> memref<64x128xf32, #tpu.memory_space<vmem>>
      %gather3A_485 = tpu.vector_load_idx %gather3A_484[%add3A_473, %and3A_451] : memref<64x128xf32, #tpu.memory_space<vmem>>[vector<16xi32>, vector<16xi32>], vector<16xf32>,
      %mul3A_486 = arith.mulf %gather3A_479, %gather3A_485 : vector<16xf32>
      %add3A_487 = arith.addf %add3A_470, %mul3A_486 : vector<16xf32>
      %add3A_488 = arith.constant 32 : i32
      %add3A_489 = vector.broadcast %add3A_488 : i32 to vector<16xi32>
      %add3A_490 = arith.addi %iota3A, %add3A_489 : vector<16xi32>
      %gather3A_491 = arith.constant 0 : i32
      %gather3A_492 = arith.constant 0 : i32
      %gather3A_493 = arith.constant 0 : i32
      %gather3A_494 = tpu.memref_slice %arg9[%gather3A_491, %gather3A_492, %gather3A_493] : memref<7x64x128xf32, #tpu.memory_space<vmem>> -> memref<1x64x128xf32, #tpu.memory_space<vmem>>
      %gather3A_495 = tpu.memref_squeeze %gather3A_494 : memref<1x64x128xf32, #tpu.memory_space<vmem>> -> memref<64x128xf32, #tpu.memory_space<vmem>>
      %gather3A_496 = tpu.vector_load_idx %gather3A_495[%add3A_490, %and3A_445] : memref<64x128xf32, #tpu.memory_space<vmem>>[vector<16xi32>, vector<16xi32>], vector<16xf32>,
      %gather3A_497 = arith.constant 0 : i32
      %gather3A_498 = arith.constant 0 : i32
      %gather3A_499 = arith.constant 0 : i32
      %gather3A_500 = tpu.memref_slice %arg10[%gather3A_497, %gather3A_498, %gather3A_499] : memref<7x64x128xf32, #tpu.memory_space<vmem>> -> memref<1x64x128xf32, #tpu.memory_space<vmem>>
      %gather3A_501 = tpu.memref_squeeze %gather3A_500 : memref<1x64x128xf32, #tpu.memory_space<vmem>> -> memref<64x128xf32, #tpu.memory_space<vmem>>
      %gather3A_502 = tpu.vector_load_idx %gather3A_501[%add3A_490, %and3A_451] : memref<64x128xf32, #tpu.memory_space<vmem>>[vector<16xi32>, vector<16xi32>], vector<16xf32>,
      %mul3A_503 = arith.mulf %gather3A_496, %gather3A_502 : vector<16xf32>
      %add3A_504 = arith.addf %add3A_487, %mul3A_503 : vector<16xf32>
      %add3A_505 = arith.constant 48 : i32
      %add3A_506 = vector.broadcast %add3A_505 : i32 to vector<16xi32>
      %add3A_507 = arith.addi %iota3A, %add3A_506 : vector<16xi32>
      %gather3A_508 = arith.constant 0 : i32
      %gather3A_509 = arith.constant 0 : i32
      %gather3A_510 = arith.constant 0 : i32
      %gather3A_511 = tpu.memref_slice %arg9[%gather3A_508, %gather3A_509, %gather3A_510] : memref<7x64x128xf32, #tpu.memory_space<vmem>> -> memref<1x64x128xf32, #tpu.memory_space<vmem>>
      %gather3A_512 = tpu.memref_squeeze %gather3A_511 : memref<1x64x128xf32, #tpu.memory_space<vmem>> -> memref<64x128xf32, #tpu.memory_space<vmem>>
      %gather3A_513 = tpu.vector_load_idx %gather3A_512[%add3A_507, %and3A_445] : memref<64x128xf32, #tpu.memory_space<vmem>>[vector<16xi32>, vector<16xi32>], vector<16xf32>,
      %gather3A_514 = arith.constant 0 : i32
      %gather3A_515 = arith.constant 0 : i32
      %gather3A_516 = arith.constant 0 : i32
      %gather3A_517 = tpu.memref_slice %arg10[%gather3A_514, %gather3A_515, %gather3A_516] : memref<7x64x128xf32, #tpu.memory_space<vmem>> -> memref<1x64x128xf32, #tpu.memory_space<vmem>>
      %gather3A_518 = tpu.memref_squeeze %gather3A_517 : memref<1x64x128xf32, #tpu.memory_space<vmem>> -> memref<64x128xf32, #tpu.memory_space<vmem>>
      %gather3A_519 = tpu.vector_load_idx %gather3A_518[%add3A_507, %and3A_451] : memref<64x128xf32, #tpu.memory_space<vmem>>[vector<16xi32>, vector<16xi32>], vector<16xf32>,
      %mul3A_520 = arith.mulf %gather3A_513, %gather3A_519 : vector<16xf32>
      %add3A_521 = arith.addf %add3A_504, %mul3A_520 : vector<16xf32>
      %reduce_sum3A_522 = arith.constant true
      %reduce_sum3A_523 = vector.broadcast %reduce_sum3A_522 : i1 to vector<16xi1>
      %reduce_sum3A_524 = tpu.scan <sum>, %add3A_521 masked %reduce_sum3A_523 : vector<16xf32>, vector<16xi1> -> vector<16xf32>
      %reduce_sum3A_525 = vector.extract %reduce_sum3A_524[15] : f32 from vector<16xf32>
      %broadcast_in_dim3A_526 = arith.constant 0 : i32
      %broadcast_in_dim3A_527 = vector.broadcast %broadcast_in_dim3A_526 : i32 to vector<16xi32>
      %add3A_528 = vector.broadcast %add3A_439 : i32 to vector<16xi32>
      %add3A_529 = arith.addi %broadcast_in_dim3A_527, %add3A_528 : vector<16xi32>
      %broadcast_in_dim3A_530 = arith.constant 0.000000e+00 : f32
      %broadcast_in_dim3A_531 = vector.broadcast %broadcast_in_dim3A_530 : f32 to vector<16xf32>
      %add3A_532 = vector.broadcast %reduce_sum3A_525 : f32 to vector<16xf32>
      %add3A_533 = arith.addf %broadcast_in_dim3A_531, %add3A_532 : vector<16xf32>
      tpu.vector_store_idx %arg11[%add3A_529], %add3A_533 masked %eq3A_4 : memref<512xf32, #tpu.memory_space<vmem>>[vector<16xi32>], vector<16xf32>, vector<16xi1>
      %add3A_534 = arith.constant 0 : i32
      %add3A_535 = arith.addi %mul3A_404, %add3A_534 : i32
      %add3A_536 = arith.constant 7 : i32
      %add3A_537 = arith.addi %add3A_535, %add3A_536 : i32
      %min3A = arith.constant 510 : i32
      %min3A_538 = arith.minsi %add3A_537, %min3A : i32
      %add3A_539 = vector.broadcast %min3A_538 : i32 to vector<16xi32>
      %add3A_540 = arith.addi %shift_right_arithmetic3A_7, %add3A_539 : vector<16xi32>
      %gather3A_541 = tpu.vector_load_idx %arg7[%add3A_540] : memref<512xi32, #tpu.memory_space<vmem>>[vector<16xi32>], vector<16xi32>,
      %shift_right_arithmetic3A_542 = arith.constant 7 : i32
      %shift_right_arithmetic3A_543 = vector.broadcast %shift_right_arithmetic3A_542 : i32 to vector<16xi32>
      %shift_right_arithmetic3A_544 = arith.shrsi %gather3A_541, %shift_right_arithmetic3A_543 : vector<16xi32>
      %reduce_max3A_545 = arith.constant true
      %reduce_max3A_546 = vector.broadcast %reduce_max3A_545 : i1 to vector<16xi1>
      %reduce_max3A_547 = arith.constant -2147483648 : i32
      %reduce_max3A_548 = vector.broadcast %reduce_max3A_547 : i32 to vector<16xi32>
      %reduce_max3A_549 = arith.xori %shift_right_arithmetic3A_544, %reduce_max3A_548 : vector<16xi32>
      %reduce_max3A_550 = tpu.scan <max>, %reduce_max3A_549 masked %reduce_max3A_546 : vector<16xi32>, vector<16xi1> -> vector<16xi32>
      %reduce_max3A_551 = arith.xori %reduce_max3A_550, %reduce_max3A_548 : vector<16xi32>
      %reduce_max3A_552 = vector.extract %reduce_max3A_551[15] : i32 from vector<16xi32>
      %add3A_553 = vector.broadcast %min3A_538 : i32 to vector<16xi32>
      %add3A_554 = arith.addi %shift_right_arithmetic3A_7, %add3A_553 : vector<16xi32>
      %gather3A_555 = tpu.vector_load_idx %arg8[%add3A_554] : memref<512xi32, #tpu.memory_space<vmem>>[vector<16xi32>], vector<16xi32>,
      %shift_right_arithmetic3A_556 = arith.constant 7 : i32
      %shift_right_arithmetic3A_557 = vector.broadcast %shift_right_arithmetic3A_556 : i32 to vector<16xi32>
      %shift_right_arithmetic3A_558 = arith.shrsi %gather3A_555, %shift_right_arithmetic3A_557 : vector<16xi32>
      %reduce_max3A_559 = arith.constant true
      %reduce_max3A_560 = vector.broadcast %reduce_max3A_559 : i1 to vector<16xi1>
      %reduce_max3A_561 = arith.constant -2147483648 : i32
      %reduce_max3A_562 = vector.broadcast %reduce_max3A_561 : i32 to vector<16xi32>
      %reduce_max3A_563 = arith.xori %shift_right_arithmetic3A_558, %reduce_max3A_562 : vector<16xi32>
      %reduce_max3A_564 = tpu.scan <max>, %reduce_max3A_563 masked %reduce_max3A_560 : vector<16xi32>, vector<16xi1> -> vector<16xi32>
      %reduce_max3A_565 = arith.xori %reduce_max3A_564, %reduce_max3A_562 : vector<16xi32>
      %reduce_max3A_566 = vector.extract %reduce_max3A_565[15] : i32 from vector<16xi32>
      %mul3A_567 = arith.constant 128 : i32
      %mul3A_568 = arith.muli %reduce_max3A_552, %mul3A_567 : i32
      %multiple_of3A_569 = tpu.assume_multiple %mul3A_568, 128 : i32
      %mul3A_570 = arith.constant 128 : i32
      %mul3A_571 = arith.muli %reduce_max3A_566, %mul3A_570 : i32
      %multiple_of3A_572 = tpu.assume_multiple %mul3A_571, 128 : i32
      %dma_start3A_573 = arith.constant 0 : i32
      %dma_start3A_574 = arith.constant 0 : i32
      %dma_start3A_575 = arith.constant 0 : i32
      %dma_start3A_576 = tpu.memref_slice %arg9[%dma_start3A_573, %dma_start3A_574, %dma_start3A_575] : memref<7x64x128xf32, #tpu.memory_space<vmem>> -> memref<1x64x128xf32, #tpu.memory_space<vmem>>
      %dma_start3A_577 = tpu.memref_squeeze %dma_start3A_576 : memref<1x64x128xf32, #tpu.memory_space<vmem>> -> memref<64x128xf32, #tpu.memory_space<vmem>>
      %dma_start3A_578 = arith.constant 0 : i32
      %dma_start3A_579 = tpu.memref_slice %arg4[%dma_start3A_578, %multiple_of3A_569] : memref<64x1000000xf32, #tpu.memory_space<hbm>> -> memref<64x128xf32, #tpu.memory_space<hbm>>
      %dma_start3A_580 = arith.constant 0 : i32
      %dma_start3A_581 = arith.constant 0 : i32
      %dma_start3A_582 = tpu.memref_slice %arg9[%dma_start3A_573, %dma_start3A_580, %dma_start3A_581] : memref<7x64x128xf32, #tpu.memory_space<vmem>> -> memref<1x64x128xf32, #tpu.memory_space<vmem>>
      %dma_start3A_583 = tpu.memref_squeeze %dma_start3A_582 : memref<1x64x128xf32, #tpu.memory_space<vmem>> -> memref<64x128xf32, #tpu.memory_space<vmem>>
      %dma_start3A_584 = arith.constant 0 : i32
      %dma_start3A_585 = tpu.memref_slice %arg4[%dma_start3A_584, %multiple_of3A_569] : memref<64x1000000xf32, #tpu.memory_space<hbm>> -> memref<64x128xf32, #tpu.memory_space<hbm>>
      tpu.enqueue_dma source(%dma_start3A_585 : memref<64x128xf32, #tpu.memory_space<hbm>>) target(%dma_start3A_583 : memref<64x128xf32, #tpu.memory_space<vmem>>) target_semaphore(%arg12 : memref<!tpu.dma_semaphore, #tpu.memory_space<semaphore_mem>>)
      %dma_start3A_586 = arith.constant 0 : i32
      %dma_start3A_587 = arith.constant 0 : i32
      %dma_start3A_588 = arith.constant 0 : i32
      %dma_start3A_589 = tpu.memref_slice %arg10[%dma_start3A_586, %dma_start3A_587, %dma_start3A_588] : memref<7x64x128xf32, #tpu.memory_space<vmem>> -> memref<1x64x128xf32, #tpu.memory_space<vmem>>
      %dma_start3A_590 = tpu.memref_squeeze %dma_start3A_589 : memref<1x64x128xf32, #tpu.memory_space<vmem>> -> memref<64x128xf32, #tpu.memory_space<vmem>>
      %dma_start3A_591 = arith.constant 0 : i32
      %dma_start3A_592 = tpu.memref_slice %arg5[%dma_start3A_591, %multiple_of3A_572] : memref<64x1000000xf32, #tpu.memory_space<hbm>> -> memref<64x128xf32, #tpu.memory_space<hbm>>
      %dma_start3A_593 = arith.constant 0 : i32
      %dma_start3A_594 = arith.constant 0 : i32
      %dma_start3A_595 = tpu.memref_slice %arg10[%dma_start3A_586, %dma_start3A_593, %dma_start3A_594] : memref<7x64x128xf32, #tpu.memory_space<vmem>> -> memref<1x64x128xf32, #tpu.memory_space<vmem>>
      %dma_start3A_596 = tpu.memref_squeeze %dma_start3A_595 : memref<1x64x128xf32, #tpu.memory_space<vmem>> -> memref<64x128xf32, #tpu.memory_space<vmem>>
      %dma_start3A_597 = arith.constant 0 : i32
      %dma_start3A_598 = tpu.memref_slice %arg5[%dma_start3A_597, %multiple_of3A_572] : memref<64x1000000xf32, #tpu.memory_space<hbm>> -> memref<64x128xf32, #tpu.memory_space<hbm>>
      tpu.enqueue_dma source(%dma_start3A_598 : memref<64x128xf32, #tpu.memory_space<hbm>>) target(%dma_start3A_596 : memref<64x128xf32, #tpu.memory_space<vmem>>) target_semaphore(%arg12 : memref<!tpu.dma_semaphore, #tpu.memory_space<semaphore_mem>>)
      %dma_wait3A_599 = arith.constant 1 : i32
      %dma_wait3A_600 = arith.constant 0 : i32
      %dma_wait3A_601 = arith.constant 0 : i32
      %dma_wait3A_602 = tpu.memref_slice %arg9[%dma_wait3A_599, %dma_wait3A_600, %dma_wait3A_601] : memref<7x64x128xf32, #tpu.memory_space<vmem>> -> memref<1x64x128xf32, #tpu.memory_space<vmem>>
      %dma_wait3A_603 = tpu.memref_squeeze %dma_wait3A_602 : memref<1x64x128xf32, #tpu.memory_space<vmem>> -> memref<64x128xf32, #tpu.memory_space<vmem>>
      %dma_wait3A_604 = arith.constant 0 : i32
      %dma_wait3A_605 = arith.constant 0 : i32
      %dma_wait3A_606 = tpu.memref_slice %arg4[%dma_wait3A_604, %dma_wait3A_605] : memref<64x1000000xf32, #tpu.memory_space<hbm>> -> memref<64x128xf32, #tpu.memory_space<hbm>>
      %dma_wait3A_607 = arith.constant 0 : i32
      %dma_wait3A_608 = arith.constant 0 : i32
      %dma_wait3A_609 = tpu.memref_slice %arg9[%dma_wait3A_599, %dma_wait3A_607, %dma_wait3A_608] : memref<7x64x128xf32, #tpu.memory_space<vmem>> -> memref<1x64x128xf32, #tpu.memory_space<vmem>>
      %dma_wait3A_610 = tpu.memref_squeeze %dma_wait3A_609 : memref<1x64x128xf32, #tpu.memory_space<vmem>> -> memref<64x128xf32, #tpu.memory_space<vmem>>
      %dma_wait3A_611 = arith.constant 0 : i32
      %dma_wait3A_612 = arith.constant 0 : i32
      %dma_wait3A_613 = tpu.memref_slice %arg4[%dma_wait3A_611, %dma_wait3A_612] : memref<64x1000000xf32, #tpu.memory_space<hbm>> -> memref<64x128xf32, #tpu.memory_space<hbm>>
      tpu.wait_dma2 semaphore(%arg13 : memref<!tpu.dma_semaphore, #tpu.memory_space<semaphore_mem>>) src(%dma_wait3A_613 : memref<64x128xf32, #tpu.memory_space<hbm>>) dst(%dma_wait3A_610 : memref<64x128xf32, #tpu.memory_space<vmem>>)
      %dma_wait3A_614 = arith.constant 1 : i32
      %dma_wait3A_615 = arith.constant 0 : i32
      %dma_wait3A_616 = arith.constant 0 : i32
      %dma_wait3A_617 = tpu.memref_slice %arg10[%dma_wait3A_614, %dma_wait3A_615, %dma_wait3A_616] : memref<7x64x128xf32, #tpu.memory_space<vmem>> -> memref<1x64x128xf32, #tpu.memory_space<vmem>>
      %dma_wait3A_618 = tpu.memref_squeeze %dma_wait3A_617 : memref<1x64x128xf32, #tpu.memory_space<vmem>> -> memref<64x128xf32, #tpu.memory_space<vmem>>
      %dma_wait3A_619 = arith.constant 0 : i32
      %dma_wait3A_620 = arith.constant 0 : i32
      %dma_wait3A_621 = tpu.memref_slice %arg5[%dma_wait3A_619, %dma_wait3A_620] : memref<64x1000000xf32, #tpu.memory_space<hbm>> -> memref<64x128xf32, #tpu.memory_space<hbm>>
      %dma_wait3A_622 = arith.constant 0 : i32
      %dma_wait3A_623 = arith.constant 0 : i32
      %dma_wait3A_624 = tpu.memref_slice %arg10[%dma_wait3A_614, %dma_wait3A_622, %dma_wait3A_623] : memref<7x64x128xf32, #tpu.memory_space<vmem>> -> memref<1x64x128xf32, #tpu.memory_space<vmem>>
      %dma_wait3A_625 = tpu.memref_squeeze %dma_wait3A_624 : memref<1x64x128xf32, #tpu.memory_space<vmem>> -> memref<64x128xf32, #tpu.memory_space<vmem>>
      %dma_wait3A_626 = arith.constant 0 : i32
      %dma_wait3A_627 = arith.constant 0 : i32
      %dma_wait3A_628 = tpu.memref_slice %arg5[%dma_wait3A_626, %dma_wait3A_627] : memref<64x1000000xf32, #tpu.memory_space<hbm>> -> memref<64x128xf32, #tpu.memory_space<hbm>>
      tpu.wait_dma2 semaphore(%arg13 : memref<!tpu.dma_semaphore, #tpu.memory_space<semaphore_mem>>) src(%dma_wait3A_628 : memref<64x128xf32, #tpu.memory_space<hbm>>) dst(%dma_wait3A_625 : memref<64x128xf32, #tpu.memory_space<vmem>>)
      %add3A_629 = arith.constant 1 : i32
      %add3A_630 = arith.addi %mul3A_404, %add3A_629 : i32
      %add3A_631 = vector.broadcast %add3A_630 : i32 to vector<16xi32>
      %add3A_632 = arith.addi %shift_right_arithmetic3A_7, %add3A_631 : vector<16xi32>
      %gather3A_633 = tpu.vector_load_idx %arg7[%add3A_632] : memref<512xi32, #tpu.memory_space<vmem>>[vector<16xi32>], vector<16xi32>,
      %and3A_634 = arith.constant 127 : i32
      %and3A_635 = vector.broadcast %and3A_634 : i32 to vector<16xi32>
      %and3A_636 = arith.andi %gather3A_633, %and3A_635 : vector<16xi32>
      %add3A_637 = vector.broadcast %add3A_630 : i32 to vector<16xi32>
      %add3A_638 = arith.addi %shift_right_arithmetic3A_7, %add3A_637 : vector<16xi32>
      %gather3A_639 = tpu.vector_load_idx %arg8[%add3A_638] : memref<512xi32, #tpu.memory_space<vmem>>[vector<16xi32>], vector<16xi32>,
      %and3A_640 = arith.constant 127 : i32
      %and3A_641 = vector.broadcast %and3A_640 : i32 to vector<16xi32>
      %and3A_642 = arith.andi %gather3A_639, %and3A_641 : vector<16xi32>
      %broadcast_in_dim3A_643 = arith.constant 0.000000e+00 : f32
      %broadcast_in_dim3A_644 = vector.broadcast %broadcast_in_dim3A_643 : f32 to vector<16xf32>
      %add3A_645 = arith.constant 0 : i32
      %add3A_646 = vector.broadcast %add3A_645 : i32 to vector<16xi32>
      %add3A_647 = arith.addi %iota3A, %add3A_646 : vector<16xi32>
      %gather3A_648 = arith.constant 1 : i32
      %gather3A_649 = arith.constant 0 : i32
      %gather3A_650 = arith.constant 0 : i32
      %gather3A_651 = tpu.memref_slice %arg9[%gather3A_648, %gather3A_649, %gather3A_650] : memref<7x64x128xf32, #tpu.memory_space<vmem>> -> memref<1x64x128xf32, #tpu.memory_space<vmem>>
      %gather3A_652 = tpu.memref_squeeze %gather3A_651 : memref<1x64x128xf32, #tpu.memory_space<vmem>> -> memref<64x128xf32, #tpu.memory_space<vmem>>
      %gather3A_653 = tpu.vector_load_idx %gather3A_652[%add3A_647, %and3A_636] : memref<64x128xf32, #tpu.memory_space<vmem>>[vector<16xi32>, vector<16xi32>], vector<16xf32>,
      %gather3A_654 = arith.constant 1 : i32
      %gather3A_655 = arith.constant 0 : i32
      %gather3A_656 = arith.constant 0 : i32
      %gather3A_657 = tpu.memref_slice %arg10[%gather3A_654, %gather3A_655, %gather3A_656] : memref<7x64x128xf32, #tpu.memory_space<vmem>> -> memref<1x64x128xf32, #tpu.memory_space<vmem>>
      %gather3A_658 = tpu.memref_squeeze %gather3A_657 : memref<1x64x128xf32, #tpu.memory_space<vmem>> -> memref<64x128xf32, #tpu.memory_space<vmem>>
      %gather3A_659 = tpu.vector_load_idx %gather3A_658[%add3A_647, %and3A_642] : memref<64x128xf32, #tpu.memory_space<vmem>>[vector<16xi32>, vector<16xi32>], vector<16xf32>,
      %mul3A_660 = arith.mulf %gather3A_653, %gather3A_659 : vector<16xf32>
      %add3A_661 = arith.addf %broadcast_in_dim3A_644, %mul3A_660 : vector<16xf32>
      %add3A_662 = arith.constant 16 : i32
      %add3A_663 = vector.broadcast %add3A_662 : i32 to vector<16xi32>
      %add3A_664 = arith.addi %iota3A, %add3A_663 : vector<16xi32>
      %gather3A_665 = arith.constant 1 : i32
      %gather3A_666 = arith.constant 0 : i32
      %gather3A_667 = arith.constant 0 : i32
      %gather3A_668 = tpu.memref_slice %arg9[%gather3A_665, %gather3A_666, %gather3A_667] : memref<7x64x128xf32, #tpu.memory_space<vmem>> -> memref<1x64x128xf32, #tpu.memory_space<vmem>>
      %gather3A_669 = tpu.memref_squeeze %gather3A_668 : memref<1x64x128xf32, #tpu.memory_space<vmem>> -> memref<64x128xf32, #tpu.memory_space<vmem>>
      %gather3A_670 = tpu.vector_load_idx %gather3A_669[%add3A_664, %and3A_636] : memref<64x128xf32, #tpu.memory_space<vmem>>[vector<16xi32>, vector<16xi32>], vector<16xf32>,
      %gather3A_671 = arith.constant 1 : i32
      %gather3A_672 = arith.constant 0 : i32
      %gather3A_673 = arith.constant 0 : i32
      %gather3A_674 = tpu.memref_slice %arg10[%gather3A_671, %gather3A_672, %gather3A_673] : memref<7x64x128xf32, #tpu.memory_space<vmem>> -> memref<1x64x128xf32, #tpu.memory_space<vmem>>
      %gather3A_675 = tpu.memref_squeeze %gather3A_674 : memref<1x64x128xf32, #tpu.memory_space<vmem>> -> memref<64x128xf32, #tpu.memory_space<vmem>>
      %gather3A_676 = tpu.vector_load_idx %gather3A_675[%add3A_664, %and3A_642] : memref<64x128xf32, #tpu.memory_space<vmem>>[vector<16xi32>, vector<16xi32>], vector<16xf32>,
      %mul3A_677 = arith.mulf %gather3A_670, %gather3A_676 : vector<16xf32>
      %add3A_678 = arith.addf %add3A_661, %mul3A_677 : vector<16xf32>
      %add3A_679 = arith.constant 32 : i32
      %add3A_680 = vector.broadcast %add3A_679 : i32 to vector<16xi32>
      %add3A_681 = arith.addi %iota3A, %add3A_680 : vector<16xi32>
      %gather3A_682 = arith.constant 1 : i32
      %gather3A_683 = arith.constant 0 : i32
      %gather3A_684 = arith.constant 0 : i32
      %gather3A_685 = tpu.memref_slice %arg9[%gather3A_682, %gather3A_683, %gather3A_684] : memref<7x64x128xf32, #tpu.memory_space<vmem>> -> memref<1x64x128xf32, #tpu.memory_space<vmem>>
      %gather3A_686 = tpu.memref_squeeze %gather3A_685 : memref<1x64x128xf32, #tpu.memory_space<vmem>> -> memref<64x128xf32, #tpu.memory_space<vmem>>
      %gather3A_687 = tpu.vector_load_idx %gather3A_686[%add3A_681, %and3A_636] : memref<64x128xf32, #tpu.memory_space<vmem>>[vector<16xi32>, vector<16xi32>], vector<16xf32>,
      %gather3A_688 = arith.constant 1 : i32
      %gather3A_689 = arith.constant 0 : i32
      %gather3A_690 = arith.constant 0 : i32
      %gather3A_691 = tpu.memref_slice %arg10[%gather3A_688, %gather3A_689, %gather3A_690] : memref<7x64x128xf32, #tpu.memory_space<vmem>> -> memref<1x64x128xf32, #tpu.memory_space<vmem>>
      %gather3A_692 = tpu.memref_squeeze %gather3A_691 : memref<1x64x128xf32, #tpu.memory_space<vmem>> -> memref<64x128xf32, #tpu.memory_space<vmem>>
      %gather3A_693 = tpu.vector_load_idx %gather3A_692[%add3A_681, %and3A_642] : memref<64x128xf32, #tpu.memory_space<vmem>>[vector<16xi32>, vector<16xi32>], vector<16xf32>,
      %mul3A_694 = arith.mulf %gather3A_687, %gather3A_693 : vector<16xf32>
      %add3A_695 = arith.addf %add3A_678, %mul3A_694 : vector<16xf32>
      %add3A_696 = arith.constant 48 : i32
      %add3A_697 = vector.broadcast %add3A_696 : i32 to vector<16xi32>
      %add3A_698 = arith.addi %iota3A, %add3A_697 : vector<16xi32>
      %gather3A_699 = arith.constant 1 : i32
      %gather3A_700 = arith.constant 0 : i32
      %gather3A_701 = arith.constant 0 : i32
      %gather3A_702 = tpu.memref_slice %arg9[%gather3A_699, %gather3A_700, %gather3A_701] : memref<7x64x128xf32, #tpu.memory_space<vmem>> -> memref<1x64x128xf32, #tpu.memory_space<vmem>>
      %gather3A_703 = tpu.memref_squeeze %gather3A_702 : memref<1x64x128xf32, #tpu.memory_space<vmem>> -> memref<64x128xf32, #tpu.memory_space<vmem>>
      %gather3A_704 = tpu.vector_load_idx %gather3A_703[%add3A_698, %and3A_636] : memref<64x128xf32, #tpu.memory_space<vmem>>[vector<16xi32>, vector<16xi32>], vector<16xf32>,
      %gather3A_705 = arith.constant 1 : i32
      %gather3A_706 = arith.constant 0 : i32
      %gather3A_707 = arith.constant 0 : i32
      %gather3A_708 = tpu.memref_slice %arg10[%gather3A_705, %gather3A_706, %gather3A_707] : memref<7x64x128xf32, #tpu.memory_space<vmem>> -> memref<1x64x128xf32, #tpu.memory_space<vmem>>
      %gather3A_709 = tpu.memref_squeeze %gather3A_708 : memref<1x64x128xf32, #tpu.memory_space<vmem>> -> memref<64x128xf32, #tpu.memory_space<vmem>>
      %gather3A_710 = tpu.vector_load_idx %gather3A_709[%add3A_698, %and3A_642] : memref<64x128xf32, #tpu.memory_space<vmem>>[vector<16xi32>, vector<16xi32>], vector<16xf32>,
      %mul3A_711 = arith.mulf %gather3A_704, %gather3A_710 : vector<16xf32>
      %add3A_712 = arith.addf %add3A_695, %mul3A_711 : vector<16xf32>
      %reduce_sum3A_713 = arith.constant true
      %reduce_sum3A_714 = vector.broadcast %reduce_sum3A_713 : i1 to vector<16xi1>
      %reduce_sum3A_715 = tpu.scan <sum>, %add3A_712 masked %reduce_sum3A_714 : vector<16xf32>, vector<16xi1> -> vector<16xf32>
      %reduce_sum3A_716 = vector.extract %reduce_sum3A_715[15] : f32 from vector<16xf32>
      %broadcast_in_dim3A_717 = arith.constant 0 : i32
      %broadcast_in_dim3A_718 = vector.broadcast %broadcast_in_dim3A_717 : i32 to vector<16xi32>
      %add3A_719 = vector.broadcast %add3A_630 : i32 to vector<16xi32>
      %add3A_720 = arith.addi %broadcast_in_dim3A_718, %add3A_719 : vector<16xi32>
      %broadcast_in_dim3A_721 = arith.constant 0.000000e+00 : f32
      %broadcast_in_dim3A_722 = vector.broadcast %broadcast_in_dim3A_721 : f32 to vector<16xf32>
      %add3A_723 = vector.broadcast %reduce_sum3A_716 : f32 to vector<16xf32>
      %add3A_724 = arith.addf %broadcast_in_dim3A_722, %add3A_723 : vector<16xf32>
      tpu.vector_store_idx %arg11[%add3A_720], %add3A_724 masked %eq3A_4 : memref<512xf32, #tpu.memory_space<vmem>>[vector<16xi32>], vector<16xf32>, vector<16xi1>
      %add3A_725 = arith.constant 1 : i32
      %add3A_726 = arith.addi %mul3A_404, %add3A_725 : i32
      %add3A_727 = arith.constant 7 : i32
      %add3A_728 = arith.addi %add3A_726, %add3A_727 : i32
      %min3A_729 = arith.constant 510 : i32
      %min3A_730 = arith.minsi %add3A_728, %min3A_729 : i32
      %add3A_731 = vector.broadcast %min3A_730 : i32 to vector<16xi32>
      %add3A_732 = arith.addi %shift_right_arithmetic3A_7, %add3A_731 : vector<16xi32>
      %gather3A_733 = tpu.vector_load_idx %arg7[%add3A_732] : memref<512xi32, #tpu.memory_space<vmem>>[vector<16xi32>], vector<16xi32>,
      %shift_right_arithmetic3A_734 = arith.constant 7 : i32
      %shift_right_arithmetic3A_735 = vector.broadcast %shift_right_arithmetic3A_734 : i32 to vector<16xi32>
      %shift_right_arithmetic3A_736 = arith.shrsi %gather3A_733, %shift_right_arithmetic3A_735 : vector<16xi32>
      %reduce_max3A_737 = arith.constant true
      %reduce_max3A_738 = vector.broadcast %reduce_max3A_737 : i1 to vector<16xi1>
      %reduce_max3A_739 = arith.constant -2147483648 : i32
      %reduce_max3A_740 = vector.broadcast %reduce_max3A_739 : i32 to vector<16xi32>
      %reduce_max3A_741 = arith.xori %shift_right_arithmetic3A_736, %reduce_max3A_740 : vector<16xi32>
      %reduce_max3A_742 = tpu.scan <max>, %reduce_max3A_741 masked %reduce_max3A_738 : vector<16xi32>, vector<16xi1> -> vector<16xi32>
      %reduce_max3A_743 = arith.xori %reduce_max3A_742, %reduce_max3A_740 : vector<16xi32>
      %reduce_max3A_744 = vector.extract %reduce_max3A_743[15] : i32 from vector<16xi32>
      %add3A_745 = vector.broadcast %min3A_730 : i32 to vector<16xi32>
      %add3A_746 = arith.addi %shift_right_arithmetic3A_7, %add3A_745 : vector<16xi32>
      %gather3A_747 = tpu.vector_load_idx %arg8[%add3A_746] : memref<512xi32, #tpu.memory_space<vmem>>[vector<16xi32>], vector<16xi32>,
      %shift_right_arithmetic3A_748 = arith.constant 7 : i32
      %shift_right_arithmetic3A_749 = vector.broadcast %shift_right_arithmetic3A_748 : i32 to vector<16xi32>
      %shift_right_arithmetic3A_750 = arith.shrsi %gather3A_747, %shift_right_arithmetic3A_749 : vector<16xi32>
      %reduce_max3A_751 = arith.constant true
      %reduce_max3A_752 = vector.broadcast %reduce_max3A_751 : i1 to vector<16xi1>
      %reduce_max3A_753 = arith.constant -2147483648 : i32
      %reduce_max3A_754 = vector.broadcast %reduce_max3A_753 : i32 to vector<16xi32>
      %reduce_max3A_755 = arith.xori %shift_right_arithmetic3A_750, %reduce_max3A_754 : vector<16xi32>
      %reduce_max3A_756 = tpu.scan <max>, %reduce_max3A_755 masked %reduce_max3A_752 : vector<16xi32>, vector<16xi1> -> vector<16xi32>
      %reduce_max3A_757 = arith.xori %reduce_max3A_756, %reduce_max3A_754 : vector<16xi32>
      %reduce_max3A_758 = vector.extract %reduce_max3A_757[15] : i32 from vector<16xi32>
      %mul3A_759 = arith.constant 128 : i32
      %mul3A_760 = arith.muli %reduce_max3A_744, %mul3A_759 : i32
      %multiple_of3A_761 = tpu.assume_multiple %mul3A_760, 128 : i32
      %mul3A_762 = arith.constant 128 : i32
      %mul3A_763 = arith.muli %reduce_max3A_758, %mul3A_762 : i32
      %multiple_of3A_764 = tpu.assume_multiple %mul3A_763, 128 : i32
      %dma_start3A_765 = arith.constant 1 : i32
      %dma_start3A_766 = arith.constant 0 : i32
      %dma_start3A_767 = arith.constant 0 : i32
      %dma_start3A_768 = tpu.memref_slice %arg9[%dma_start3A_765, %dma_start3A_766, %dma_start3A_767] : memref<7x64x128xf32, #tpu.memory_space<vmem>> -> memref<1x64x128xf32, #tpu.memory_space<vmem>>
      %dma_start3A_769 = tpu.memref_squeeze %dma_start3A_768 : memref<1x64x128xf32, #tpu.memory_space<vmem>> -> memref<64x128xf32, #tpu.memory_space<vmem>>
      %dma_start3A_770 = arith.constant 0 : i32
      %dma_start3A_771 = tpu.memref_slice %arg4[%dma_start3A_770, %multiple_of3A_761] : memref<64x1000000xf32, #tpu.memory_space<hbm>> -> memref<64x128xf32, #tpu.memory_space<hbm>>
      %dma_start3A_772 = arith.constant 0 : i32
      %dma_start3A_773 = arith.constant 0 : i32
      %dma_start3A_774 = tpu.memref_slice %arg9[%dma_start3A_765, %dma_start3A_772, %dma_start3A_773] : memref<7x64x128xf32, #tpu.memory_space<vmem>> -> memref<1x64x128xf32, #tpu.memory_space<vmem>>
      %dma_start3A_775 = tpu.memref_squeeze %dma_start3A_774 : memref<1x64x128xf32, #tpu.memory_space<vmem>> -> memref<64x128xf32, #tpu.memory_space<vmem>>
      %dma_start3A_776 = arith.constant 0 : i32
      %dma_start3A_777 = tpu.memref_slice %arg4[%dma_start3A_776, %multiple_of3A_761] : memref<64x1000000xf32, #tpu.memory_space<hbm>> -> memref<64x128xf32, #tpu.memory_space<hbm>>
      tpu.enqueue_dma source(%dma_start3A_777 : memref<64x128xf32, #tpu.memory_space<hbm>>) target(%dma_start3A_775 : memref<64x128xf32, #tpu.memory_space<vmem>>) target_semaphore(%arg13 : memref<!tpu.dma_semaphore, #tpu.memory_space<semaphore_mem>>)
      %dma_start3A_778 = arith.constant 1 : i32
      %dma_start3A_779 = arith.constant 0 : i32
      %dma_start3A_780 = arith.constant 0 : i32
      %dma_start3A_781 = tpu.memref_slice %arg10[%dma_start3A_778, %dma_start3A_779, %dma_start3A_780] : memref<7x64x128xf32, #tpu.memory_space<vmem>> -> memref<1x64x128xf32, #tpu.memory_space<vmem>>
      %dma_start3A_782 = tpu.memref_squeeze %dma_start3A_781 : memref<1x64x128xf32, #tpu.memory_space<vmem>> -> memref<64x128xf32, #tpu.memory_space<vmem>>
      %dma_start3A_783 = arith.constant 0 : i32
      %dma_start3A_784 = tpu.memref_slice %arg5[%dma_start3A_783, %multiple_of3A_764] : memref<64x1000000xf32, #tpu.memory_space<hbm>> -> memref<64x128xf32, #tpu.memory_space<hbm>>
      %dma_start3A_785 = arith.constant 0 : i32
      %dma_start3A_786 = arith.constant 0 : i32
      %dma_start3A_787 = tpu.memref_slice %arg10[%dma_start3A_778, %dma_start3A_785, %dma_start3A_786] : memref<7x64x128xf32, #tpu.memory_space<vmem>> -> memref<1x64x128xf32, #tpu.memory_space<vmem>>
      %dma_start3A_788 = tpu.memref_squeeze %dma_start3A_787 : memref<1x64x128xf32, #tpu.memory_space<vmem>> -> memref<64x128xf32, #tpu.memory_space<vmem>>
      %dma_start3A_789 = arith.constant 0 : i32
      %dma_start3A_790 = tpu.memref_slice %arg5[%dma_start3A_789, %multiple_of3A_764] : memref<64x1000000xf32, #tpu.memory_space<hbm>> -> memref<64x128xf32, #tpu.memory_space<hbm>>
      tpu.enqueue_dma source(%dma_start3A_790 : memref<64x128xf32, #tpu.memory_space<hbm>>) target(%dma_start3A_788 : memref<64x128xf32, #tpu.memory_space<vmem>>) target_semaphore(%arg13 : memref<!tpu.dma_semaphore, #tpu.memory_space<semaphore_mem>>)
      %dma_wait3A_791 = arith.constant 2 : i32
      %dma_wait3A_792 = arith.constant 0 : i32
      %dma_wait3A_793 = arith.constant 0 : i32
      %dma_wait3A_794 = tpu.memref_slice %arg9[%dma_wait3A_791, %dma_wait3A_792, %dma_wait3A_793] : memref<7x64x128xf32, #tpu.memory_space<vmem>> -> memref<1x64x128xf32, #tpu.memory_space<vmem>>
      %dma_wait3A_795 = tpu.memref_squeeze %dma_wait3A_794 : memref<1x64x128xf32, #tpu.memory_space<vmem>> -> memref<64x128xf32, #tpu.memory_space<vmem>>
      %dma_wait3A_796 = arith.constant 0 : i32
      %dma_wait3A_797 = arith.constant 0 : i32
      %dma_wait3A_798 = tpu.memref_slice %arg4[%dma_wait3A_796, %dma_wait3A_797] : memref<64x1000000xf32, #tpu.memory_space<hbm>> -> memref<64x128xf32, #tpu.memory_space<hbm>>
      %dma_wait3A_799 = arith.constant 0 : i32
      %dma_wait3A_800 = arith.constant 0 : i32
      %dma_wait3A_801 = tpu.memref_slice %arg9[%dma_wait3A_791, %dma_wait3A_799, %dma_wait3A_800] : memref<7x64x128xf32, #tpu.memory_space<vmem>> -> memref<1x64x128xf32, #tpu.memory_space<vmem>>
      %dma_wait3A_802 = tpu.memref_squeeze %dma_wait3A_801 : memref<1x64x128xf32, #tpu.memory_space<vmem>> -> memref<64x128xf32, #tpu.memory_space<vmem>>
      %dma_wait3A_803 = arith.constant 0 : i32
      %dma_wait3A_804 = arith.constant 0 : i32
      %dma_wait3A_805 = tpu.memref_slice %arg4[%dma_wait3A_803, %dma_wait3A_804] : memref<64x1000000xf32, #tpu.memory_space<hbm>> -> memref<64x128xf32, #tpu.memory_space<hbm>>
      tpu.wait_dma2 semaphore(%arg14 : memref<!tpu.dma_semaphore, #tpu.memory_space<semaphore_mem>>) src(%dma_wait3A_805 : memref<64x128xf32, #tpu.memory_space<hbm>>) dst(%dma_wait3A_802 : memref<64x128xf32, #tpu.memory_space<vmem>>)
      %dma_wait3A_806 = arith.constant 2 : i32
      %dma_wait3A_807 = arith.constant 0 : i32
      %dma_wait3A_808 = arith.constant 0 : i32
      %dma_wait3A_809 = tpu.memref_slice %arg10[%dma_wait3A_806, %dma_wait3A_807, %dma_wait3A_808] : memref<7x64x128xf32, #tpu.memory_space<vmem>> -> memref<1x64x128xf32, #tpu.memory_space<vmem>>
      %dma_wait3A_810 = tpu.memref_squeeze %dma_wait3A_809 : memref<1x64x128xf32, #tpu.memory_space<vmem>> -> memref<64x128xf32, #tpu.memory_space<vmem>>
      %dma_wait3A_811 = arith.constant 0 : i32
      %dma_wait3A_812 = arith.constant 0 : i32
      %dma_wait3A_813 = tpu.memref_slice %arg5[%dma_wait3A_811, %dma_wait3A_812] : memref<64x1000000xf32, #tpu.memory_space<hbm>> -> memref<64x128xf32, #tpu.memory_space<hbm>>
      %dma_wait3A_814 = arith.constant 0 : i32
      %dma_wait3A_815 = arith.constant 0 : i32
      %dma_wait3A_816 = tpu.memref_slice %arg10[%dma_wait3A_806, %dma_wait3A_814, %dma_wait3A_815] : memref<7x64x128xf32, #tpu.memory_space<vmem>> -> memref<1x64x128xf32, #tpu.memory_space<vmem>>
      %dma_wait3A_817 = tpu.memref_squeeze %dma_wait3A_816 : memref<1x64x128xf32, #tpu.memory_space<vmem>> -> memref<64x128xf32, #tpu.memory_space<vmem>>
      %dma_wait3A_818 = arith.constant 0 : i32
      %dma_wait3A_819 = arith.constant 0 : i32
      %dma_wait3A_820 = tpu.memref_slice %arg5[%dma_wait3A_818, %dma_wait3A_819] : memref<64x1000000xf32, #tpu.memory_space<hbm>> -> memref<64x128xf32, #tpu.memory_space<hbm>>
      tpu.wait_dma2 semaphore(%arg14 : memref<!tpu.dma_semaphore, #tpu.memory_space<semaphore_mem>>) src(%dma_wait3A_820 : memref<64x128xf32, #tpu.memory_space<hbm>>) dst(%dma_wait3A_817 : memref<64x128xf32, #tpu.memory_space<vmem>>)
      %add3A_821 = arith.constant 2 : i32
      %add3A_822 = arith.addi %mul3A_404, %add3A_821 : i32
      %add3A_823 = vector.broadcast %add3A_822 : i32 to vector<16xi32>
      %add3A_824 = arith.addi %shift_right_arithmetic3A_7, %add3A_823 : vector<16xi32>
      %gather3A_825 = tpu.vector_load_idx %arg7[%add3A_824] : memref<512xi32, #tpu.memory_space<vmem>>[vector<16xi32>], vector<16xi32>,
      %and3A_826 = arith.constant 127 : i32
      %and3A_827 = vector.broadcast %and3A_826 : i32 to vector<16xi32>
      %and3A_828 = arith.andi %gather3A_825, %and3A_827 : vector<16xi32>
      %add3A_829 = vector.broadcast %add3A_822 : i32 to vector<16xi32>
      %add3A_830 = arith.addi %shift_right_arithmetic3A_7, %add3A_829 : vector<16xi32>
      %gather3A_831 = tpu.vector_load_idx %arg8[%add3A_830] : memref<512xi32, #tpu.memory_space<vmem>>[vector<16xi32>], vector<16xi32>,
      %and3A_832 = arith.constant 127 : i32
      %and3A_833 = vector.broadcast %and3A_832 : i32 to vector<16xi32>
      %and3A_834 = arith.andi %gather3A_831, %and3A_833 : vector<16xi32>
      %broadcast_in_dim3A_835 = arith.constant 0.000000e+00 : f32
      %broadcast_in_dim3A_836 = vector.broadcast %broadcast_in_dim3A_835 : f32 to vector<16xf32>
      %add3A_837 = arith.constant 0 : i32
      %add3A_838 = vector.broadcast %add3A_837 : i32 to vector<16xi32>
      %add3A_839 = arith.addi %iota3A, %add3A_838 : vector<16xi32>
      %gather3A_840 = arith.constant 2 : i32
      %gather3A_841 = arith.constant 0 : i32
      %gather3A_842 = arith.constant 0 : i32
      %gather3A_843 = tpu.memref_slice %arg9[%gather3A_840, %gather3A_841, %gather3A_842] : memref<7x64x128xf32, #tpu.memory_space<vmem>> -> memref<1x64x128xf32, #tpu.memory_space<vmem>>
      %gather3A_844 = tpu.memref_squeeze %gather3A_843 : memref<1x64x128xf32, #tpu.memory_space<vmem>> -> memref<64x128xf32, #tpu.memory_space<vmem>>
      %gather3A_845 = tpu.vector_load_idx %gather3A_844[%add3A_839, %and3A_828] : memref<64x128xf32, #tpu.memory_space<vmem>>[vector<16xi32>, vector<16xi32>], vector<16xf32>,
      %gather3A_846 = arith.constant 2 : i32
      %gather3A_847 = arith.constant 0 : i32
      %gather3A_848 = arith.constant 0 : i32
      %gather3A_849 = tpu.memref_slice %arg10[%gather3A_846, %gather3A_847, %gather3A_848] : memref<7x64x128xf32, #tpu.memory_space<vmem>> -> memref<1x64x128xf32, #tpu.memory_space<vmem>>
      %gather3A_850 = tpu.memref_squeeze %gather3A_849 : memref<1x64x128xf32, #tpu.memory_space<vmem>> -> memref<64x128xf32, #tpu.memory_space<vmem>>
      %gather3A_851 = tpu.vector_load_idx %gather3A_850[%add3A_839, %and3A_834] : memref<64x128xf32, #tpu.memory_space<vmem>>[vector<16xi32>, vector<16xi32>], vector<16xf32>,
      %mul3A_852 = arith.mulf %gather3A_845, %gather3A_851 : vector<16xf32>
      %add3A_853 = arith.addf %broadcast_in_dim3A_836, %mul3A_852 : vector<16xf32>
      %add3A_854 = arith.constant 16 : i32
      %add3A_855 = vector.broadcast %add3A_854 : i32 to vector<16xi32>
      %add3A_856 = arith.addi %iota3A, %add3A_855 : vector<16xi32>
      %gather3A_857 = arith.constant 2 : i32
      %gather3A_858 = arith.constant 0 : i32
      %gather3A_859 = arith.constant 0 : i32
      %gather3A_860 = tpu.memref_slice %arg9[%gather3A_857, %gather3A_858, %gather3A_859] : memref<7x64x128xf32, #tpu.memory_space<vmem>> -> memref<1x64x128xf32, #tpu.memory_space<vmem>>
      %gather3A_861 = tpu.memref_squeeze %gather3A_860 : memref<1x64x128xf32, #tpu.memory_space<vmem>> -> memref<64x128xf32, #tpu.memory_space<vmem>>
      %gather3A_862 = tpu.vector_load_idx %gather3A_861[%add3A_856, %and3A_828] : memref<64x128xf32, #tpu.memory_space<vmem>>[vector<16xi32>, vector<16xi32>], vector<16xf32>,
      %gather3A_863 = arith.constant 2 : i32
      %gather3A_864 = arith.constant 0 : i32
      %gather3A_865 = arith.constant 0 : i32
      %gather3A_866 = tpu.memref_slice %arg10[%gather3A_863, %gather3A_864, %gather3A_865] : memref<7x64x128xf32, #tpu.memory_space<vmem>> -> memref<1x64x128xf32, #tpu.memory_space<vmem>>
      %gather3A_867 = tpu.memref_squeeze %gather3A_866 : memref<1x64x128xf32, #tpu.memory_space<vmem>> -> memref<64x128xf32, #tpu.memory_space<vmem>>
      %gather3A_868 = tpu.vector_load_idx %gather3A_867[%add3A_856, %and3A_834] : memref<64x128xf32, #tpu.memory_space<vmem>>[vector<16xi32>, vector<16xi32>], vector<16xf32>,
      %mul3A_869 = arith.mulf %gather3A_862, %gather3A_868 : vector<16xf32>
      %add3A_870 = arith.addf %add3A_853, %mul3A_869 : vector<16xf32>
      %add3A_871 = arith.constant 32 : i32
      %add3A_872 = vector.broadcast %add3A_871 : i32 to vector<16xi32>
      %add3A_873 = arith.addi %iota3A, %add3A_872 : vector<16xi32>
      %gather3A_874 = arith.constant 2 : i32
      %gather3A_875 = arith.constant 0 : i32
      %gather3A_876 = arith.constant 0 : i32
      %gather3A_877 = tpu.memref_slice %arg9[%gather3A_874, %gather3A_875, %gather3A_876] : memref<7x64x128xf32, #tpu.memory_space<vmem>> -> memref<1x64x128xf32, #tpu.memory_space<vmem>>
      %gather3A_878 = tpu.memref_squeeze %gather3A_877 : memref<1x64x128xf32, #tpu.memory_space<vmem>> -> memref<64x128xf32, #tpu.memory_space<vmem>>
      %gather3A_879 = tpu.vector_load_idx %gather3A_878[%add3A_873, %and3A_828] : memref<64x128xf32, #tpu.memory_space<vmem>>[vector<16xi32>, vector<16xi32>], vector<16xf32>,
      %gather3A_880 = arith.constant 2 : i32
      %gather3A_881 = arith.constant 0 : i32
      %gather3A_882 = arith.constant 0 : i32
      %gather3A_883 = tpu.memref_slice %arg10[%gather3A_880, %gather3A_881, %gather3A_882] : memref<7x64x128xf32, #tpu.memory_space<vmem>> -> memref<1x64x128xf32, #tpu.memory_space<vmem>>
      %gather3A_884 = tpu.memref_squeeze %gather3A_883 : memref<1x64x128xf32, #tpu.memory_space<vmem>> -> memref<64x128xf32, #tpu.memory_space<vmem>>
      %gather3A_885 = tpu.vector_load_idx %gather3A_884[%add3A_873, %and3A_834] : memref<64x128xf32, #tpu.memory_space<vmem>>[vector<16xi32>, vector<16xi32>], vector<16xf32>,
      %mul3A_886 = arith.mulf %gather3A_879, %gather3A_885 : vector<16xf32>
      %add3A_887 = arith.addf %add3A_870, %mul3A_886 : vector<16xf32>
      %add3A_888 = arith.constant 48 : i32
      %add3A_889 = vector.broadcast %add3A_888 : i32 to vector<16xi32>
      %add3A_890 = arith.addi %iota3A, %add3A_889 : vector<16xi32>
      %gather3A_891 = arith.constant 2 : i32
      %gather3A_892 = arith.constant 0 : i32
      %gather3A_893 = arith.constant 0 : i32
      %gather3A_894 = tpu.memref_slice %arg9[%gather3A_891, %gather3A_892, %gather3A_893] : memref<7x64x128xf32, #tpu.memory_space<vmem>> -> memref<1x64x128xf32, #tpu.memory_space<vmem>>
      %gather3A_895 = tpu.memref_squeeze %gather3A_894 : memref<1x64x128xf32, #tpu.memory_space<vmem>> -> memref<64x128xf32, #tpu.memory_space<vmem>>
      %gather3A_896 = tpu.vector_load_idx %gather3A_895[%add3A_890, %and3A_828] : memref<64x128xf32, #tpu.memory_space<vmem>>[vector<16xi32>, vector<16xi32>], vector<16xf32>,
      %gather3A_897 = arith.constant 2 : i32
      %gather3A_898 = arith.constant 0 : i32
      %gather3A_899 = arith.constant 0 : i32
      %gather3A_900 = tpu.memref_slice %arg10[%gather3A_897, %gather3A_898, %gather3A_899] : memref<7x64x128xf32, #tpu.memory_space<vmem>> -> memref<1x64x128xf32, #tpu.memory_space<vmem>>
      %gather3A_901 = tpu.memref_squeeze %gather3A_900 : memref<1x64x128xf32, #tpu.memory_space<vmem>> -> memref<64x128xf32, #tpu.memory_space<vmem>>
      %gather3A_902 = tpu.vector_load_idx %gather3A_901[%add3A_890, %and3A_834] : memref<64x128xf32, #tpu.memory_space<vmem>>[vector<16xi32>, vector<16xi32>], vector<16xf32>,
      %mul3A_903 = arith.mulf %gather3A_896, %gather3A_902 : vector<16xf32>
      %add3A_904 = arith.addf %add3A_887, %mul3A_903 : vector<16xf32>
      %reduce_sum3A_905 = arith.constant true
      %reduce_sum3A_906 = vector.broadcast %reduce_sum3A_905 : i1 to vector<16xi1>
      %reduce_sum3A_907 = tpu.scan <sum>, %add3A_904 masked %reduce_sum3A_906 : vector<16xf32>, vector<16xi1> -> vector<16xf32>
      %reduce_sum3A_908 = vector.extract %reduce_sum3A_907[15] : f32 from vector<16xf32>
      %broadcast_in_dim3A_909 = arith.constant 0 : i32
      %broadcast_in_dim3A_910 = vector.broadcast %broadcast_in_dim3A_909 : i32 to vector<16xi32>
      %add3A_911 = vector.broadcast %add3A_822 : i32 to vector<16xi32>
      %add3A_912 = arith.addi %broadcast_in_dim3A_910, %add3A_911 : vector<16xi32>
      %broadcast_in_dim3A_913 = arith.constant 0.000000e+00 : f32
      %broadcast_in_dim3A_914 = vector.broadcast %broadcast_in_dim3A_913 : f32 to vector<16xf32>
      %add3A_915 = vector.broadcast %reduce_sum3A_908 : f32 to vector<16xf32>
      %add3A_916 = arith.addf %broadcast_in_dim3A_914, %add3A_915 : vector<16xf32>
      tpu.vector_store_idx %arg11[%add3A_912], %add3A_916 masked %eq3A_4 : memref<512xf32, #tpu.memory_space<vmem>>[vector<16xi32>], vector<16xf32>, vector<16xi1>
      %add3A_917 = arith.constant 2 : i32
      %add3A_918 = arith.addi %mul3A_404, %add3A_917 : i32
      %add3A_919 = arith.constant 7 : i32
      %add3A_920 = arith.addi %add3A_918, %add3A_919 : i32
      %min3A_921 = arith.constant 510 : i32
      %min3A_922 = arith.minsi %add3A_920, %min3A_921 : i32
      %add3A_923 = vector.broadcast %min3A_922 : i32 to vector<16xi32>
      %add3A_924 = arith.addi %shift_right_arithmetic3A_7, %add3A_923 : vector<16xi32>
      %gather3A_925 = tpu.vector_load_idx %arg7[%add3A_924] : memref<512xi32, #tpu.memory_space<vmem>>[vector<16xi32>], vector<16xi32>,
      %shift_right_arithmetic3A_926 = arith.constant 7 : i32
      %shift_right_arithmetic3A_927 = vector.broadcast %shift_right_arithmetic3A_926 : i32 to vector<16xi32>
      %shift_right_arithmetic3A_928 = arith.shrsi %gather3A_925, %shift_right_arithmetic3A_927 : vector<16xi32>
      %reduce_max3A_929 = arith.constant true
      %reduce_max3A_930 = vector.broadcast %reduce_max3A_929 : i1 to vector<16xi1>
      %reduce_max3A_931 = arith.constant -2147483648 : i32
      %reduce_max3A_932 = vector.broadcast %reduce_max3A_931 : i32 to vector<16xi32>
      %reduce_max3A_933 = arith.xori %shift_right_arithmetic3A_928, %reduce_max3A_932 : vector<16xi32>
      %reduce_max3A_934 = tpu.scan <max>, %reduce_max3A_933 masked %reduce_max3A_930 : vector<16xi32>, vector<16xi1> -> vector<16xi32>
      %reduce_max3A_935 = arith.xori %reduce_max3A_934, %reduce_max3A_932 : vector<16xi32>
      %reduce_max3A_936 = vector.extract %reduce_max3A_935[15] : i32 from vector<16xi32>
      %add3A_937 = vector.broadcast %min3A_922 : i32 to vector<16xi32>
      %add3A_938 = arith.addi %shift_right_arithmetic3A_7, %add3A_937 : vector<16xi32>
      %gather3A_939 = tpu.vector_load_idx %arg8[%add3A_938] : memref<512xi32, #tpu.memory_space<vmem>>[vector<16xi32>], vector<16xi32>,
      %shift_right_arithmetic3A_940 = arith.constant 7 : i32
      %shift_right_arithmetic3A_941 = vector.broadcast %shift_right_arithmetic3A_940 : i32 to vector<16xi32>
      %shift_right_arithmetic3A_942 = arith.shrsi %gather3A_939, %shift_right_arithmetic3A_941 : vector<16xi32>
      %reduce_max3A_943 = arith.constant true
      %reduce_max3A_944 = vector.broadcast %reduce_max3A_943 : i1 to vector<16xi1>
      %reduce_max3A_945 = arith.constant -2147483648 : i32
      %reduce_max3A_946 = vector.broadcast %reduce_max3A_945 : i32 to vector<16xi32>
      %reduce_max3A_947 = arith.xori %shift_right_arithmetic3A_942, %reduce_max3A_946 : vector<16xi32>
      %reduce_max3A_948 = tpu.scan <max>, %reduce_max3A_947 masked %reduce_max3A_944 : vector<16xi32>, vector<16xi1> -> vector<16xi32>
      %reduce_max3A_949 = arith.xori %reduce_max3A_948, %reduce_max3A_946 : vector<16xi32>
      %reduce_max3A_950 = vector.extract %reduce_max3A_949[15] : i32 from vector<16xi32>
      %mul3A_951 = arith.constant 128 : i32
      %mul3A_952 = arith.muli %reduce_max3A_936, %mul3A_951 : i32
      %multiple_of3A_953 = tpu.assume_multiple %mul3A_952, 128 : i32
      %mul3A_954 = arith.constant 128 : i32
      %mul3A_955 = arith.muli %reduce_max3A_950, %mul3A_954 : i32
      %multiple_of3A_956 = tpu.assume_multiple %mul3A_955, 128 : i32
      %dma_start3A_957 = arith.constant 2 : i32
      %dma_start3A_958 = arith.constant 0 : i32
      %dma_start3A_959 = arith.constant 0 : i32
      %dma_start3A_960 = tpu.memref_slice %arg9[%dma_start3A_957, %dma_start3A_958, %dma_start3A_959] : memref<7x64x128xf32, #tpu.memory_space<vmem>> -> memref<1x64x128xf32, #tpu.memory_space<vmem>>
      %dma_start3A_961 = tpu.memref_squeeze %dma_start3A_960 : memref<1x64x128xf32, #tpu.memory_space<vmem>> -> memref<64x128xf32, #tpu.memory_space<vmem>>
      %dma_start3A_962 = arith.constant 0 : i32
      %dma_start3A_963 = tpu.memref_slice %arg4[%dma_start3A_962, %multiple_of3A_953] : memref<64x1000000xf32, #tpu.memory_space<hbm>> -> memref<64x128xf32, #tpu.memory_space<hbm>>
      %dma_start3A_964 = arith.constant 0 : i32
      %dma_start3A_965 = arith.constant 0 : i32
      %dma_start3A_966 = tpu.memref_slice %arg9[%dma_start3A_957, %dma_start3A_964, %dma_start3A_965] : memref<7x64x128xf32, #tpu.memory_space<vmem>> -> memref<1x64x128xf32, #tpu.memory_space<vmem>>
      %dma_start3A_967 = tpu.memref_squeeze %dma_start3A_966 : memref<1x64x128xf32, #tpu.memory_space<vmem>> -> memref<64x128xf32, #tpu.memory_space<vmem>>
      %dma_start3A_968 = arith.constant 0 : i32
      %dma_start3A_969 = tpu.memref_slice %arg4[%dma_start3A_968, %multiple_of3A_953] : memref<64x1000000xf32, #tpu.memory_space<hbm>> -> memref<64x128xf32, #tpu.memory_space<hbm>>
      tpu.enqueue_dma source(%dma_start3A_969 : memref<64x128xf32, #tpu.memory_space<hbm>>) target(%dma_start3A_967 : memref<64x128xf32, #tpu.memory_space<vmem>>) target_semaphore(%arg14 : memref<!tpu.dma_semaphore, #tpu.memory_space<semaphore_mem>>)
      %dma_start3A_970 = arith.constant 2 : i32
      %dma_start3A_971 = arith.constant 0 : i32
      %dma_start3A_972 = arith.constant 0 : i32
      %dma_start3A_973 = tpu.memref_slice %arg10[%dma_start3A_970, %dma_start3A_971, %dma_start3A_972] : memref<7x64x128xf32, #tpu.memory_space<vmem>> -> memref<1x64x128xf32, #tpu.memory_space<vmem>>
      %dma_start3A_974 = tpu.memref_squeeze %dma_start3A_973 : memref<1x64x128xf32, #tpu.memory_space<vmem>> -> memref<64x128xf32, #tpu.memory_space<vmem>>
      %dma_start3A_975 = arith.constant 0 : i32
      %dma_start3A_976 = tpu.memref_slice %arg5[%dma_start3A_975, %multiple_of3A_956] : memref<64x1000000xf32, #tpu.memory_space<hbm>> -> memref<64x128xf32, #tpu.memory_space<hbm>>
      %dma_start3A_977 = arith.constant 0 : i32
      %dma_start3A_978 = arith.constant 0 : i32
      %dma_start3A_979 = tpu.memref_slice %arg10[%dma_start3A_970, %dma_start3A_977, %dma_start3A_978] : memref<7x64x128xf32, #tpu.memory_space<vmem>> -> memref<1x64x128xf32, #tpu.memory_space<vmem>>
      %dma_start3A_980 = tpu.memref_squeeze %dma_start3A_979 : memref<1x64x128xf32, #tpu.memory_space<vmem>> -> memref<64x128xf32, #tpu.memory_space<vmem>>
      %dma_start3A_981 = arith.constant 0 : i32
      %dma_start3A_982 = tpu.memref_slice %arg5[%dma_start3A_981, %multiple_of3A_956] : memref<64x1000000xf32, #tpu.memory_space<hbm>> -> memref<64x128xf32, #tpu.memory_space<hbm>>
      tpu.enqueue_dma source(%dma_start3A_982 : memref<64x128xf32, #tpu.memory_space<hbm>>) target(%dma_start3A_980 : memref<64x128xf32, #tpu.memory_space<vmem>>) target_semaphore(%arg14 : memref<!tpu.dma_semaphore, #tpu.memory_space<semaphore_mem>>)
      %dma_wait3A_983 = arith.constant 3 : i32
      %dma_wait3A_984 = arith.constant 0 : i32
      %dma_wait3A_985 = arith.constant 0 : i32
      %dma_wait3A_986 = tpu.memref_slice %arg9[%dma_wait3A_983, %dma_wait3A_984, %dma_wait3A_985] : memref<7x64x128xf32, #tpu.memory_space<vmem>> -> memref<1x64x128xf32, #tpu.memory_space<vmem>>
      %dma_wait3A_987 = tpu.memref_squeeze %dma_wait3A_986 : memref<1x64x128xf32, #tpu.memory_space<vmem>> -> memref<64x128xf32, #tpu.memory_space<vmem>>
      %dma_wait3A_988 = arith.constant 0 : i32
      %dma_wait3A_989 = arith.constant 0 : i32
      %dma_wait3A_990 = tpu.memref_slice %arg4[%dma_wait3A_988, %dma_wait3A_989] : memref<64x1000000xf32, #tpu.memory_space<hbm>> -> memref<64x128xf32, #tpu.memory_space<hbm>>
      %dma_wait3A_991 = arith.constant 0 : i32
      %dma_wait3A_992 = arith.constant 0 : i32
      %dma_wait3A_993 = tpu.memref_slice %arg9[%dma_wait3A_983, %dma_wait3A_991, %dma_wait3A_992] : memref<7x64x128xf32, #tpu.memory_space<vmem>> -> memref<1x64x128xf32, #tpu.memory_space<vmem>>
      %dma_wait3A_994 = tpu.memref_squeeze %dma_wait3A_993 : memref<1x64x128xf32, #tpu.memory_space<vmem>> -> memref<64x128xf32, #tpu.memory_space<vmem>>
      %dma_wait3A_995 = arith.constant 0 : i32
      %dma_wait3A_996 = arith.constant 0 : i32
      %dma_wait3A_997 = tpu.memref_slice %arg4[%dma_wait3A_995, %dma_wait3A_996] : memref<64x1000000xf32, #tpu.memory_space<hbm>> -> memref<64x128xf32, #tpu.memory_space<hbm>>
      tpu.wait_dma2 semaphore(%arg15 : memref<!tpu.dma_semaphore, #tpu.memory_space<semaphore_mem>>) src(%dma_wait3A_997 : memref<64x128xf32, #tpu.memory_space<hbm>>) dst(%dma_wait3A_994 : memref<64x128xf32, #tpu.memory_space<vmem>>)
      %dma_wait3A_998 = arith.constant 3 : i32
      %dma_wait3A_999 = arith.constant 0 : i32
      %dma_wait3A_1000 = arith.constant 0 : i32
      %dma_wait3A_1001 = tpu.memref_slice %arg10[%dma_wait3A_998, %dma_wait3A_999, %dma_wait3A_1000] : memref<7x64x128xf32, #tpu.memory_space<vmem>> -> memref<1x64x128xf32, #tpu.memory_space<vmem>>
      %dma_wait3A_1002 = tpu.memref_squeeze %dma_wait3A_1001 : memref<1x64x128xf32, #tpu.memory_space<vmem>> -> memref<64x128xf32, #tpu.memory_space<vmem>>
      %dma_wait3A_1003 = arith.constant 0 : i32
      %dma_wait3A_1004 = arith.constant 0 : i32
      %dma_wait3A_1005 = tpu.memref_slice %arg5[%dma_wait3A_1003, %dma_wait3A_1004] : memref<64x1000000xf32, #tpu.memory_space<hbm>> -> memref<64x128xf32, #tpu.memory_space<hbm>>
      %dma_wait3A_1006 = arith.constant 0 : i32
      %dma_wait3A_1007 = arith.constant 0 : i32
      %dma_wait3A_1008 = tpu.memref_slice %arg10[%dma_wait3A_998, %dma_wait3A_1006, %dma_wait3A_1007] : memref<7x64x128xf32, #tpu.memory_space<vmem>> -> memref<1x64x128xf32, #tpu.memory_space<vmem>>
      %dma_wait3A_1009 = tpu.memref_squeeze %dma_wait3A_1008 : memref<1x64x128xf32, #tpu.memory_space<vmem>> -> memref<64x128xf32, #tpu.memory_space<vmem>>
      %dma_wait3A_1010 = arith.constant 0 : i32
      %dma_wait3A_1011 = arith.constant 0 : i32
      %dma_wait3A_1012 = tpu.memref_slice %arg5[%dma_wait3A_1010, %dma_wait3A_1011] : memref<64x1000000xf32, #tpu.memory_space<hbm>> -> memref<64x128xf32, #tpu.memory_space<hbm>>
      tpu.wait_dma2 semaphore(%arg15 : memref<!tpu.dma_semaphore, #tpu.memory_space<semaphore_mem>>) src(%dma_wait3A_1012 : memref<64x128xf32, #tpu.memory_space<hbm>>) dst(%dma_wait3A_1009 : memref<64x128xf32, #tpu.memory_space<vmem>>)
      %add3A_1013 = arith.constant 3 : i32
      %add3A_1014 = arith.addi %mul3A_404, %add3A_1013 : i32
      %add3A_1015 = vector.broadcast %add3A_1014 : i32 to vector<16xi32>
      %add3A_1016 = arith.addi %shift_right_arithmetic3A_7, %add3A_1015 : vector<16xi32>
      %gather3A_1017 = tpu.vector_load_idx %arg7[%add3A_1016] : memref<512xi32, #tpu.memory_space<vmem>>[vector<16xi32>], vector<16xi32>,
      %and3A_1018 = arith.constant 127 : i32
      %and3A_1019 = vector.broadcast %and3A_1018 : i32 to vector<16xi32>
      %and3A_1020 = arith.andi %gather3A_1017, %and3A_1019 : vector<16xi32>
      %add3A_1021 = vector.broadcast %add3A_1014 : i32 to vector<16xi32>
      %add3A_1022 = arith.addi %shift_right_arithmetic3A_7, %add3A_1021 : vector<16xi32>
      %gather3A_1023 = tpu.vector_load_idx %arg8[%add3A_1022] : memref<512xi32, #tpu.memory_space<vmem>>[vector<16xi32>], vector<16xi32>,
      %and3A_1024 = arith.constant 127 : i32
      %and3A_1025 = vector.broadcast %and3A_1024 : i32 to vector<16xi32>
      %and3A_1026 = arith.andi %gather3A_1023, %and3A_1025 : vector<16xi32>
      %broadcast_in_dim3A_1027 = arith.constant 0.000000e+00 : f32
      %broadcast_in_dim3A_1028 = vector.broadcast %broadcast_in_dim3A_1027 : f32 to vector<16xf32>
      %add3A_1029 = arith.constant 0 : i32
      %add3A_1030 = vector.broadcast %add3A_1029 : i32 to vector<16xi32>
      %add3A_1031 = arith.addi %iota3A, %add3A_1030 : vector<16xi32>
      %gather3A_1032 = arith.constant 3 : i32
      %gather3A_1033 = arith.constant 0 : i32
      %gather3A_1034 = arith.constant 0 : i32
      %gather3A_1035 = tpu.memref_slice %arg9[%gather3A_1032, %gather3A_1033, %gather3A_1034] : memref<7x64x128xf32, #tpu.memory_space<vmem>> -> memref<1x64x128xf32, #tpu.memory_space<vmem>>
      %gather3A_1036 = tpu.memref_squeeze %gather3A_1035 : memref<1x64x128xf32, #tpu.memory_space<vmem>> -> memref<64x128xf32, #tpu.memory_space<vmem>>
      %gather3A_1037 = tpu.vector_load_idx %gather3A_1036[%add3A_1031, %and3A_1020] : memref<64x128xf32, #tpu.memory_space<vmem>>[vector<16xi32>, vector<16xi32>], vector<16xf32>,
      %gather3A_1038 = arith.constant 3 : i32
      %gather3A_1039 = arith.constant 0 : i32
      %gather3A_1040 = arith.constant 0 : i32
      %gather3A_1041 = tpu.memref_slice %arg10[%gather3A_1038, %gather3A_1039, %gather3A_1040] : memref<7x64x128xf32, #tpu.memory_space<vmem>> -> memref<1x64x128xf32, #tpu.memory_space<vmem>>
      %gather3A_1042 = tpu.memref_squeeze %gather3A_1041 : memref<1x64x128xf32, #tpu.memory_space<vmem>> -> memref<64x128xf32, #tpu.memory_space<vmem>>
      %gather3A_1043 = tpu.vector_load_idx %gather3A_1042[%add3A_1031, %and3A_1026] : memref<64x128xf32, #tpu.memory_space<vmem>>[vector<16xi32>, vector<16xi32>], vector<16xf32>,
      %mul3A_1044 = arith.mulf %gather3A_1037, %gather3A_1043 : vector<16xf32>
      %add3A_1045 = arith.addf %broadcast_in_dim3A_1028, %mul3A_1044 : vector<16xf32>
      %add3A_1046 = arith.constant 16 : i32
      %add3A_1047 = vector.broadcast %add3A_1046 : i32 to vector<16xi32>
      %add3A_1048 = arith.addi %iota3A, %add3A_1047 : vector<16xi32>
      %gather3A_1049 = arith.constant 3 : i32
      %gather3A_1050 = arith.constant 0 : i32
      %gather3A_1051 = arith.constant 0 : i32
      %gather3A_1052 = tpu.memref_slice %arg9[%gather3A_1049, %gather3A_1050, %gather3A_1051] : memref<7x64x128xf32, #tpu.memory_space<vmem>> -> memref<1x64x128xf32, #tpu.memory_space<vmem>>
      %gather3A_1053 = tpu.memref_squeeze %gather3A_1052 : memref<1x64x128xf32, #tpu.memory_space<vmem>> -> memref<64x128xf32, #tpu.memory_space<vmem>>
      %gather3A_1054 = tpu.vector_load_idx %gather3A_1053[%add3A_1048, %and3A_1020] : memref<64x128xf32, #tpu.memory_space<vmem>>[vector<16xi32>, vector<16xi32>], vector<16xf32>,
      %gather3A_1055 = arith.constant 3 : i32
      %gather3A_1056 = arith.constant 0 : i32
      %gather3A_1057 = arith.constant 0 : i32
      %gather3A_1058 = tpu.memref_slice %arg10[%gather3A_1055, %gather3A_1056, %gather3A_1057] : memref<7x64x128xf32, #tpu.memory_space<vmem>> -> memref<1x64x128xf32, #tpu.memory_space<vmem>>
      %gather3A_1059 = tpu.memref_squeeze %gather3A_1058 : memref<1x64x128xf32, #tpu.memory_space<vmem>> -> memref<64x128xf32, #tpu.memory_space<vmem>>
      %gather3A_1060 = tpu.vector_load_idx %gather3A_1059[%add3A_1048, %and3A_1026] : memref<64x128xf32, #tpu.memory_space<vmem>>[vector<16xi32>, vector<16xi32>], vector<16xf32>,
      %mul3A_1061 = arith.mulf %gather3A_1054, %gather3A_1060 : vector<16xf32>
      %add3A_1062 = arith.addf %add3A_1045, %mul3A_1061 : vector<16xf32>
      %add3A_1063 = arith.constant 32 : i32
      %add3A_1064 = vector.broadcast %add3A_1063 : i32 to vector<16xi32>
      %add3A_1065 = arith.addi %iota3A, %add3A_1064 : vector<16xi32>
      %gather3A_1066 = arith.constant 3 : i32
      %gather3A_1067 = arith.constant 0 : i32
      %gather3A_1068 = arith.constant 0 : i32
      %gather3A_1069 = tpu.memref_slice %arg9[%gather3A_1066, %gather3A_1067, %gather3A_1068] : memref<7x64x128xf32, #tpu.memory_space<vmem>> -> memref<1x64x128xf32, #tpu.memory_space<vmem>>
      %gather3A_1070 = tpu.memref_squeeze %gather3A_1069 : memref<1x64x128xf32, #tpu.memory_space<vmem>> -> memref<64x128xf32, #tpu.memory_space<vmem>>
      %gather3A_1071 = tpu.vector_load_idx %gather3A_1070[%add3A_1065, %and3A_1020] : memref<64x128xf32, #tpu.memory_space<vmem>>[vector<16xi32>, vector<16xi32>], vector<16xf32>,
      %gather3A_1072 = arith.constant 3 : i32
      %gather3A_1073 = arith.constant 0 : i32
      %gather3A_1074 = arith.constant 0 : i32
      %gather3A_1075 = tpu.memref_slice %arg10[%gather3A_1072, %gather3A_1073, %gather3A_1074] : memref<7x64x128xf32, #tpu.memory_space<vmem>> -> memref<1x64x128xf32, #tpu.memory_space<vmem>>
      %gather3A_1076 = tpu.memref_squeeze %gather3A_1075 : memref<1x64x128xf32, #tpu.memory_space<vmem>> -> memref<64x128xf32, #tpu.memory_space<vmem>>
      %gather3A_1077 = tpu.vector_load_idx %gather3A_1076[%add3A_1065, %and3A_1026] : memref<64x128xf32, #tpu.memory_space<vmem>>[vector<16xi32>, vector<16xi32>], vector<16xf32>,
      %mul3A_1078 = arith.mulf %gather3A_1071, %gather3A_1077 : vector<16xf32>
      %add3A_1079 = arith.addf %add3A_1062, %mul3A_1078 : vector<16xf32>
      %add3A_1080 = arith.constant 48 : i32
      %add3A_1081 = vector.broadcast %add3A_1080 : i32 to vector<16xi32>
      %add3A_1082 = arith.addi %iota3A, %add3A_1081 : vector<16xi32>
      %gather3A_1083 = arith.constant 3 : i32
      %gather3A_1084 = arith.constant 0 : i32
      %gather3A_1085 = arith.constant 0 : i32
      %gather3A_1086 = tpu.memref_slice %arg9[%gather3A_1083, %gather3A_1084, %gather3A_1085] : memref<7x64x128xf32, #tpu.memory_space<vmem>> -> memref<1x64x128xf32, #tpu.memory_space<vmem>>
      %gather3A_1087 = tpu.memref_squeeze %gather3A_1086 : memref<1x64x128xf32, #tpu.memory_space<vmem>> -> memref<64x128xf32, #tpu.memory_space<vmem>>
      %gather3A_1088 = tpu.vector_load_idx %gather3A_1087[%add3A_1082, %and3A_1020] : memref<64x128xf32, #tpu.memory_space<vmem>>[vector<16xi32>, vector<16xi32>], vector<16xf32>,
      %gather3A_1089 = arith.constant 3 : i32
      %gather3A_1090 = arith.constant 0 : i32
      %gather3A_1091 = arith.constant 0 : i32
      %gather3A_1092 = tpu.memref_slice %arg10[%gather3A_1089, %gather3A_1090, %gather3A_1091] : memref<7x64x128xf32, #tpu.memory_space<vmem>> -> memref<1x64x128xf32, #tpu.memory_space<vmem>>
      %gather3A_1093 = tpu.memref_squeeze %gather3A_1092 : memref<1x64x128xf32, #tpu.memory_space<vmem>> -> memref<64x128xf32, #tpu.memory_space<vmem>>
      %gather3A_1094 = tpu.vector_load_idx %gather3A_1093[%add3A_1082, %and3A_1026] : memref<64x128xf32, #tpu.memory_space<vmem>>[vector<16xi32>, vector<16xi32>], vector<16xf32>,
      %mul3A_1095 = arith.mulf %gather3A_1088, %gather3A_1094 : vector<16xf32>
      %add3A_1096 = arith.addf %add3A_1079, %mul3A_1095 : vector<16xf32>
      %reduce_sum3A_1097 = arith.constant true
      %reduce_sum3A_1098 = vector.broadcast %reduce_sum3A_1097 : i1 to vector<16xi1>
      %reduce_sum3A_1099 = tpu.scan <sum>, %add3A_1096 masked %reduce_sum3A_1098 : vector<16xf32>, vector<16xi1> -> vector<16xf32>
      %reduce_sum3A_1100 = vector.extract %reduce_sum3A_1099[15] : f32 from vector<16xf32>
      %broadcast_in_dim3A_1101 = arith.constant 0 : i32
      %broadcast_in_dim3A_1102 = vector.broadcast %broadcast_in_dim3A_1101 : i32 to vector<16xi32>
      %add3A_1103 = vector.broadcast %add3A_1014 : i32 to vector<16xi32>
      %add3A_1104 = arith.addi %broadcast_in_dim3A_1102, %add3A_1103 : vector<16xi32>
      %broadcast_in_dim3A_1105 = arith.constant 0.000000e+00 : f32
      %broadcast_in_dim3A_1106 = vector.broadcast %broadcast_in_dim3A_1105 : f32 to vector<16xf32>
      %add3A_1107 = vector.broadcast %reduce_sum3A_1100 : f32 to vector<16xf32>
      %add3A_1108 = arith.addf %broadcast_in_dim3A_1106, %add3A_1107 : vector<16xf32>
      tpu.vector_store_idx %arg11[%add3A_1104], %add3A_1108 masked %eq3A_4 : memref<512xf32, #tpu.memory_space<vmem>>[vector<16xi32>], vector<16xf32>, vector<16xi1>
      %add3A_1109 = arith.constant 3 : i32
      %add3A_1110 = arith.addi %mul3A_404, %add3A_1109 : i32
      %add3A_1111 = arith.constant 7 : i32
      %add3A_1112 = arith.addi %add3A_1110, %add3A_1111 : i32
      %min3A_1113 = arith.constant 510 : i32
      %min3A_1114 = arith.minsi %add3A_1112, %min3A_1113 : i32
      %add3A_1115 = vector.broadcast %min3A_1114 : i32 to vector<16xi32>
      %add3A_1116 = arith.addi %shift_right_arithmetic3A_7, %add3A_1115 : vector<16xi32>
      %gather3A_1117 = tpu.vector_load_idx %arg7[%add3A_1116] : memref<512xi32, #tpu.memory_space<vmem>>[vector<16xi32>], vector<16xi32>,
      %shift_right_arithmetic3A_1118 = arith.constant 7 : i32
      %shift_right_arithmetic3A_1119 = vector.broadcast %shift_right_arithmetic3A_1118 : i32 to vector<16xi32>
      %shift_right_arithmetic3A_1120 = arith.shrsi %gather3A_1117, %shift_right_arithmetic3A_1119 : vector<16xi32>
      %reduce_max3A_1121 = arith.constant true
      %reduce_max3A_1122 = vector.broadcast %reduce_max3A_1121 : i1 to vector<16xi1>
      %reduce_max3A_1123 = arith.constant -2147483648 : i32
      %reduce_max3A_1124 = vector.broadcast %reduce_max3A_1123 : i32 to vector<16xi32>
      %reduce_max3A_1125 = arith.xori %shift_right_arithmetic3A_1120, %reduce_max3A_1124 : vector<16xi32>
      %reduce_max3A_1126 = tpu.scan <max>, %reduce_max3A_1125 masked %reduce_max3A_1122 : vector<16xi32>, vector<16xi1> -> vector<16xi32>
      %reduce_max3A_1127 = arith.xori %reduce_max3A_1126, %reduce_max3A_1124 : vector<16xi32>
      %reduce_max3A_1128 = vector.extract %reduce_max3A_1127[15] : i32 from vector<16xi32>
      %add3A_1129 = vector.broadcast %min3A_1114 : i32 to vector<16xi32>
      %add3A_1130 = arith.addi %shift_right_arithmetic3A_7, %add3A_1129 : vector<16xi32>
      %gather3A_1131 = tpu.vector_load_idx %arg8[%add3A_1130] : memref<512xi32, #tpu.memory_space<vmem>>[vector<16xi32>], vector<16xi32>,
      %shift_right_arithmetic3A_1132 = arith.constant 7 : i32
      %shift_right_arithmetic3A_1133 = vector.broadcast %shift_right_arithmetic3A_1132 : i32 to vector<16xi32>
      %shift_right_arithmetic3A_1134 = arith.shrsi %gather3A_1131, %shift_right_arithmetic3A_1133 : vector<16xi32>
      %reduce_max3A_1135 = arith.constant true
      %reduce_max3A_1136 = vector.broadcast %reduce_max3A_1135 : i1 to vector<16xi1>
      %reduce_max3A_1137 = arith.constant -2147483648 : i32
      %reduce_max3A_1138 = vector.broadcast %reduce_max3A_1137 : i32 to vector<16xi32>
      %reduce_max3A_1139 = arith.xori %shift_right_arithmetic3A_1134, %reduce_max3A_1138 : vector<16xi32>
      %reduce_max3A_1140 = tpu.scan <max>, %reduce_max3A_1139 masked %reduce_max3A_1136 : vector<16xi32>, vector<16xi1> -> vector<16xi32>
      %reduce_max3A_1141 = arith.xori %reduce_max3A_1140, %reduce_max3A_1138 : vector<16xi32>
      %reduce_max3A_1142 = vector.extract %reduce_max3A_1141[15] : i32 from vector<16xi32>
      %mul3A_1143 = arith.constant 128 : i32
      %mul3A_1144 = arith.muli %reduce_max3A_1128, %mul3A_1143 : i32
      %multiple_of3A_1145 = tpu.assume_multiple %mul3A_1144, 128 : i32
      %mul3A_1146 = arith.constant 128 : i32
      %mul3A_1147 = arith.muli %reduce_max3A_1142, %mul3A_1146 : i32
      %multiple_of3A_1148 = tpu.assume_multiple %mul3A_1147, 128 : i32
      %dma_start3A_1149 = arith.constant 3 : i32
      %dma_start3A_1150 = arith.constant 0 : i32
      %dma_start3A_1151 = arith.constant 0 : i32
      %dma_start3A_1152 = tpu.memref_slice %arg9[%dma_start3A_1149, %dma_start3A_1150, %dma_start3A_1151] : memref<7x64x128xf32, #tpu.memory_space<vmem>> -> memref<1x64x128xf32, #tpu.memory_space<vmem>>
      %dma_start3A_1153 = tpu.memref_squeeze %dma_start3A_1152 : memref<1x64x128xf32, #tpu.memory_space<vmem>> -> memref<64x128xf32, #tpu.memory_space<vmem>>
      %dma_start3A_1154 = arith.constant 0 : i32
      %dma_start3A_1155 = tpu.memref_slice %arg4[%dma_start3A_1154, %multiple_of3A_1145] : memref<64x1000000xf32, #tpu.memory_space<hbm>> -> memref<64x128xf32, #tpu.memory_space<hbm>>
      %dma_start3A_1156 = arith.constant 0 : i32
      %dma_start3A_1157 = arith.constant 0 : i32
      %dma_start3A_1158 = tpu.memref_slice %arg9[%dma_start3A_1149, %dma_start3A_1156, %dma_start3A_1157] : memref<7x64x128xf32, #tpu.memory_space<vmem>> -> memref<1x64x128xf32, #tpu.memory_space<vmem>>
      %dma_start3A_1159 = tpu.memref_squeeze %dma_start3A_1158 : memref<1x64x128xf32, #tpu.memory_space<vmem>> -> memref<64x128xf32, #tpu.memory_space<vmem>>
      %dma_start3A_1160 = arith.constant 0 : i32
      %dma_start3A_1161 = tpu.memref_slice %arg4[%dma_start3A_1160, %multiple_of3A_1145] : memref<64x1000000xf32, #tpu.memory_space<hbm>> -> memref<64x128xf32, #tpu.memory_space<hbm>>
      tpu.enqueue_dma source(%dma_start3A_1161 : memref<64x128xf32, #tpu.memory_space<hbm>>) target(%dma_start3A_1159 : memref<64x128xf32, #tpu.memory_space<vmem>>) target_semaphore(%arg15 : memref<!tpu.dma_semaphore, #tpu.memory_space<semaphore_mem>>)
      %dma_start3A_1162 = arith.constant 3 : i32
      %dma_start3A_1163 = arith.constant 0 : i32
      %dma_start3A_1164 = arith.constant 0 : i32
      %dma_start3A_1165 = tpu.memref_slice %arg10[%dma_start3A_1162, %dma_start3A_1163, %dma_start3A_1164] : memref<7x64x128xf32, #tpu.memory_space<vmem>> -> memref<1x64x128xf32, #tpu.memory_space<vmem>>
      %dma_start3A_1166 = tpu.memref_squeeze %dma_start3A_1165 : memref<1x64x128xf32, #tpu.memory_space<vmem>> -> memref<64x128xf32, #tpu.memory_space<vmem>>
      %dma_start3A_1167 = arith.constant 0 : i32
      %dma_start3A_1168 = tpu.memref_slice %arg5[%dma_start3A_1167, %multiple_of3A_1148] : memref<64x1000000xf32, #tpu.memory_space<hbm>> -> memref<64x128xf32, #tpu.memory_space<hbm>>
      %dma_start3A_1169 = arith.constant 0 : i32
      %dma_start3A_1170 = arith.constant 0 : i32
      %dma_start3A_1171 = tpu.memref_slice %arg10[%dma_start3A_1162, %dma_start3A_1169, %dma_start3A_1170] : memref<7x64x128xf32, #tpu.memory_space<vmem>> -> memref<1x64x128xf32, #tpu.memory_space<vmem>>
      %dma_start3A_1172 = tpu.memref_squeeze %dma_start3A_1171 : memref<1x64x128xf32, #tpu.memory_space<vmem>> -> memref<64x128xf32, #tpu.memory_space<vmem>>
      %dma_start3A_1173 = arith.constant 0 : i32
      %dma_start3A_1174 = tpu.memref_slice %arg5[%dma_start3A_1173, %multiple_of3A_1148] : memref<64x1000000xf32, #tpu.memory_space<hbm>> -> memref<64x128xf32, #tpu.memory_space<hbm>>
      tpu.enqueue_dma source(%dma_start3A_1174 : memref<64x128xf32, #tpu.memory_space<hbm>>) target(%dma_start3A_1172 : memref<64x128xf32, #tpu.memory_space<vmem>>) target_semaphore(%arg15 : memref<!tpu.dma_semaphore, #tpu.memory_space<semaphore_mem>>)
      %dma_wait3A_1175 = arith.constant 4 : i32
      %dma_wait3A_1176 = arith.constant 0 : i32
      %dma_wait3A_1177 = arith.constant 0 : i32
      %dma_wait3A_1178 = tpu.memref_slice %arg9[%dma_wait3A_1175, %dma_wait3A_1176, %dma_wait3A_1177] : memref<7x64x128xf32, #tpu.memory_space<vmem>> -> memref<1x64x128xf32, #tpu.memory_space<vmem>>
      %dma_wait3A_1179 = tpu.memref_squeeze %dma_wait3A_1178 : memref<1x64x128xf32, #tpu.memory_space<vmem>> -> memref<64x128xf32, #tpu.memory_space<vmem>>
      %dma_wait3A_1180 = arith.constant 0 : i32
      %dma_wait3A_1181 = arith.constant 0 : i32
      %dma_wait3A_1182 = tpu.memref_slice %arg4[%dma_wait3A_1180, %dma_wait3A_1181] : memref<64x1000000xf32, #tpu.memory_space<hbm>> -> memref<64x128xf32, #tpu.memory_space<hbm>>
      %dma_wait3A_1183 = arith.constant 0 : i32
      %dma_wait3A_1184 = arith.constant 0 : i32
      %dma_wait3A_1185 = tpu.memref_slice %arg9[%dma_wait3A_1175, %dma_wait3A_1183, %dma_wait3A_1184] : memref<7x64x128xf32, #tpu.memory_space<vmem>> -> memref<1x64x128xf32, #tpu.memory_space<vmem>>
      %dma_wait3A_1186 = tpu.memref_squeeze %dma_wait3A_1185 : memref<1x64x128xf32, #tpu.memory_space<vmem>> -> memref<64x128xf32, #tpu.memory_space<vmem>>
      %dma_wait3A_1187 = arith.constant 0 : i32
      %dma_wait3A_1188 = arith.constant 0 : i32
      %dma_wait3A_1189 = tpu.memref_slice %arg4[%dma_wait3A_1187, %dma_wait3A_1188] : memref<64x1000000xf32, #tpu.memory_space<hbm>> -> memref<64x128xf32, #tpu.memory_space<hbm>>
      tpu.wait_dma2 semaphore(%arg16 : memref<!tpu.dma_semaphore, #tpu.memory_space<semaphore_mem>>) src(%dma_wait3A_1189 : memref<64x128xf32, #tpu.memory_space<hbm>>) dst(%dma_wait3A_1186 : memref<64x128xf32, #tpu.memory_space<vmem>>)
      %dma_wait3A_1190 = arith.constant 4 : i32
      %dma_wait3A_1191 = arith.constant 0 : i32
      %dma_wait3A_1192 = arith.constant 0 : i32
      %dma_wait3A_1193 = tpu.memref_slice %arg10[%dma_wait3A_1190, %dma_wait3A_1191, %dma_wait3A_1192] : memref<7x64x128xf32, #tpu.memory_space<vmem>> -> memref<1x64x128xf32, #tpu.memory_space<vmem>>
      %dma_wait3A_1194 = tpu.memref_squeeze %dma_wait3A_1193 : memref<1x64x128xf32, #tpu.memory_space<vmem>> -> memref<64x128xf32, #tpu.memory_space<vmem>>
      %dma_wait3A_1195 = arith.constant 0 : i32
      %dma_wait3A_1196 = arith.constant 0 : i32
      %dma_wait3A_1197 = tpu.memref_slice %arg5[%dma_wait3A_1195, %dma_wait3A_1196] : memref<64x1000000xf32, #tpu.memory_space<hbm>> -> memref<64x128xf32, #tpu.memory_space<hbm>>
      %dma_wait3A_1198 = arith.constant 0 : i32
      %dma_wait3A_1199 = arith.constant 0 : i32
      %dma_wait3A_1200 = tpu.memref_slice %arg10[%dma_wait3A_1190, %dma_wait3A_1198, %dma_wait3A_1199] : memref<7x64x128xf32, #tpu.memory_space<vmem>> -> memref<1x64x128xf32, #tpu.memory_space<vmem>>
      %dma_wait3A_1201 = tpu.memref_squeeze %dma_wait3A_1200 : memref<1x64x128xf32, #tpu.memory_space<vmem>> -> memref<64x128xf32, #tpu.memory_space<vmem>>
      %dma_wait3A_1202 = arith.constant 0 : i32
      %dma_wait3A_1203 = arith.constant 0 : i32
      %dma_wait3A_1204 = tpu.memref_slice %arg5[%dma_wait3A_1202, %dma_wait3A_1203] : memref<64x1000000xf32, #tpu.memory_space<hbm>> -> memref<64x128xf32, #tpu.memory_space<hbm>>
      tpu.wait_dma2 semaphore(%arg16 : memref<!tpu.dma_semaphore, #tpu.memory_space<semaphore_mem>>) src(%dma_wait3A_1204 : memref<64x128xf32, #tpu.memory_space<hbm>>) dst(%dma_wait3A_1201 : memref<64x128xf32, #tpu.memory_space<vmem>>)
      %add3A_1205 = arith.constant 4 : i32
      %add3A_1206 = arith.addi %mul3A_404, %add3A_1205 : i32
      %add3A_1207 = vector.broadcast %add3A_1206 : i32 to vector<16xi32>
      %add3A_1208 = arith.addi %shift_right_arithmetic3A_7, %add3A_1207 : vector<16xi32>
      %gather3A_1209 = tpu.vector_load_idx %arg7[%add3A_1208] : memref<512xi32, #tpu.memory_space<vmem>>[vector<16xi32>], vector<16xi32>,
      %and3A_1210 = arith.constant 127 : i32
      %and3A_1211 = vector.broadcast %and3A_1210 : i32 to vector<16xi32>
      %and3A_1212 = arith.andi %gather3A_1209, %and3A_1211 : vector<16xi32>
      %add3A_1213 = vector.broadcast %add3A_1206 : i32 to vector<16xi32>
      %add3A_1214 = arith.addi %shift_right_arithmetic3A_7, %add3A_1213 : vector<16xi32>
      %gather3A_1215 = tpu.vector_load_idx %arg8[%add3A_1214] : memref<512xi32, #tpu.memory_space<vmem>>[vector<16xi32>], vector<16xi32>,
      %and3A_1216 = arith.constant 127 : i32
      %and3A_1217 = vector.broadcast %and3A_1216 : i32 to vector<16xi32>
      %and3A_1218 = arith.andi %gather3A_1215, %and3A_1217 : vector<16xi32>
      %broadcast_in_dim3A_1219 = arith.constant 0.000000e+00 : f32
      %broadcast_in_dim3A_1220 = vector.broadcast %broadcast_in_dim3A_1219 : f32 to vector<16xf32>
      %add3A_1221 = arith.constant 0 : i32
      %add3A_1222 = vector.broadcast %add3A_1221 : i32 to vector<16xi32>
      %add3A_1223 = arith.addi %iota3A, %add3A_1222 : vector<16xi32>
      %gather3A_1224 = arith.constant 4 : i32
      %gather3A_1225 = arith.constant 0 : i32
      %gather3A_1226 = arith.constant 0 : i32
      %gather3A_1227 = tpu.memref_slice %arg9[%gather3A_1224, %gather3A_1225, %gather3A_1226] : memref<7x64x128xf32, #tpu.memory_space<vmem>> -> memref<1x64x128xf32, #tpu.memory_space<vmem>>
      %gather3A_1228 = tpu.memref_squeeze %gather3A_1227 : memref<1x64x128xf32, #tpu.memory_space<vmem>> -> memref<64x128xf32, #tpu.memory_space<vmem>>
      %gather3A_1229 = tpu.vector_load_idx %gather3A_1228[%add3A_1223, %and3A_1212] : memref<64x128xf32, #tpu.memory_space<vmem>>[vector<16xi32>, vector<16xi32>], vector<16xf32>,
      %gather3A_1230 = arith.constant 4 : i32
      %gather3A_1231 = arith.constant 0 : i32
      %gather3A_1232 = arith.constant 0 : i32
      %gather3A_1233 = tpu.memref_slice %arg10[%gather3A_1230, %gather3A_1231, %gather3A_1232] : memref<7x64x128xf32, #tpu.memory_space<vmem>> -> memref<1x64x128xf32, #tpu.memory_space<vmem>>
      %gather3A_1234 = tpu.memref_squeeze %gather3A_1233 : memref<1x64x128xf32, #tpu.memory_space<vmem>> -> memref<64x128xf32, #tpu.memory_space<vmem>>
      %gather3A_1235 = tpu.vector_load_idx %gather3A_1234[%add3A_1223, %and3A_1218] : memref<64x128xf32, #tpu.memory_space<vmem>>[vector<16xi32>, vector<16xi32>], vector<16xf32>,
      %mul3A_1236 = arith.mulf %gather3A_1229, %gather3A_1235 : vector<16xf32>
      %add3A_1237 = arith.addf %broadcast_in_dim3A_1220, %mul3A_1236 : vector<16xf32>
      %add3A_1238 = arith.constant 16 : i32
      %add3A_1239 = vector.broadcast %add3A_1238 : i32 to vector<16xi32>
      %add3A_1240 = arith.addi %iota3A, %add3A_1239 : vector<16xi32>
      %gather3A_1241 = arith.constant 4 : i32
      %gather3A_1242 = arith.constant 0 : i32
      %gather3A_1243 = arith.constant 0 : i32
      %gather3A_1244 = tpu.memref_slice %arg9[%gather3A_1241, %gather3A_1242, %gather3A_1243] : memref<7x64x128xf32, #tpu.memory_space<vmem>> -> memref<1x64x128xf32, #tpu.memory_space<vmem>>
      %gather3A_1245 = tpu.memref_squeeze %gather3A_1244 : memref<1x64x128xf32, #tpu.memory_space<vmem>> -> memref<64x128xf32, #tpu.memory_space<vmem>>
      %gather3A_1246 = tpu.vector_load_idx %gather3A_1245[%add3A_1240, %and3A_1212] : memref<64x128xf32, #tpu.memory_space<vmem>>[vector<16xi32>, vector<16xi32>], vector<16xf32>,
      %gather3A_1247 = arith.constant 4 : i32
      %gather3A_1248 = arith.constant 0 : i32
      %gather3A_1249 = arith.constant 0 : i32
      %gather3A_1250 = tpu.memref_slice %arg10[%gather3A_1247, %gather3A_1248, %gather3A_1249] : memref<7x64x128xf32, #tpu.memory_space<vmem>> -> memref<1x64x128xf32, #tpu.memory_space<vmem>>
      %gather3A_1251 = tpu.memref_squeeze %gather3A_1250 : memref<1x64x128xf32, #tpu.memory_space<vmem>> -> memref<64x128xf32, #tpu.memory_space<vmem>>
      %gather3A_1252 = tpu.vector_load_idx %gather3A_1251[%add3A_1240, %and3A_1218] : memref<64x128xf32, #tpu.memory_space<vmem>>[vector<16xi32>, vector<16xi32>], vector<16xf32>,
      %mul3A_1253 = arith.mulf %gather3A_1246, %gather3A_1252 : vector<16xf32>
      %add3A_1254 = arith.addf %add3A_1237, %mul3A_1253 : vector<16xf32>
      %add3A_1255 = arith.constant 32 : i32
      %add3A_1256 = vector.broadcast %add3A_1255 : i32 to vector<16xi32>
      %add3A_1257 = arith.addi %iota3A, %add3A_1256 : vector<16xi32>
      %gather3A_1258 = arith.constant 4 : i32
      %gather3A_1259 = arith.constant 0 : i32
      %gather3A_1260 = arith.constant 0 : i32
      %gather3A_1261 = tpu.memref_slice %arg9[%gather3A_1258, %gather3A_1259, %gather3A_1260] : memref<7x64x128xf32, #tpu.memory_space<vmem>> -> memref<1x64x128xf32, #tpu.memory_space<vmem>>
      %gather3A_1262 = tpu.memref_squeeze %gather3A_1261 : memref<1x64x128xf32, #tpu.memory_space<vmem>> -> memref<64x128xf32, #tpu.memory_space<vmem>>
      %gather3A_1263 = tpu.vector_load_idx %gather3A_1262[%add3A_1257, %and3A_1212] : memref<64x128xf32, #tpu.memory_space<vmem>>[vector<16xi32>, vector<16xi32>], vector<16xf32>,
      %gather3A_1264 = arith.constant 4 : i32
      %gather3A_1265 = arith.constant 0 : i32
      %gather3A_1266 = arith.constant 0 : i32
      %gather3A_1267 = tpu.memref_slice %arg10[%gather3A_1264, %gather3A_1265, %gather3A_1266] : memref<7x64x128xf32, #tpu.memory_space<vmem>> -> memref<1x64x128xf32, #tpu.memory_space<vmem>>
      %gather3A_1268 = tpu.memref_squeeze %gather3A_1267 : memref<1x64x128xf32, #tpu.memory_space<vmem>> -> memref<64x128xf32, #tpu.memory_space<vmem>>
      %gather3A_1269 = tpu.vector_load_idx %gather3A_1268[%add3A_1257, %and3A_1218] : memref<64x128xf32, #tpu.memory_space<vmem>>[vector<16xi32>, vector<16xi32>], vector<16xf32>,
      %mul3A_1270 = arith.mulf %gather3A_1263, %gather3A_1269 : vector<16xf32>
      %add3A_1271 = arith.addf %add3A_1254, %mul3A_1270 : vector<16xf32>
      %add3A_1272 = arith.constant 48 : i32
      %add3A_1273 = vector.broadcast %add3A_1272 : i32 to vector<16xi32>
      %add3A_1274 = arith.addi %iota3A, %add3A_1273 : vector<16xi32>
      %gather3A_1275 = arith.constant 4 : i32
      %gather3A_1276 = arith.constant 0 : i32
      %gather3A_1277 = arith.constant 0 : i32
      %gather3A_1278 = tpu.memref_slice %arg9[%gather3A_1275, %gather3A_1276, %gather3A_1277] : memref<7x64x128xf32, #tpu.memory_space<vmem>> -> memref<1x64x128xf32, #tpu.memory_space<vmem>>
      %gather3A_1279 = tpu.memref_squeeze %gather3A_1278 : memref<1x64x128xf32, #tpu.memory_space<vmem>> -> memref<64x128xf32, #tpu.memory_space<vmem>>
      %gather3A_1280 = tpu.vector_load_idx %gather3A_1279[%add3A_1274, %and3A_1212] : memref<64x128xf32, #tpu.memory_space<vmem>>[vector<16xi32>, vector<16xi32>], vector<16xf32>,
      %gather3A_1281 = arith.constant 4 : i32
      %gather3A_1282 = arith.constant 0 : i32
      %gather3A_1283 = arith.constant 0 : i32
      %gather3A_1284 = tpu.memref_slice %arg10[%gather3A_1281, %gather3A_1282, %gather3A_1283] : memref<7x64x128xf32, #tpu.memory_space<vmem>> -> memref<1x64x128xf32, #tpu.memory_space<vmem>>
      %gather3A_1285 = tpu.memref_squeeze %gather3A_1284 : memref<1x64x128xf32, #tpu.memory_space<vmem>> -> memref<64x128xf32, #tpu.memory_space<vmem>>
      %gather3A_1286 = tpu.vector_load_idx %gather3A_1285[%add3A_1274, %and3A_1218] : memref<64x128xf32, #tpu.memory_space<vmem>>[vector<16xi32>, vector<16xi32>], vector<16xf32>,
      %mul3A_1287 = arith.mulf %gather3A_1280, %gather3A_1286 : vector<16xf32>
      %add3A_1288 = arith.addf %add3A_1271, %mul3A_1287 : vector<16xf32>
      %reduce_sum3A_1289 = arith.constant true
      %reduce_sum3A_1290 = vector.broadcast %reduce_sum3A_1289 : i1 to vector<16xi1>
      %reduce_sum3A_1291 = tpu.scan <sum>, %add3A_1288 masked %reduce_sum3A_1290 : vector<16xf32>, vector<16xi1> -> vector<16xf32>
      %reduce_sum3A_1292 = vector.extract %reduce_sum3A_1291[15] : f32 from vector<16xf32>
      %broadcast_in_dim3A_1293 = arith.constant 0 : i32
      %broadcast_in_dim3A_1294 = vector.broadcast %broadcast_in_dim3A_1293 : i32 to vector<16xi32>
      %add3A_1295 = vector.broadcast %add3A_1206 : i32 to vector<16xi32>
      %add3A_1296 = arith.addi %broadcast_in_dim3A_1294, %add3A_1295 : vector<16xi32>
      %broadcast_in_dim3A_1297 = arith.constant 0.000000e+00 : f32
      %broadcast_in_dim3A_1298 = vector.broadcast %broadcast_in_dim3A_1297 : f32 to vector<16xf32>
      %add3A_1299 = vector.broadcast %reduce_sum3A_1292 : f32 to vector<16xf32>
      %add3A_1300 = arith.addf %broadcast_in_dim3A_1298, %add3A_1299 : vector<16xf32>
      tpu.vector_store_idx %arg11[%add3A_1296], %add3A_1300 masked %eq3A_4 : memref<512xf32, #tpu.memory_space<vmem>>[vector<16xi32>], vector<16xf32>, vector<16xi1>
      %add3A_1301 = arith.constant 4 : i32
      %add3A_1302 = arith.addi %mul3A_404, %add3A_1301 : i32
      %add3A_1303 = arith.constant 7 : i32
      %add3A_1304 = arith.addi %add3A_1302, %add3A_1303 : i32
      %min3A_1305 = arith.constant 510 : i32
      %min3A_1306 = arith.minsi %add3A_1304, %min3A_1305 : i32
      %add3A_1307 = vector.broadcast %min3A_1306 : i32 to vector<16xi32>
      %add3A_1308 = arith.addi %shift_right_arithmetic3A_7, %add3A_1307 : vector<16xi32>
      %gather3A_1309 = tpu.vector_load_idx %arg7[%add3A_1308] : memref<512xi32, #tpu.memory_space<vmem>>[vector<16xi32>], vector<16xi32>,
      %shift_right_arithmetic3A_1310 = arith.constant 7 : i32
      %shift_right_arithmetic3A_1311 = vector.broadcast %shift_right_arithmetic3A_1310 : i32 to vector<16xi32>
      %shift_right_arithmetic3A_1312 = arith.shrsi %gather3A_1309, %shift_right_arithmetic3A_1311 : vector<16xi32>
      %reduce_max3A_1313 = arith.constant true
      %reduce_max3A_1314 = vector.broadcast %reduce_max3A_1313 : i1 to vector<16xi1>
      %reduce_max3A_1315 = arith.constant -2147483648 : i32
      %reduce_max3A_1316 = vector.broadcast %reduce_max3A_1315 : i32 to vector<16xi32>
      %reduce_max3A_1317 = arith.xori %shift_right_arithmetic3A_1312, %reduce_max3A_1316 : vector<16xi32>
      %reduce_max3A_1318 = tpu.scan <max>, %reduce_max3A_1317 masked %reduce_max3A_1314 : vector<16xi32>, vector<16xi1> -> vector<16xi32>
      %reduce_max3A_1319 = arith.xori %reduce_max3A_1318, %reduce_max3A_1316 : vector<16xi32>
      %reduce_max3A_1320 = vector.extract %reduce_max3A_1319[15] : i32 from vector<16xi32>
      %add3A_1321 = vector.broadcast %min3A_1306 : i32 to vector<16xi32>
      %add3A_1322 = arith.addi %shift_right_arithmetic3A_7, %add3A_1321 : vector<16xi32>
      %gather3A_1323 = tpu.vector_load_idx %arg8[%add3A_1322] : memref<512xi32, #tpu.memory_space<vmem>>[vector<16xi32>], vector<16xi32>,
      %shift_right_arithmetic3A_1324 = arith.constant 7 : i32
      %shift_right_arithmetic3A_1325 = vector.broadcast %shift_right_arithmetic3A_1324 : i32 to vector<16xi32>
      %shift_right_arithmetic3A_1326 = arith.shrsi %gather3A_1323, %shift_right_arithmetic3A_1325 : vector<16xi32>
      %reduce_max3A_1327 = arith.constant true
      %reduce_max3A_1328 = vector.broadcast %reduce_max3A_1327 : i1 to vector<16xi1>
      %reduce_max3A_1329 = arith.constant -2147483648 : i32
      %reduce_max3A_1330 = vector.broadcast %reduce_max3A_1329 : i32 to vector<16xi32>
      %reduce_max3A_1331 = arith.xori %shift_right_arithmetic3A_1326, %reduce_max3A_1330 : vector<16xi32>
      %reduce_max3A_1332 = tpu.scan <max>, %reduce_max3A_1331 masked %reduce_max3A_1328 : vector<16xi32>, vector<16xi1> -> vector<16xi32>
      %reduce_max3A_1333 = arith.xori %reduce_max3A_1332, %reduce_max3A_1330 : vector<16xi32>
      %reduce_max3A_1334 = vector.extract %reduce_max3A_1333[15] : i32 from vector<16xi32>
      %mul3A_1335 = arith.constant 128 : i32
      %mul3A_1336 = arith.muli %reduce_max3A_1320, %mul3A_1335 : i32
      %multiple_of3A_1337 = tpu.assume_multiple %mul3A_1336, 128 : i32
      %mul3A_1338 = arith.constant 128 : i32
      %mul3A_1339 = arith.muli %reduce_max3A_1334, %mul3A_1338 : i32
      %multiple_of3A_1340 = tpu.assume_multiple %mul3A_1339, 128 : i32
      %dma_start3A_1341 = arith.constant 4 : i32
      %dma_start3A_1342 = arith.constant 0 : i32
      %dma_start3A_1343 = arith.constant 0 : i32
      %dma_start3A_1344 = tpu.memref_slice %arg9[%dma_start3A_1341, %dma_start3A_1342, %dma_start3A_1343] : memref<7x64x128xf32, #tpu.memory_space<vmem>> -> memref<1x64x128xf32, #tpu.memory_space<vmem>>
      %dma_start3A_1345 = tpu.memref_squeeze %dma_start3A_1344 : memref<1x64x128xf32, #tpu.memory_space<vmem>> -> memref<64x128xf32, #tpu.memory_space<vmem>>
      %dma_start3A_1346 = arith.constant 0 : i32
      %dma_start3A_1347 = tpu.memref_slice %arg4[%dma_start3A_1346, %multiple_of3A_1337] : memref<64x1000000xf32, #tpu.memory_space<hbm>> -> memref<64x128xf32, #tpu.memory_space<hbm>>
      %dma_start3A_1348 = arith.constant 0 : i32
      %dma_start3A_1349 = arith.constant 0 : i32
      %dma_start3A_1350 = tpu.memref_slice %arg9[%dma_start3A_1341, %dma_start3A_1348, %dma_start3A_1349] : memref<7x64x128xf32, #tpu.memory_space<vmem>> -> memref<1x64x128xf32, #tpu.memory_space<vmem>>
      %dma_start3A_1351 = tpu.memref_squeeze %dma_start3A_1350 : memref<1x64x128xf32, #tpu.memory_space<vmem>> -> memref<64x128xf32, #tpu.memory_space<vmem>>
      %dma_start3A_1352 = arith.constant 0 : i32
      %dma_start3A_1353 = tpu.memref_slice %arg4[%dma_start3A_1352, %multiple_of3A_1337] : memref<64x1000000xf32, #tpu.memory_space<hbm>> -> memref<64x128xf32, #tpu.memory_space<hbm>>
      tpu.enqueue_dma source(%dma_start3A_1353 : memref<64x128xf32, #tpu.memory_space<hbm>>) target(%dma_start3A_1351 : memref<64x128xf32, #tpu.memory_space<vmem>>) target_semaphore(%arg16 : memref<!tpu.dma_semaphore, #tpu.memory_space<semaphore_mem>>)
      %dma_start3A_1354 = arith.constant 4 : i32
      %dma_start3A_1355 = arith.constant 0 : i32
      %dma_start3A_1356 = arith.constant 0 : i32
      %dma_start3A_1357 = tpu.memref_slice %arg10[%dma_start3A_1354, %dma_start3A_1355, %dma_start3A_1356] : memref<7x64x128xf32, #tpu.memory_space<vmem>> -> memref<1x64x128xf32, #tpu.memory_space<vmem>>
      %dma_start3A_1358 = tpu.memref_squeeze %dma_start3A_1357 : memref<1x64x128xf32, #tpu.memory_space<vmem>> -> memref<64x128xf32, #tpu.memory_space<vmem>>
      %dma_start3A_1359 = arith.constant 0 : i32
      %dma_start3A_1360 = tpu.memref_slice %arg5[%dma_start3A_1359, %multiple_of3A_1340] : memref<64x1000000xf32, #tpu.memory_space<hbm>> -> memref<64x128xf32, #tpu.memory_space<hbm>>
      %dma_start3A_1361 = arith.constant 0 : i32
      %dma_start3A_1362 = arith.constant 0 : i32
      %dma_start3A_1363 = tpu.memref_slice %arg10[%dma_start3A_1354, %dma_start3A_1361, %dma_start3A_1362] : memref<7x64x128xf32, #tpu.memory_space<vmem>> -> memref<1x64x128xf32, #tpu.memory_space<vmem>>
      %dma_start3A_1364 = tpu.memref_squeeze %dma_start3A_1363 : memref<1x64x128xf32, #tpu.memory_space<vmem>> -> memref<64x128xf32, #tpu.memory_space<vmem>>
      %dma_start3A_1365 = arith.constant 0 : i32
      %dma_start3A_1366 = tpu.memref_slice %arg5[%dma_start3A_1365, %multiple_of3A_1340] : memref<64x1000000xf32, #tpu.memory_space<hbm>> -> memref<64x128xf32, #tpu.memory_space<hbm>>
      tpu.enqueue_dma source(%dma_start3A_1366 : memref<64x128xf32, #tpu.memory_space<hbm>>) target(%dma_start3A_1364 : memref<64x128xf32, #tpu.memory_space<vmem>>) target_semaphore(%arg16 : memref<!tpu.dma_semaphore, #tpu.memory_space<semaphore_mem>>)
      %dma_wait3A_1367 = arith.constant 5 : i32
      %dma_wait3A_1368 = arith.constant 0 : i32
      %dma_wait3A_1369 = arith.constant 0 : i32
      %dma_wait3A_1370 = tpu.memref_slice %arg9[%dma_wait3A_1367, %dma_wait3A_1368, %dma_wait3A_1369] : memref<7x64x128xf32, #tpu.memory_space<vmem>> -> memref<1x64x128xf32, #tpu.memory_space<vmem>>
      %dma_wait3A_1371 = tpu.memref_squeeze %dma_wait3A_1370 : memref<1x64x128xf32, #tpu.memory_space<vmem>> -> memref<64x128xf32, #tpu.memory_space<vmem>>
      %dma_wait3A_1372 = arith.constant 0 : i32
      %dma_wait3A_1373 = arith.constant 0 : i32
      %dma_wait3A_1374 = tpu.memref_slice %arg4[%dma_wait3A_1372, %dma_wait3A_1373] : memref<64x1000000xf32, #tpu.memory_space<hbm>> -> memref<64x128xf32, #tpu.memory_space<hbm>>
      %dma_wait3A_1375 = arith.constant 0 : i32
      %dma_wait3A_1376 = arith.constant 0 : i32
      %dma_wait3A_1377 = tpu.memref_slice %arg9[%dma_wait3A_1367, %dma_wait3A_1375, %dma_wait3A_1376] : memref<7x64x128xf32, #tpu.memory_space<vmem>> -> memref<1x64x128xf32, #tpu.memory_space<vmem>>
      %dma_wait3A_1378 = tpu.memref_squeeze %dma_wait3A_1377 : memref<1x64x128xf32, #tpu.memory_space<vmem>> -> memref<64x128xf32, #tpu.memory_space<vmem>>
      %dma_wait3A_1379 = arith.constant 0 : i32
      %dma_wait3A_1380 = arith.constant 0 : i32
      %dma_wait3A_1381 = tpu.memref_slice %arg4[%dma_wait3A_1379, %dma_wait3A_1380] : memref<64x1000000xf32, #tpu.memory_space<hbm>> -> memref<64x128xf32, #tpu.memory_space<hbm>>
      tpu.wait_dma2 semaphore(%arg17 : memref<!tpu.dma_semaphore, #tpu.memory_space<semaphore_mem>>) src(%dma_wait3A_1381 : memref<64x128xf32, #tpu.memory_space<hbm>>) dst(%dma_wait3A_1378 : memref<64x128xf32, #tpu.memory_space<vmem>>)
      %dma_wait3A_1382 = arith.constant 5 : i32
      %dma_wait3A_1383 = arith.constant 0 : i32
      %dma_wait3A_1384 = arith.constant 0 : i32
      %dma_wait3A_1385 = tpu.memref_slice %arg10[%dma_wait3A_1382, %dma_wait3A_1383, %dma_wait3A_1384] : memref<7x64x128xf32, #tpu.memory_space<vmem>> -> memref<1x64x128xf32, #tpu.memory_space<vmem>>
      %dma_wait3A_1386 = tpu.memref_squeeze %dma_wait3A_1385 : memref<1x64x128xf32, #tpu.memory_space<vmem>> -> memref<64x128xf32, #tpu.memory_space<vmem>>
      %dma_wait3A_1387 = arith.constant 0 : i32
      %dma_wait3A_1388 = arith.constant 0 : i32
      %dma_wait3A_1389 = tpu.memref_slice %arg5[%dma_wait3A_1387, %dma_wait3A_1388] : memref<64x1000000xf32, #tpu.memory_space<hbm>> -> memref<64x128xf32, #tpu.memory_space<hbm>>
      %dma_wait3A_1390 = arith.constant 0 : i32
      %dma_wait3A_1391 = arith.constant 0 : i32
      %dma_wait3A_1392 = tpu.memref_slice %arg10[%dma_wait3A_1382, %dma_wait3A_1390, %dma_wait3A_1391] : memref<7x64x128xf32, #tpu.memory_space<vmem>> -> memref<1x64x128xf32, #tpu.memory_space<vmem>>
      %dma_wait3A_1393 = tpu.memref_squeeze %dma_wait3A_1392 : memref<1x64x128xf32, #tpu.memory_space<vmem>> -> memref<64x128xf32, #tpu.memory_space<vmem>>
      %dma_wait3A_1394 = arith.constant 0 : i32
      %dma_wait3A_1395 = arith.constant 0 : i32
      %dma_wait3A_1396 = tpu.memref_slice %arg5[%dma_wait3A_1394, %dma_wait3A_1395] : memref<64x1000000xf32, #tpu.memory_space<hbm>> -> memref<64x128xf32, #tpu.memory_space<hbm>>
      tpu.wait_dma2 semaphore(%arg17 : memref<!tpu.dma_semaphore, #tpu.memory_space<semaphore_mem>>) src(%dma_wait3A_1396 : memref<64x128xf32, #tpu.memory_space<hbm>>) dst(%dma_wait3A_1393 : memref<64x128xf32, #tpu.memory_space<vmem>>)
      %add3A_1397 = arith.constant 5 : i32
      %add3A_1398 = arith.addi %mul3A_404, %add3A_1397 : i32
      %add3A_1399 = vector.broadcast %add3A_1398 : i32 to vector<16xi32>
      %add3A_1400 = arith.addi %shift_right_arithmetic3A_7, %add3A_1399 : vector<16xi32>
      %gather3A_1401 = tpu.vector_load_idx %arg7[%add3A_1400] : memref<512xi32, #tpu.memory_space<vmem>>[vector<16xi32>], vector<16xi32>,
      %and3A_1402 = arith.constant 127 : i32
      %and3A_1403 = vector.broadcast %and3A_1402 : i32 to vector<16xi32>
      %and3A_1404 = arith.andi %gather3A_1401, %and3A_1403 : vector<16xi32>
      %add3A_1405 = vector.broadcast %add3A_1398 : i32 to vector<16xi32>
      %add3A_1406 = arith.addi %shift_right_arithmetic3A_7, %add3A_1405 : vector<16xi32>
      %gather3A_1407 = tpu.vector_load_idx %arg8[%add3A_1406] : memref<512xi32, #tpu.memory_space<vmem>>[vector<16xi32>], vector<16xi32>,
      %and3A_1408 = arith.constant 127 : i32
      %and3A_1409 = vector.broadcast %and3A_1408 : i32 to vector<16xi32>
      %and3A_1410 = arith.andi %gather3A_1407, %and3A_1409 : vector<16xi32>
      %broadcast_in_dim3A_1411 = arith.constant 0.000000e+00 : f32
      %broadcast_in_dim3A_1412 = vector.broadcast %broadcast_in_dim3A_1411 : f32 to vector<16xf32>
      %add3A_1413 = arith.constant 0 : i32
      %add3A_1414 = vector.broadcast %add3A_1413 : i32 to vector<16xi32>
      %add3A_1415 = arith.addi %iota3A, %add3A_1414 : vector<16xi32>
      %gather3A_1416 = arith.constant 5 : i32
      %gather3A_1417 = arith.constant 0 : i32
      %gather3A_1418 = arith.constant 0 : i32
      %gather3A_1419 = tpu.memref_slice %arg9[%gather3A_1416, %gather3A_1417, %gather3A_1418] : memref<7x64x128xf32, #tpu.memory_space<vmem>> -> memref<1x64x128xf32, #tpu.memory_space<vmem>>
      %gather3A_1420 = tpu.memref_squeeze %gather3A_1419 : memref<1x64x128xf32, #tpu.memory_space<vmem>> -> memref<64x128xf32, #tpu.memory_space<vmem>>
      %gather3A_1421 = tpu.vector_load_idx %gather3A_1420[%add3A_1415, %and3A_1404] : memref<64x128xf32, #tpu.memory_space<vmem>>[vector<16xi32>, vector<16xi32>], vector<16xf32>,
      %gather3A_1422 = arith.constant 5 : i32
      %gather3A_1423 = arith.constant 0 : i32
      %gather3A_1424 = arith.constant 0 : i32
      %gather3A_1425 = tpu.memref_slice %arg10[%gather3A_1422, %gather3A_1423, %gather3A_1424] : memref<7x64x128xf32, #tpu.memory_space<vmem>> -> memref<1x64x128xf32, #tpu.memory_space<vmem>>
      %gather3A_1426 = tpu.memref_squeeze %gather3A_1425 : memref<1x64x128xf32, #tpu.memory_space<vmem>> -> memref<64x128xf32, #tpu.memory_space<vmem>>
      %gather3A_1427 = tpu.vector_load_idx %gather3A_1426[%add3A_1415, %and3A_1410] : memref<64x128xf32, #tpu.memory_space<vmem>>[vector<16xi32>, vector<16xi32>], vector<16xf32>,
      %mul3A_1428 = arith.mulf %gather3A_1421, %gather3A_1427 : vector<16xf32>
      %add3A_1429 = arith.addf %broadcast_in_dim3A_1412, %mul3A_1428 : vector<16xf32>
      %add3A_1430 = arith.constant 16 : i32
      %add3A_1431 = vector.broadcast %add3A_1430 : i32 to vector<16xi32>
      %add3A_1432 = arith.addi %iota3A, %add3A_1431 : vector<16xi32>
      %gather3A_1433 = arith.constant 5 : i32
      %gather3A_1434 = arith.constant 0 : i32
      %gather3A_1435 = arith.constant 0 : i32
      %gather3A_1436 = tpu.memref_slice %arg9[%gather3A_1433, %gather3A_1434, %gather3A_1435] : memref<7x64x128xf32, #tpu.memory_space<vmem>> -> memref<1x64x128xf32, #tpu.memory_space<vmem>>
      %gather3A_1437 = tpu.memref_squeeze %gather3A_1436 : memref<1x64x128xf32, #tpu.memory_space<vmem>> -> memref<64x128xf32, #tpu.memory_space<vmem>>
      %gather3A_1438 = tpu.vector_load_idx %gather3A_1437[%add3A_1432, %and3A_1404] : memref<64x128xf32, #tpu.memory_space<vmem>>[vector<16xi32>, vector<16xi32>], vector<16xf32>,
      %gather3A_1439 = arith.constant 5 : i32
      %gather3A_1440 = arith.constant 0 : i32
      %gather3A_1441 = arith.constant 0 : i32
      %gather3A_1442 = tpu.memref_slice %arg10[%gather3A_1439, %gather3A_1440, %gather3A_1441] : memref<7x64x128xf32, #tpu.memory_space<vmem>> -> memref<1x64x128xf32, #tpu.memory_space<vmem>>
      %gather3A_1443 = tpu.memref_squeeze %gather3A_1442 : memref<1x64x128xf32, #tpu.memory_space<vmem>> -> memref<64x128xf32, #tpu.memory_space<vmem>>
      %gather3A_1444 = tpu.vector_load_idx %gather3A_1443[%add3A_1432, %and3A_1410] : memref<64x128xf32, #tpu.memory_space<vmem>>[vector<16xi32>, vector<16xi32>], vector<16xf32>,
      %mul3A_1445 = arith.mulf %gather3A_1438, %gather3A_1444 : vector<16xf32>
      %add3A_1446 = arith.addf %add3A_1429, %mul3A_1445 : vector<16xf32>
      %add3A_1447 = arith.constant 32 : i32
      %add3A_1448 = vector.broadcast %add3A_1447 : i32 to vector<16xi32>
      %add3A_1449 = arith.addi %iota3A, %add3A_1448 : vector<16xi32>
      %gather3A_1450 = arith.constant 5 : i32
      %gather3A_1451 = arith.constant 0 : i32
      %gather3A_1452 = arith.constant 0 : i32
      %gather3A_1453 = tpu.memref_slice %arg9[%gather3A_1450, %gather3A_1451, %gather3A_1452] : memref<7x64x128xf32, #tpu.memory_space<vmem>> -> memref<1x64x128xf32, #tpu.memory_space<vmem>>
      %gather3A_1454 = tpu.memref_squeeze %gather3A_1453 : memref<1x64x128xf32, #tpu.memory_space<vmem>> -> memref<64x128xf32, #tpu.memory_space<vmem>>
      %gather3A_1455 = tpu.vector_load_idx %gather3A_1454[%add3A_1449, %and3A_1404] : memref<64x128xf32, #tpu.memory_space<vmem>>[vector<16xi32>, vector<16xi32>], vector<16xf32>,
      %gather3A_1456 = arith.constant 5 : i32
      %gather3A_1457 = arith.constant 0 : i32
      %gather3A_1458 = arith.constant 0 : i32
      %gather3A_1459 = tpu.memref_slice %arg10[%gather3A_1456, %gather3A_1457, %gather3A_1458] : memref<7x64x128xf32, #tpu.memory_space<vmem>> -> memref<1x64x128xf32, #tpu.memory_space<vmem>>
      %gather3A_1460 = tpu.memref_squeeze %gather3A_1459 : memref<1x64x128xf32, #tpu.memory_space<vmem>> -> memref<64x128xf32, #tpu.memory_space<vmem>>
      %gather3A_1461 = tpu.vector_load_idx %gather3A_1460[%add3A_1449, %and3A_1410] : memref<64x128xf32, #tpu.memory_space<vmem>>[vector<16xi32>, vector<16xi32>], vector<16xf32>,
      %mul3A_1462 = arith.mulf %gather3A_1455, %gather3A_1461 : vector<16xf32>
      %add3A_1463 = arith.addf %add3A_1446, %mul3A_1462 : vector<16xf32>
      %add3A_1464 = arith.constant 48 : i32
      %add3A_1465 = vector.broadcast %add3A_1464 : i32 to vector<16xi32>
      %add3A_1466 = arith.addi %iota3A, %add3A_1465 : vector<16xi32>
      %gather3A_1467 = arith.constant 5 : i32
      %gather3A_1468 = arith.constant 0 : i32
      %gather3A_1469 = arith.constant 0 : i32
      %gather3A_1470 = tpu.memref_slice %arg9[%gather3A_1467, %gather3A_1468, %gather3A_1469] : memref<7x64x128xf32, #tpu.memory_space<vmem>> -> memref<1x64x128xf32, #tpu.memory_space<vmem>>
      %gather3A_1471 = tpu.memref_squeeze %gather3A_1470 : memref<1x64x128xf32, #tpu.memory_space<vmem>> -> memref<64x128xf32, #tpu.memory_space<vmem>>
      %gather3A_1472 = tpu.vector_load_idx %gather3A_1471[%add3A_1466, %and3A_1404] : memref<64x128xf32, #tpu.memory_space<vmem>>[vector<16xi32>, vector<16xi32>], vector<16xf32>,
      %gather3A_1473 = arith.constant 5 : i32
      %gather3A_1474 = arith.constant 0 : i32
      %gather3A_1475 = arith.constant 0 : i32
      %gather3A_1476 = tpu.memref_slice %arg10[%gather3A_1473, %gather3A_1474, %gather3A_1475] : memref<7x64x128xf32, #tpu.memory_space<vmem>> -> memref<1x64x128xf32, #tpu.memory_space<vmem>>
      %gather3A_1477 = tpu.memref_squeeze %gather3A_1476 : memref<1x64x128xf32, #tpu.memory_space<vmem>> -> memref<64x128xf32, #tpu.memory_space<vmem>>
      %gather3A_1478 = tpu.vector_load_idx %gather3A_1477[%add3A_1466, %and3A_1410] : memref<64x128xf32, #tpu.memory_space<vmem>>[vector<16xi32>, vector<16xi32>], vector<16xf32>,
      %mul3A_1479 = arith.mulf %gather3A_1472, %gather3A_1478 : vector<16xf32>
      %add3A_1480 = arith.addf %add3A_1463, %mul3A_1479 : vector<16xf32>
      %reduce_sum3A_1481 = arith.constant true
      %reduce_sum3A_1482 = vector.broadcast %reduce_sum3A_1481 : i1 to vector<16xi1>
      %reduce_sum3A_1483 = tpu.scan <sum>, %add3A_1480 masked %reduce_sum3A_1482 : vector<16xf32>, vector<16xi1> -> vector<16xf32>
      %reduce_sum3A_1484 = vector.extract %reduce_sum3A_1483[15] : f32 from vector<16xf32>
      %broadcast_in_dim3A_1485 = arith.constant 0 : i32
      %broadcast_in_dim3A_1486 = vector.broadcast %broadcast_in_dim3A_1485 : i32 to vector<16xi32>
      %add3A_1487 = vector.broadcast %add3A_1398 : i32 to vector<16xi32>
      %add3A_1488 = arith.addi %broadcast_in_dim3A_1486, %add3A_1487 : vector<16xi32>
      %broadcast_in_dim3A_1489 = arith.constant 0.000000e+00 : f32
      %broadcast_in_dim3A_1490 = vector.broadcast %broadcast_in_dim3A_1489 : f32 to vector<16xf32>
      %add3A_1491 = vector.broadcast %reduce_sum3A_1484 : f32 to vector<16xf32>
      %add3A_1492 = arith.addf %broadcast_in_dim3A_1490, %add3A_1491 : vector<16xf32>
      tpu.vector_store_idx %arg11[%add3A_1488], %add3A_1492 masked %eq3A_4 : memref<512xf32, #tpu.memory_space<vmem>>[vector<16xi32>], vector<16xf32>, vector<16xi1>
      %add3A_1493 = arith.constant 5 : i32
      %add3A_1494 = arith.addi %mul3A_404, %add3A_1493 : i32
      %add3A_1495 = arith.constant 7 : i32
      %add3A_1496 = arith.addi %add3A_1494, %add3A_1495 : i32
      %min3A_1497 = arith.constant 510 : i32
      %min3A_1498 = arith.minsi %add3A_1496, %min3A_1497 : i32
      %add3A_1499 = vector.broadcast %min3A_1498 : i32 to vector<16xi32>
      %add3A_1500 = arith.addi %shift_right_arithmetic3A_7, %add3A_1499 : vector<16xi32>
      %gather3A_1501 = tpu.vector_load_idx %arg7[%add3A_1500] : memref<512xi32, #tpu.memory_space<vmem>>[vector<16xi32>], vector<16xi32>,
      %shift_right_arithmetic3A_1502 = arith.constant 7 : i32
      %shift_right_arithmetic3A_1503 = vector.broadcast %shift_right_arithmetic3A_1502 : i32 to vector<16xi32>
      %shift_right_arithmetic3A_1504 = arith.shrsi %gather3A_1501, %shift_right_arithmetic3A_1503 : vector<16xi32>
      %reduce_max3A_1505 = arith.constant true
      %reduce_max3A_1506 = vector.broadcast %reduce_max3A_1505 : i1 to vector<16xi1>
      %reduce_max3A_1507 = arith.constant -2147483648 : i32
      %reduce_max3A_1508 = vector.broadcast %reduce_max3A_1507 : i32 to vector<16xi32>
      %reduce_max3A_1509 = arith.xori %shift_right_arithmetic3A_1504, %reduce_max3A_1508 : vector<16xi32>
      %reduce_max3A_1510 = tpu.scan <max>, %reduce_max3A_1509 masked %reduce_max3A_1506 : vector<16xi32>, vector<16xi1> -> vector<16xi32>
      %reduce_max3A_1511 = arith.xori %reduce_max3A_1510, %reduce_max3A_1508 : vector<16xi32>
      %reduce_max3A_1512 = vector.extract %reduce_max3A_1511[15] : i32 from vector<16xi32>
      %add3A_1513 = vector.broadcast %min3A_1498 : i32 to vector<16xi32>
      %add3A_1514 = arith.addi %shift_right_arithmetic3A_7, %add3A_1513 : vector<16xi32>
      %gather3A_1515 = tpu.vector_load_idx %arg8[%add3A_1514] : memref<512xi32, #tpu.memory_space<vmem>>[vector<16xi32>], vector<16xi32>,
      %shift_right_arithmetic3A_1516 = arith.constant 7 : i32
      %shift_right_arithmetic3A_1517 = vector.broadcast %shift_right_arithmetic3A_1516 : i32 to vector<16xi32>
      %shift_right_arithmetic3A_1518 = arith.shrsi %gather3A_1515, %shift_right_arithmetic3A_1517 : vector<16xi32>
      %reduce_max3A_1519 = arith.constant true
      %reduce_max3A_1520 = vector.broadcast %reduce_max3A_1519 : i1 to vector<16xi1>
      %reduce_max3A_1521 = arith.constant -2147483648 : i32
      %reduce_max3A_1522 = vector.broadcast %reduce_max3A_1521 : i32 to vector<16xi32>
      %reduce_max3A_1523 = arith.xori %shift_right_arithmetic3A_1518, %reduce_max3A_1522 : vector<16xi32>
      %reduce_max3A_1524 = tpu.scan <max>, %reduce_max3A_1523 masked %reduce_max3A_1520 : vector<16xi32>, vector<16xi1> -> vector<16xi32>
      %reduce_max3A_1525 = arith.xori %reduce_max3A_1524, %reduce_max3A_1522 : vector<16xi32>
      %reduce_max3A_1526 = vector.extract %reduce_max3A_1525[15] : i32 from vector<16xi32>
      %mul3A_1527 = arith.constant 128 : i32
      %mul3A_1528 = arith.muli %reduce_max3A_1512, %mul3A_1527 : i32
      %multiple_of3A_1529 = tpu.assume_multiple %mul3A_1528, 128 : i32
      %mul3A_1530 = arith.constant 128 : i32
      %mul3A_1531 = arith.muli %reduce_max3A_1526, %mul3A_1530 : i32
      %multiple_of3A_1532 = tpu.assume_multiple %mul3A_1531, 128 : i32
      %dma_start3A_1533 = arith.constant 5 : i32
      %dma_start3A_1534 = arith.constant 0 : i32
      %dma_start3A_1535 = arith.constant 0 : i32
      %dma_start3A_1536 = tpu.memref_slice %arg9[%dma_start3A_1533, %dma_start3A_1534, %dma_start3A_1535] : memref<7x64x128xf32, #tpu.memory_space<vmem>> -> memref<1x64x128xf32, #tpu.memory_space<vmem>>
      %dma_start3A_1537 = tpu.memref_squeeze %dma_start3A_1536 : memref<1x64x128xf32, #tpu.memory_space<vmem>> -> memref<64x128xf32, #tpu.memory_space<vmem>>
      %dma_start3A_1538 = arith.constant 0 : i32
      %dma_start3A_1539 = tpu.memref_slice %arg4[%dma_start3A_1538, %multiple_of3A_1529] : memref<64x1000000xf32, #tpu.memory_space<hbm>> -> memref<64x128xf32, #tpu.memory_space<hbm>>
      %dma_start3A_1540 = arith.constant 0 : i32
      %dma_start3A_1541 = arith.constant 0 : i32
      %dma_start3A_1542 = tpu.memref_slice %arg9[%dma_start3A_1533, %dma_start3A_1540, %dma_start3A_1541] : memref<7x64x128xf32, #tpu.memory_space<vmem>> -> memref<1x64x128xf32, #tpu.memory_space<vmem>>
      %dma_start3A_1543 = tpu.memref_squeeze %dma_start3A_1542 : memref<1x64x128xf32, #tpu.memory_space<vmem>> -> memref<64x128xf32, #tpu.memory_space<vmem>>
      %dma_start3A_1544 = arith.constant 0 : i32
      %dma_start3A_1545 = tpu.memref_slice %arg4[%dma_start3A_1544, %multiple_of3A_1529] : memref<64x1000000xf32, #tpu.memory_space<hbm>> -> memref<64x128xf32, #tpu.memory_space<hbm>>
      tpu.enqueue_dma source(%dma_start3A_1545 : memref<64x128xf32, #tpu.memory_space<hbm>>) target(%dma_start3A_1543 : memref<64x128xf32, #tpu.memory_space<vmem>>) target_semaphore(%arg17 : memref<!tpu.dma_semaphore, #tpu.memory_space<semaphore_mem>>)
      %dma_start3A_1546 = arith.constant 5 : i32
      %dma_start3A_1547 = arith.constant 0 : i32
      %dma_start3A_1548 = arith.constant 0 : i32
      %dma_start3A_1549 = tpu.memref_slice %arg10[%dma_start3A_1546, %dma_start3A_1547, %dma_start3A_1548] : memref<7x64x128xf32, #tpu.memory_space<vmem>> -> memref<1x64x128xf32, #tpu.memory_space<vmem>>
      %dma_start3A_1550 = tpu.memref_squeeze %dma_start3A_1549 : memref<1x64x128xf32, #tpu.memory_space<vmem>> -> memref<64x128xf32, #tpu.memory_space<vmem>>
      %dma_start3A_1551 = arith.constant 0 : i32
      %dma_start3A_1552 = tpu.memref_slice %arg5[%dma_start3A_1551, %multiple_of3A_1532] : memref<64x1000000xf32, #tpu.memory_space<hbm>> -> memref<64x128xf32, #tpu.memory_space<hbm>>
      %dma_start3A_1553 = arith.constant 0 : i32
      %dma_start3A_1554 = arith.constant 0 : i32
      %dma_start3A_1555 = tpu.memref_slice %arg10[%dma_start3A_1546, %dma_start3A_1553, %dma_start3A_1554] : memref<7x64x128xf32, #tpu.memory_space<vmem>> -> memref<1x64x128xf32, #tpu.memory_space<vmem>>
      %dma_start3A_1556 = tpu.memref_squeeze %dma_start3A_1555 : memref<1x64x128xf32, #tpu.memory_space<vmem>> -> memref<64x128xf32, #tpu.memory_space<vmem>>
      %dma_start3A_1557 = arith.constant 0 : i32
      %dma_start3A_1558 = tpu.memref_slice %arg5[%dma_start3A_1557, %multiple_of3A_1532] : memref<64x1000000xf32, #tpu.memory_space<hbm>> -> memref<64x128xf32, #tpu.memory_space<hbm>>
      tpu.enqueue_dma source(%dma_start3A_1558 : memref<64x128xf32, #tpu.memory_space<hbm>>) target(%dma_start3A_1556 : memref<64x128xf32, #tpu.memory_space<vmem>>) target_semaphore(%arg17 : memref<!tpu.dma_semaphore, #tpu.memory_space<semaphore_mem>>)
      %dma_wait3A_1559 = arith.constant 6 : i32
      %dma_wait3A_1560 = arith.constant 0 : i32
      %dma_wait3A_1561 = arith.constant 0 : i32
      %dma_wait3A_1562 = tpu.memref_slice %arg9[%dma_wait3A_1559, %dma_wait3A_1560, %dma_wait3A_1561] : memref<7x64x128xf32, #tpu.memory_space<vmem>> -> memref<1x64x128xf32, #tpu.memory_space<vmem>>
      %dma_wait3A_1563 = tpu.memref_squeeze %dma_wait3A_1562 : memref<1x64x128xf32, #tpu.memory_space<vmem>> -> memref<64x128xf32, #tpu.memory_space<vmem>>
      %dma_wait3A_1564 = arith.constant 0 : i32
      %dma_wait3A_1565 = arith.constant 0 : i32
      %dma_wait3A_1566 = tpu.memref_slice %arg4[%dma_wait3A_1564, %dma_wait3A_1565] : memref<64x1000000xf32, #tpu.memory_space<hbm>> -> memref<64x128xf32, #tpu.memory_space<hbm>>
      %dma_wait3A_1567 = arith.constant 0 : i32
      %dma_wait3A_1568 = arith.constant 0 : i32
      %dma_wait3A_1569 = tpu.memref_slice %arg9[%dma_wait3A_1559, %dma_wait3A_1567, %dma_wait3A_1568] : memref<7x64x128xf32, #tpu.memory_space<vmem>> -> memref<1x64x128xf32, #tpu.memory_space<vmem>>
      %dma_wait3A_1570 = tpu.memref_squeeze %dma_wait3A_1569 : memref<1x64x128xf32, #tpu.memory_space<vmem>> -> memref<64x128xf32, #tpu.memory_space<vmem>>
      %dma_wait3A_1571 = arith.constant 0 : i32
      %dma_wait3A_1572 = arith.constant 0 : i32
      %dma_wait3A_1573 = tpu.memref_slice %arg4[%dma_wait3A_1571, %dma_wait3A_1572] : memref<64x1000000xf32, #tpu.memory_space<hbm>> -> memref<64x128xf32, #tpu.memory_space<hbm>>
      tpu.wait_dma2 semaphore(%arg18 : memref<!tpu.dma_semaphore, #tpu.memory_space<semaphore_mem>>) src(%dma_wait3A_1573 : memref<64x128xf32, #tpu.memory_space<hbm>>) dst(%dma_wait3A_1570 : memref<64x128xf32, #tpu.memory_space<vmem>>)
      %dma_wait3A_1574 = arith.constant 6 : i32
      %dma_wait3A_1575 = arith.constant 0 : i32
      %dma_wait3A_1576 = arith.constant 0 : i32
      %dma_wait3A_1577 = tpu.memref_slice %arg10[%dma_wait3A_1574, %dma_wait3A_1575, %dma_wait3A_1576] : memref<7x64x128xf32, #tpu.memory_space<vmem>> -> memref<1x64x128xf32, #tpu.memory_space<vmem>>
      %dma_wait3A_1578 = tpu.memref_squeeze %dma_wait3A_1577 : memref<1x64x128xf32, #tpu.memory_space<vmem>> -> memref<64x128xf32, #tpu.memory_space<vmem>>
      %dma_wait3A_1579 = arith.constant 0 : i32
      %dma_wait3A_1580 = arith.constant 0 : i32
      %dma_wait3A_1581 = tpu.memref_slice %arg5[%dma_wait3A_1579, %dma_wait3A_1580] : memref<64x1000000xf32, #tpu.memory_space<hbm>> -> memref<64x128xf32, #tpu.memory_space<hbm>>
      %dma_wait3A_1582 = arith.constant 0 : i32
      %dma_wait3A_1583 = arith.constant 0 : i32
      %dma_wait3A_1584 = tpu.memref_slice %arg10[%dma_wait3A_1574, %dma_wait3A_1582, %dma_wait3A_1583] : memref<7x64x128xf32, #tpu.memory_space<vmem>> -> memref<1x64x128xf32, #tpu.memory_space<vmem>>
      %dma_wait3A_1585 = tpu.memref_squeeze %dma_wait3A_1584 : memref<1x64x128xf32, #tpu.memory_space<vmem>> -> memref<64x128xf32, #tpu.memory_space<vmem>>
      %dma_wait3A_1586 = arith.constant 0 : i32
      %dma_wait3A_1587 = arith.constant 0 : i32
      %dma_wait3A_1588 = tpu.memref_slice %arg5[%dma_wait3A_1586, %dma_wait3A_1587] : memref<64x1000000xf32, #tpu.memory_space<hbm>> -> memref<64x128xf32, #tpu.memory_space<hbm>>
      tpu.wait_dma2 semaphore(%arg18 : memref<!tpu.dma_semaphore, #tpu.memory_space<semaphore_mem>>) src(%dma_wait3A_1588 : memref<64x128xf32, #tpu.memory_space<hbm>>) dst(%dma_wait3A_1585 : memref<64x128xf32, #tpu.memory_space<vmem>>)
      %add3A_1589 = arith.constant 6 : i32
      %add3A_1590 = arith.addi %mul3A_404, %add3A_1589 : i32
      %add3A_1591 = vector.broadcast %add3A_1590 : i32 to vector<16xi32>
      %add3A_1592 = arith.addi %shift_right_arithmetic3A_7, %add3A_1591 : vector<16xi32>
      %gather3A_1593 = tpu.vector_load_idx %arg7[%add3A_1592] : memref<512xi32, #tpu.memory_space<vmem>>[vector<16xi32>], vector<16xi32>,
      %and3A_1594 = arith.constant 127 : i32
      %and3A_1595 = vector.broadcast %and3A_1594 : i32 to vector<16xi32>
      %and3A_1596 = arith.andi %gather3A_1593, %and3A_1595 : vector<16xi32>
      %add3A_1597 = vector.broadcast %add3A_1590 : i32 to vector<16xi32>
      %add3A_1598 = arith.addi %shift_right_arithmetic3A_7, %add3A_1597 : vector<16xi32>
      %gather3A_1599 = tpu.vector_load_idx %arg8[%add3A_1598] : memref<512xi32, #tpu.memory_space<vmem>>[vector<16xi32>], vector<16xi32>,
      %and3A_1600 = arith.constant 127 : i32
      %and3A_1601 = vector.broadcast %and3A_1600 : i32 to vector<16xi32>
      %and3A_1602 = arith.andi %gather3A_1599, %and3A_1601 : vector<16xi32>
      %broadcast_in_dim3A_1603 = arith.constant 0.000000e+00 : f32
      %broadcast_in_dim3A_1604 = vector.broadcast %broadcast_in_dim3A_1603 : f32 to vector<16xf32>
      %add3A_1605 = arith.constant 0 : i32
      %add3A_1606 = vector.broadcast %add3A_1605 : i32 to vector<16xi32>
      %add3A_1607 = arith.addi %iota3A, %add3A_1606 : vector<16xi32>
      %gather3A_1608 = arith.constant 6 : i32
      %gather3A_1609 = arith.constant 0 : i32
      %gather3A_1610 = arith.constant 0 : i32
      %gather3A_1611 = tpu.memref_slice %arg9[%gather3A_1608, %gather3A_1609, %gather3A_1610] : memref<7x64x128xf32, #tpu.memory_space<vmem>> -> memref<1x64x128xf32, #tpu.memory_space<vmem>>
      %gather3A_1612 = tpu.memref_squeeze %gather3A_1611 : memref<1x64x128xf32, #tpu.memory_space<vmem>> -> memref<64x128xf32, #tpu.memory_space<vmem>>
      %gather3A_1613 = tpu.vector_load_idx %gather3A_1612[%add3A_1607, %and3A_1596] : memref<64x128xf32, #tpu.memory_space<vmem>>[vector<16xi32>, vector<16xi32>], vector<16xf32>,
      %gather3A_1614 = arith.constant 6 : i32
      %gather3A_1615 = arith.constant 0 : i32
      %gather3A_1616 = arith.constant 0 : i32
      %gather3A_1617 = tpu.memref_slice %arg10[%gather3A_1614, %gather3A_1615, %gather3A_1616] : memref<7x64x128xf32, #tpu.memory_space<vmem>> -> memref<1x64x128xf32, #tpu.memory_space<vmem>>
      %gather3A_1618 = tpu.memref_squeeze %gather3A_1617 : memref<1x64x128xf32, #tpu.memory_space<vmem>> -> memref<64x128xf32, #tpu.memory_space<vmem>>
      %gather3A_1619 = tpu.vector_load_idx %gather3A_1618[%add3A_1607, %and3A_1602] : memref<64x128xf32, #tpu.memory_space<vmem>>[vector<16xi32>, vector<16xi32>], vector<16xf32>,
      %mul3A_1620 = arith.mulf %gather3A_1613, %gather3A_1619 : vector<16xf32>
      %add3A_1621 = arith.addf %broadcast_in_dim3A_1604, %mul3A_1620 : vector<16xf32>
      %add3A_1622 = arith.constant 16 : i32
      %add3A_1623 = vector.broadcast %add3A_1622 : i32 to vector<16xi32>
      %add3A_1624 = arith.addi %iota3A, %add3A_1623 : vector<16xi32>
      %gather3A_1625 = arith.constant 6 : i32
      %gather3A_1626 = arith.constant 0 : i32
      %gather3A_1627 = arith.constant 0 : i32
      %gather3A_1628 = tpu.memref_slice %arg9[%gather3A_1625, %gather3A_1626, %gather3A_1627] : memref<7x64x128xf32, #tpu.memory_space<vmem>> -> memref<1x64x128xf32, #tpu.memory_space<vmem>>
      %gather3A_1629 = tpu.memref_squeeze %gather3A_1628 : memref<1x64x128xf32, #tpu.memory_space<vmem>> -> memref<64x128xf32, #tpu.memory_space<vmem>>
      %gather3A_1630 = tpu.vector_load_idx %gather3A_1629[%add3A_1624, %and3A_1596] : memref<64x128xf32, #tpu.memory_space<vmem>>[vector<16xi32>, vector<16xi32>], vector<16xf32>,
      %gather3A_1631 = arith.constant 6 : i32
      %gather3A_1632 = arith.constant 0 : i32
      %gather3A_1633 = arith.constant 0 : i32
      %gather3A_1634 = tpu.memref_slice %arg10[%gather3A_1631, %gather3A_1632, %gather3A_1633] : memref<7x64x128xf32, #tpu.memory_space<vmem>> -> memref<1x64x128xf32, #tpu.memory_space<vmem>>
      %gather3A_1635 = tpu.memref_squeeze %gather3A_1634 : memref<1x64x128xf32, #tpu.memory_space<vmem>> -> memref<64x128xf32, #tpu.memory_space<vmem>>
      %gather3A_1636 = tpu.vector_load_idx %gather3A_1635[%add3A_1624, %and3A_1602] : memref<64x128xf32, #tpu.memory_space<vmem>>[vector<16xi32>, vector<16xi32>], vector<16xf32>,
      %mul3A_1637 = arith.mulf %gather3A_1630, %gather3A_1636 : vector<16xf32>
      %add3A_1638 = arith.addf %add3A_1621, %mul3A_1637 : vector<16xf32>
      %add3A_1639 = arith.constant 32 : i32
      %add3A_1640 = vector.broadcast %add3A_1639 : i32 to vector<16xi32>
      %add3A_1641 = arith.addi %iota3A, %add3A_1640 : vector<16xi32>
      %gather3A_1642 = arith.constant 6 : i32
      %gather3A_1643 = arith.constant 0 : i32
      %gather3A_1644 = arith.constant 0 : i32
      %gather3A_1645 = tpu.memref_slice %arg9[%gather3A_1642, %gather3A_1643, %gather3A_1644] : memref<7x64x128xf32, #tpu.memory_space<vmem>> -> memref<1x64x128xf32, #tpu.memory_space<vmem>>
      %gather3A_1646 = tpu.memref_squeeze %gather3A_1645 : memref<1x64x128xf32, #tpu.memory_space<vmem>> -> memref<64x128xf32, #tpu.memory_space<vmem>>
      %gather3A_1647 = tpu.vector_load_idx %gather3A_1646[%add3A_1641, %and3A_1596] : memref<64x128xf32, #tpu.memory_space<vmem>>[vector<16xi32>, vector<16xi32>], vector<16xf32>,
      %gather3A_1648 = arith.constant 6 : i32
      %gather3A_1649 = arith.constant 0 : i32
      %gather3A_1650 = arith.constant 0 : i32
      %gather3A_1651 = tpu.memref_slice %arg10[%gather3A_1648, %gather3A_1649, %gather3A_1650] : memref<7x64x128xf32, #tpu.memory_space<vmem>> -> memref<1x64x128xf32, #tpu.memory_space<vmem>>
      %gather3A_1652 = tpu.memref_squeeze %gather3A_1651 : memref<1x64x128xf32, #tpu.memory_space<vmem>> -> memref<64x128xf32, #tpu.memory_space<vmem>>
      %gather3A_1653 = tpu.vector_load_idx %gather3A_1652[%add3A_1641, %and3A_1602] : memref<64x128xf32, #tpu.memory_space<vmem>>[vector<16xi32>, vector<16xi32>], vector<16xf32>,
      %mul3A_1654 = arith.mulf %gather3A_1647, %gather3A_1653 : vector<16xf32>
      %add3A_1655 = arith.addf %add3A_1638, %mul3A_1654 : vector<16xf32>
      %add3A_1656 = arith.constant 48 : i32
      %add3A_1657 = vector.broadcast %add3A_1656 : i32 to vector<16xi32>
      %add3A_1658 = arith.addi %iota3A, %add3A_1657 : vector<16xi32>
      %gather3A_1659 = arith.constant 6 : i32
      %gather3A_1660 = arith.constant 0 : i32
      %gather3A_1661 = arith.constant 0 : i32
      %gather3A_1662 = tpu.memref_slice %arg9[%gather3A_1659, %gather3A_1660, %gather3A_1661] : memref<7x64x128xf32, #tpu.memory_space<vmem>> -> memref<1x64x128xf32, #tpu.memory_space<vmem>>
      %gather3A_1663 = tpu.memref_squeeze %gather3A_1662 : memref<1x64x128xf32, #tpu.memory_space<vmem>> -> memref<64x128xf32, #tpu.memory_space<vmem>>
      %gather3A_1664 = tpu.vector_load_idx %gather3A_1663[%add3A_1658, %and3A_1596] : memref<64x128xf32, #tpu.memory_space<vmem>>[vector<16xi32>, vector<16xi32>], vector<16xf32>,
      %gather3A_1665 = arith.constant 6 : i32
      %gather3A_1666 = arith.constant 0 : i32
      %gather3A_1667 = arith.constant 0 : i32
      %gather3A_1668 = tpu.memref_slice %arg10[%gather3A_1665, %gather3A_1666, %gather3A_1667] : memref<7x64x128xf32, #tpu.memory_space<vmem>> -> memref<1x64x128xf32, #tpu.memory_space<vmem>>
      %gather3A_1669 = tpu.memref_squeeze %gather3A_1668 : memref<1x64x128xf32, #tpu.memory_space<vmem>> -> memref<64x128xf32, #tpu.memory_space<vmem>>
      %gather3A_1670 = tpu.vector_load_idx %gather3A_1669[%add3A_1658, %and3A_1602] : memref<64x128xf32, #tpu.memory_space<vmem>>[vector<16xi32>, vector<16xi32>], vector<16xf32>,
      %mul3A_1671 = arith.mulf %gather3A_1664, %gather3A_1670 : vector<16xf32>
      %add3A_1672 = arith.addf %add3A_1655, %mul3A_1671 : vector<16xf32>
      %reduce_sum3A_1673 = arith.constant true
      %reduce_sum3A_1674 = vector.broadcast %reduce_sum3A_1673 : i1 to vector<16xi1>
      %reduce_sum3A_1675 = tpu.scan <sum>, %add3A_1672 masked %reduce_sum3A_1674 : vector<16xf32>, vector<16xi1> -> vector<16xf32>
      %reduce_sum3A_1676 = vector.extract %reduce_sum3A_1675[15] : f32 from vector<16xf32>
      %broadcast_in_dim3A_1677 = arith.constant 0 : i32
      %broadcast_in_dim3A_1678 = vector.broadcast %broadcast_in_dim3A_1677 : i32 to vector<16xi32>
      %add3A_1679 = vector.broadcast %add3A_1590 : i32 to vector<16xi32>
      %add3A_1680 = arith.addi %broadcast_in_dim3A_1678, %add3A_1679 : vector<16xi32>
      %broadcast_in_dim3A_1681 = arith.constant 0.000000e+00 : f32
      %broadcast_in_dim3A_1682 = vector.broadcast %broadcast_in_dim3A_1681 : f32 to vector<16xf32>
      %add3A_1683 = vector.broadcast %reduce_sum3A_1676 : f32 to vector<16xf32>
      %add3A_1684 = arith.addf %broadcast_in_dim3A_1682, %add3A_1683 : vector<16xf32>
      tpu.vector_store_idx %arg11[%add3A_1680], %add3A_1684 masked %eq3A_4 : memref<512xf32, #tpu.memory_space<vmem>>[vector<16xi32>], vector<16xf32>, vector<16xi1>
      %add3A_1685 = arith.constant 6 : i32
      %add3A_1686 = arith.addi %mul3A_404, %add3A_1685 : i32
      %add3A_1687 = arith.constant 7 : i32
      %add3A_1688 = arith.addi %add3A_1686, %add3A_1687 : i32
      %min3A_1689 = arith.constant 510 : i32
      %min3A_1690 = arith.minsi %add3A_1688, %min3A_1689 : i32
      %add3A_1691 = vector.broadcast %min3A_1690 : i32 to vector<16xi32>
      %add3A_1692 = arith.addi %shift_right_arithmetic3A_7, %add3A_1691 : vector<16xi32>
      %gather3A_1693 = tpu.vector_load_idx %arg7[%add3A_1692] : memref<512xi32, #tpu.memory_space<vmem>>[vector<16xi32>], vector<16xi32>,
      %shift_right_arithmetic3A_1694 = arith.constant 7 : i32
      %shift_right_arithmetic3A_1695 = vector.broadcast %shift_right_arithmetic3A_1694 : i32 to vector<16xi32>
      %shift_right_arithmetic3A_1696 = arith.shrsi %gather3A_1693, %shift_right_arithmetic3A_1695 : vector<16xi32>
      %reduce_max3A_1697 = arith.constant true
      %reduce_max3A_1698 = vector.broadcast %reduce_max3A_1697 : i1 to vector<16xi1>
      %reduce_max3A_1699 = arith.constant -2147483648 : i32
      %reduce_max3A_1700 = vector.broadcast %reduce_max3A_1699 : i32 to vector<16xi32>
      %reduce_max3A_1701 = arith.xori %shift_right_arithmetic3A_1696, %reduce_max3A_1700 : vector<16xi32>
      %reduce_max3A_1702 = tpu.scan <max>, %reduce_max3A_1701 masked %reduce_max3A_1698 : vector<16xi32>, vector<16xi1> -> vector<16xi32>
      %reduce_max3A_1703 = arith.xori %reduce_max3A_1702, %reduce_max3A_1700 : vector<16xi32>
      %reduce_max3A_1704 = vector.extract %reduce_max3A_1703[15] : i32 from vector<16xi32>
      %add3A_1705 = vector.broadcast %min3A_1690 : i32 to vector<16xi32>
      %add3A_1706 = arith.addi %shift_right_arithmetic3A_7, %add3A_1705 : vector<16xi32>
      %gather3A_1707 = tpu.vector_load_idx %arg8[%add3A_1706] : memref<512xi32, #tpu.memory_space<vmem>>[vector<16xi32>], vector<16xi32>,
      %shift_right_arithmetic3A_1708 = arith.constant 7 : i32
      %shift_right_arithmetic3A_1709 = vector.broadcast %shift_right_arithmetic3A_1708 : i32 to vector<16xi32>
      %shift_right_arithmetic3A_1710 = arith.shrsi %gather3A_1707, %shift_right_arithmetic3A_1709 : vector<16xi32>
      %reduce_max3A_1711 = arith.constant true
      %reduce_max3A_1712 = vector.broadcast %reduce_max3A_1711 : i1 to vector<16xi1>
      %reduce_max3A_1713 = arith.constant -2147483648 : i32
      %reduce_max3A_1714 = vector.broadcast %reduce_max3A_1713 : i32 to vector<16xi32>
      %reduce_max3A_1715 = arith.xori %shift_right_arithmetic3A_1710, %reduce_max3A_1714 : vector<16xi32>
      %reduce_max3A_1716 = tpu.scan <max>, %reduce_max3A_1715 masked %reduce_max3A_1712 : vector<16xi32>, vector<16xi1> -> vector<16xi32>
      %reduce_max3A_1717 = arith.xori %reduce_max3A_1716, %reduce_max3A_1714 : vector<16xi32>
      %reduce_max3A_1718 = vector.extract %reduce_max3A_1717[15] : i32 from vector<16xi32>
      %mul3A_1719 = arith.constant 128 : i32
      %mul3A_1720 = arith.muli %reduce_max3A_1704, %mul3A_1719 : i32
      %multiple_of3A_1721 = tpu.assume_multiple %mul3A_1720, 128 : i32
      %mul3A_1722 = arith.constant 128 : i32
      %mul3A_1723 = arith.muli %reduce_max3A_1718, %mul3A_1722 : i32
      %multiple_of3A_1724 = tpu.assume_multiple %mul3A_1723, 128 : i32
      %dma_start3A_1725 = arith.constant 6 : i32
      %dma_start3A_1726 = arith.constant 0 : i32
      %dma_start3A_1727 = arith.constant 0 : i32
      %dma_start3A_1728 = tpu.memref_slice %arg9[%dma_start3A_1725, %dma_start3A_1726, %dma_start3A_1727] : memref<7x64x128xf32, #tpu.memory_space<vmem>> -> memref<1x64x128xf32, #tpu.memory_space<vmem>>
      %dma_start3A_1729 = tpu.memref_squeeze %dma_start3A_1728 : memref<1x64x128xf32, #tpu.memory_space<vmem>> -> memref<64x128xf32, #tpu.memory_space<vmem>>
      %dma_start3A_1730 = arith.constant 0 : i32
      %dma_start3A_1731 = tpu.memref_slice %arg4[%dma_start3A_1730, %multiple_of3A_1721] : memref<64x1000000xf32, #tpu.memory_space<hbm>> -> memref<64x128xf32, #tpu.memory_space<hbm>>
      %dma_start3A_1732 = arith.constant 0 : i32
      %dma_start3A_1733 = arith.constant 0 : i32
      %dma_start3A_1734 = tpu.memref_slice %arg9[%dma_start3A_1725, %dma_start3A_1732, %dma_start3A_1733] : memref<7x64x128xf32, #tpu.memory_space<vmem>> -> memref<1x64x128xf32, #tpu.memory_space<vmem>>
      %dma_start3A_1735 = tpu.memref_squeeze %dma_start3A_1734 : memref<1x64x128xf32, #tpu.memory_space<vmem>> -> memref<64x128xf32, #tpu.memory_space<vmem>>
      %dma_start3A_1736 = arith.constant 0 : i32
      %dma_start3A_1737 = tpu.memref_slice %arg4[%dma_start3A_1736, %multiple_of3A_1721] : memref<64x1000000xf32, #tpu.memory_space<hbm>> -> memref<64x128xf32, #tpu.memory_space<hbm>>
      tpu.enqueue_dma source(%dma_start3A_1737 : memref<64x128xf32, #tpu.memory_space<hbm>>) target(%dma_start3A_1735 : memref<64x128xf32, #tpu.memory_space<vmem>>) target_semaphore(%arg18 : memref<!tpu.dma_semaphore, #tpu.memory_space<semaphore_mem>>)
      %dma_start3A_1738 = arith.constant 6 : i32
      %dma_start3A_1739 = arith.constant 0 : i32
      %dma_start3A_1740 = arith.constant 0 : i32
      %dma_start3A_1741 = tpu.memref_slice %arg10[%dma_start3A_1738, %dma_start3A_1739, %dma_start3A_1740] : memref<7x64x128xf32, #tpu.memory_space<vmem>> -> memref<1x64x128xf32, #tpu.memory_space<vmem>>
      %dma_start3A_1742 = tpu.memref_squeeze %dma_start3A_1741 : memref<1x64x128xf32, #tpu.memory_space<vmem>> -> memref<64x128xf32, #tpu.memory_space<vmem>>
      %dma_start3A_1743 = arith.constant 0 : i32
      %dma_start3A_1744 = tpu.memref_slice %arg5[%dma_start3A_1743, %multiple_of3A_1724] : memref<64x1000000xf32, #tpu.memory_space<hbm>> -> memref<64x128xf32, #tpu.memory_space<hbm>>
      %dma_start3A_1745 = arith.constant 0 : i32
      %dma_start3A_1746 = arith.constant 0 : i32
      %dma_start3A_1747 = tpu.memref_slice %arg10[%dma_start3A_1738, %dma_start3A_1745, %dma_start3A_1746] : memref<7x64x128xf32, #tpu.memory_space<vmem>> -> memref<1x64x128xf32, #tpu.memory_space<vmem>>
      %dma_start3A_1748 = tpu.memref_squeeze %dma_start3A_1747 : memref<1x64x128xf32, #tpu.memory_space<vmem>> -> memref<64x128xf32, #tpu.memory_space<vmem>>
      %dma_start3A_1749 = arith.constant 0 : i32
      %dma_start3A_1750 = tpu.memref_slice %arg5[%dma_start3A_1749, %multiple_of3A_1724] : memref<64x1000000xf32, #tpu.memory_space<hbm>> -> memref<64x128xf32, #tpu.memory_space<hbm>>
      tpu.enqueue_dma source(%dma_start3A_1750 : memref<64x128xf32, #tpu.memory_space<hbm>>) target(%dma_start3A_1748 : memref<64x128xf32, #tpu.memory_space<vmem>>) target_semaphore(%arg18 : memref<!tpu.dma_semaphore, #tpu.memory_space<semaphore_mem>>)
    }
    %scan3A_12 = arith.constant 73 : i32
    %dma_wait3A = arith.constant 0 : i32
    %dma_wait3A_13 = arith.constant 0 : i32
    %dma_wait3A_14 = arith.constant 0 : i32
    %dma_wait3A_15 = tpu.memref_slice %arg9[%dma_wait3A, %dma_wait3A_13, %dma_wait3A_14] : memref<7x64x128xf32, #tpu.memory_space<vmem>> -> memref<1x64x128xf32, #tpu.memory_space<vmem>>
    %dma_wait3A_16 = tpu.memref_squeeze %dma_wait3A_15 : memref<1x64x128xf32, #tpu.memory_space<vmem>> -> memref<64x128xf32, #tpu.memory_space<vmem>>
    %dma_wait3A_17 = arith.constant 0 : i32
    %dma_wait3A_18 = arith.constant 0 : i32
    %dma_wait3A_19 = tpu.memref_slice %arg4[%dma_wait3A_17, %dma_wait3A_18] : memref<64x1000000xf32, #tpu.memory_space<hbm>> -> memref<64x128xf32, #tpu.memory_space<hbm>>
    %dma_wait3A_20 = arith.constant 0 : i32
    %dma_wait3A_21 = arith.constant 0 : i32
    %dma_wait3A_22 = tpu.memref_slice %arg9[%dma_wait3A, %dma_wait3A_20, %dma_wait3A_21] : memref<7x64x128xf32, #tpu.memory_space<vmem>> -> memref<1x64x128xf32, #tpu.memory_space<vmem>>
    %dma_wait3A_23 = tpu.memref_squeeze %dma_wait3A_22 : memref<1x64x128xf32, #tpu.memory_space<vmem>> -> memref<64x128xf32, #tpu.memory_space<vmem>>
    %dma_wait3A_24 = arith.constant 0 : i32
    %dma_wait3A_25 = arith.constant 0 : i32
    %dma_wait3A_26 = tpu.memref_slice %arg4[%dma_wait3A_24, %dma_wait3A_25] : memref<64x1000000xf32, #tpu.memory_space<hbm>> -> memref<64x128xf32, #tpu.memory_space<hbm>>
    tpu.wait_dma2 semaphore(%arg12 : memref<!tpu.dma_semaphore, #tpu.memory_space<semaphore_mem>>) src(%dma_wait3A_26 : memref<64x128xf32, #tpu.memory_space<hbm>>) dst(%dma_wait3A_23 : memref<64x128xf32, #tpu.memory_space<vmem>>)
    %dma_wait3A_27 = arith.constant 0 : i32
    %dma_wait3A_28 = arith.constant 0 : i32
    %dma_wait3A_29 = arith.constant 0 : i32
    %dma_wait3A_30 = tpu.memref_slice %arg10[%dma_wait3A_27, %dma_wait3A_28, %dma_wait3A_29] : memref<7x64x128xf32, #tpu.memory_space<vmem>> -> memref<1x64x128xf32, #tpu.memory_space<vmem>>
    %dma_wait3A_31 = tpu.memref_squeeze %dma_wait3A_30 : memref<1x64x128xf32, #tpu.memory_space<vmem>> -> memref<64x128xf32, #tpu.memory_space<vmem>>
    %dma_wait3A_32 = arith.constant 0 : i32
    %dma_wait3A_33 = arith.constant 0 : i32
    %dma_wait3A_34 = tpu.memref_slice %arg5[%dma_wait3A_32, %dma_wait3A_33] : memref<64x1000000xf32, #tpu.memory_space<hbm>> -> memref<64x128xf32, #tpu.memory_space<hbm>>
    %dma_wait3A_35 = arith.constant 0 : i32
    %dma_wait3A_36 = arith.constant 0 : i32
    %dma_wait3A_37 = tpu.memref_slice %arg10[%dma_wait3A_27, %dma_wait3A_35, %dma_wait3A_36] : memref<7x64x128xf32, #tpu.memory_space<vmem>> -> memref<1x64x128xf32, #tpu.memory_space<vmem>>
    %dma_wait3A_38 = tpu.memref_squeeze %dma_wait3A_37 : memref<1x64x128xf32, #tpu.memory_space<vmem>> -> memref<64x128xf32, #tpu.memory_space<vmem>>
    %dma_wait3A_39 = arith.constant 0 : i32
    %dma_wait3A_40 = arith.constant 0 : i32
    %dma_wait3A_41 = tpu.memref_slice %arg5[%dma_wait3A_39, %dma_wait3A_40] : memref<64x1000000xf32, #tpu.memory_space<hbm>> -> memref<64x128xf32, #tpu.memory_space<hbm>>
    tpu.wait_dma2 semaphore(%arg12 : memref<!tpu.dma_semaphore, #tpu.memory_space<semaphore_mem>>) src(%dma_wait3A_41 : memref<64x128xf32, #tpu.memory_space<hbm>>) dst(%dma_wait3A_38 : memref<64x128xf32, #tpu.memory_space<vmem>>)
    %dma_wait3A_42 = arith.constant 1 : i32
    %dma_wait3A_43 = arith.constant 0 : i32
    %dma_wait3A_44 = arith.constant 0 : i32
    %dma_wait3A_45 = tpu.memref_slice %arg9[%dma_wait3A_42, %dma_wait3A_43, %dma_wait3A_44] : memref<7x64x128xf32, #tpu.memory_space<vmem>> -> memref<1x64x128xf32, #tpu.memory_space<vmem>>
    %dma_wait3A_46 = tpu.memref_squeeze %dma_wait3A_45 : memref<1x64x128xf32, #tpu.memory_space<vmem>> -> memref<64x128xf32, #tpu.memory_space<vmem>>
    %dma_wait3A_47 = arith.constant 0 : i32
    %dma_wait3A_48 = arith.constant 0 : i32
    %dma_wait3A_49 = tpu.memref_slice %arg4[%dma_wait3A_47, %dma_wait3A_48] : memref<64x1000000xf32, #tpu.memory_space<hbm>> -> memref<64x128xf32, #tpu.memory_space<hbm>>
    %dma_wait3A_50 = arith.constant 0 : i32
    %dma_wait3A_51 = arith.constant 0 : i32
    %dma_wait3A_52 = tpu.memref_slice %arg9[%dma_wait3A_42, %dma_wait3A_50, %dma_wait3A_51] : memref<7x64x128xf32, #tpu.memory_space<vmem>> -> memref<1x64x128xf32, #tpu.memory_space<vmem>>
    %dma_wait3A_53 = tpu.memref_squeeze %dma_wait3A_52 : memref<1x64x128xf32, #tpu.memory_space<vmem>> -> memref<64x128xf32, #tpu.memory_space<vmem>>
    %dma_wait3A_54 = arith.constant 0 : i32
    %dma_wait3A_55 = arith.constant 0 : i32
    %dma_wait3A_56 = tpu.memref_slice %arg4[%dma_wait3A_54, %dma_wait3A_55] : memref<64x1000000xf32, #tpu.memory_space<hbm>> -> memref<64x128xf32, #tpu.memory_space<hbm>>
    tpu.wait_dma2 semaphore(%arg13 : memref<!tpu.dma_semaphore, #tpu.memory_space<semaphore_mem>>) src(%dma_wait3A_56 : memref<64x128xf32, #tpu.memory_space<hbm>>) dst(%dma_wait3A_53 : memref<64x128xf32, #tpu.memory_space<vmem>>)
    %dma_wait3A_57 = arith.constant 1 : i32
    %dma_wait3A_58 = arith.constant 0 : i32
    %dma_wait3A_59 = arith.constant 0 : i32
    %dma_wait3A_60 = tpu.memref_slice %arg10[%dma_wait3A_57, %dma_wait3A_58, %dma_wait3A_59] : memref<7x64x128xf32, #tpu.memory_space<vmem>> -> memref<1x64x128xf32, #tpu.memory_space<vmem>>
    %dma_wait3A_61 = tpu.memref_squeeze %dma_wait3A_60 : memref<1x64x128xf32, #tpu.memory_space<vmem>> -> memref<64x128xf32, #tpu.memory_space<vmem>>
    %dma_wait3A_62 = arith.constant 0 : i32
    %dma_wait3A_63 = arith.constant 0 : i32
    %dma_wait3A_64 = tpu.memref_slice %arg5[%dma_wait3A_62, %dma_wait3A_63] : memref<64x1000000xf32, #tpu.memory_space<hbm>> -> memref<64x128xf32, #tpu.memory_space<hbm>>
    %dma_wait3A_65 = arith.constant 0 : i32
    %dma_wait3A_66 = arith.constant 0 : i32
    %dma_wait3A_67 = tpu.memref_slice %arg10[%dma_wait3A_57, %dma_wait3A_65, %dma_wait3A_66] : memref<7x64x128xf32, #tpu.memory_space<vmem>> -> memref<1x64x128xf32, #tpu.memory_space<vmem>>
    %dma_wait3A_68 = tpu.memref_squeeze %dma_wait3A_67 : memref<1x64x128xf32, #tpu.memory_space<vmem>> -> memref<64x128xf32, #tpu.memory_space<vmem>>
    %dma_wait3A_69 = arith.constant 0 : i32
    %dma_wait3A_70 = arith.constant 0 : i32
    %dma_wait3A_71 = tpu.memref_slice %arg5[%dma_wait3A_69, %dma_wait3A_70] : memref<64x1000000xf32, #tpu.memory_space<hbm>> -> memref<64x128xf32, #tpu.memory_space<hbm>>
    tpu.wait_dma2 semaphore(%arg13 : memref<!tpu.dma_semaphore, #tpu.memory_space<semaphore_mem>>) src(%dma_wait3A_71 : memref<64x128xf32, #tpu.memory_space<hbm>>) dst(%dma_wait3A_68 : memref<64x128xf32, #tpu.memory_space<vmem>>)
    %dma_wait3A_72 = arith.constant 2 : i32
    %dma_wait3A_73 = arith.constant 0 : i32
    %dma_wait3A_74 = arith.constant 0 : i32
    %dma_wait3A_75 = tpu.memref_slice %arg9[%dma_wait3A_72, %dma_wait3A_73, %dma_wait3A_74] : memref<7x64x128xf32, #tpu.memory_space<vmem>> -> memref<1x64x128xf32, #tpu.memory_space<vmem>>
    %dma_wait3A_76 = tpu.memref_squeeze %dma_wait3A_75 : memref<1x64x128xf32, #tpu.memory_space<vmem>> -> memref<64x128xf32, #tpu.memory_space<vmem>>
    %dma_wait3A_77 = arith.constant 0 : i32
    %dma_wait3A_78 = arith.constant 0 : i32
    %dma_wait3A_79 = tpu.memref_slice %arg4[%dma_wait3A_77, %dma_wait3A_78] : memref<64x1000000xf32, #tpu.memory_space<hbm>> -> memref<64x128xf32, #tpu.memory_space<hbm>>
    %dma_wait3A_80 = arith.constant 0 : i32
    %dma_wait3A_81 = arith.constant 0 : i32
    %dma_wait3A_82 = tpu.memref_slice %arg9[%dma_wait3A_72, %dma_wait3A_80, %dma_wait3A_81] : memref<7x64x128xf32, #tpu.memory_space<vmem>> -> memref<1x64x128xf32, #tpu.memory_space<vmem>>
    %dma_wait3A_83 = tpu.memref_squeeze %dma_wait3A_82 : memref<1x64x128xf32, #tpu.memory_space<vmem>> -> memref<64x128xf32, #tpu.memory_space<vmem>>
    %dma_wait3A_84 = arith.constant 0 : i32
    %dma_wait3A_85 = arith.constant 0 : i32
    %dma_wait3A_86 = tpu.memref_slice %arg4[%dma_wait3A_84, %dma_wait3A_85] : memref<64x1000000xf32, #tpu.memory_space<hbm>> -> memref<64x128xf32, #tpu.memory_space<hbm>>
    tpu.wait_dma2 semaphore(%arg14 : memref<!tpu.dma_semaphore, #tpu.memory_space<semaphore_mem>>) src(%dma_wait3A_86 : memref<64x128xf32, #tpu.memory_space<hbm>>) dst(%dma_wait3A_83 : memref<64x128xf32, #tpu.memory_space<vmem>>)
    %dma_wait3A_87 = arith.constant 2 : i32
    %dma_wait3A_88 = arith.constant 0 : i32
    %dma_wait3A_89 = arith.constant 0 : i32
    %dma_wait3A_90 = tpu.memref_slice %arg10[%dma_wait3A_87, %dma_wait3A_88, %dma_wait3A_89] : memref<7x64x128xf32, #tpu.memory_space<vmem>> -> memref<1x64x128xf32, #tpu.memory_space<vmem>>
    %dma_wait3A_91 = tpu.memref_squeeze %dma_wait3A_90 : memref<1x64x128xf32, #tpu.memory_space<vmem>> -> memref<64x128xf32, #tpu.memory_space<vmem>>
    %dma_wait3A_92 = arith.constant 0 : i32
    %dma_wait3A_93 = arith.constant 0 : i32
    %dma_wait3A_94 = tpu.memref_slice %arg5[%dma_wait3A_92, %dma_wait3A_93] : memref<64x1000000xf32, #tpu.memory_space<hbm>> -> memref<64x128xf32, #tpu.memory_space<hbm>>
    %dma_wait3A_95 = arith.constant 0 : i32
    %dma_wait3A_96 = arith.constant 0 : i32
    %dma_wait3A_97 = tpu.memref_slice %arg10[%dma_wait3A_87, %dma_wait3A_95, %dma_wait3A_96] : memref<7x64x128xf32, #tpu.memory_space<vmem>> -> memref<1x64x128xf32, #tpu.memory_space<vmem>>
    %dma_wait3A_98 = tpu.memref_squeeze %dma_wait3A_97 : memref<1x64x128xf32, #tpu.memory_space<vmem>> -> memref<64x128xf32, #tpu.memory_space<vmem>>
    %dma_wait3A_99 = arith.constant 0 : i32
    %dma_wait3A_100 = arith.constant 0 : i32
    %dma_wait3A_101 = tpu.memref_slice %arg5[%dma_wait3A_99, %dma_wait3A_100] : memref<64x1000000xf32, #tpu.memory_space<hbm>> -> memref<64x128xf32, #tpu.memory_space<hbm>>
    tpu.wait_dma2 semaphore(%arg14 : memref<!tpu.dma_semaphore, #tpu.memory_space<semaphore_mem>>) src(%dma_wait3A_101 : memref<64x128xf32, #tpu.memory_space<hbm>>) dst(%dma_wait3A_98 : memref<64x128xf32, #tpu.memory_space<vmem>>)
    %dma_wait3A_102 = arith.constant 3 : i32
    %dma_wait3A_103 = arith.constant 0 : i32
    %dma_wait3A_104 = arith.constant 0 : i32
    %dma_wait3A_105 = tpu.memref_slice %arg9[%dma_wait3A_102, %dma_wait3A_103, %dma_wait3A_104] : memref<7x64x128xf32, #tpu.memory_space<vmem>> -> memref<1x64x128xf32, #tpu.memory_space<vmem>>
    %dma_wait3A_106 = tpu.memref_squeeze %dma_wait3A_105 : memref<1x64x128xf32, #tpu.memory_space<vmem>> -> memref<64x128xf32, #tpu.memory_space<vmem>>
    %dma_wait3A_107 = arith.constant 0 : i32
    %dma_wait3A_108 = arith.constant 0 : i32
    %dma_wait3A_109 = tpu.memref_slice %arg4[%dma_wait3A_107, %dma_wait3A_108] : memref<64x1000000xf32, #tpu.memory_space<hbm>> -> memref<64x128xf32, #tpu.memory_space<hbm>>
    %dma_wait3A_110 = arith.constant 0 : i32
    %dma_wait3A_111 = arith.constant 0 : i32
    %dma_wait3A_112 = tpu.memref_slice %arg9[%dma_wait3A_102, %dma_wait3A_110, %dma_wait3A_111] : memref<7x64x128xf32, #tpu.memory_space<vmem>> -> memref<1x64x128xf32, #tpu.memory_space<vmem>>
    %dma_wait3A_113 = tpu.memref_squeeze %dma_wait3A_112 : memref<1x64x128xf32, #tpu.memory_space<vmem>> -> memref<64x128xf32, #tpu.memory_space<vmem>>
    %dma_wait3A_114 = arith.constant 0 : i32
    %dma_wait3A_115 = arith.constant 0 : i32
    %dma_wait3A_116 = tpu.memref_slice %arg4[%dma_wait3A_114, %dma_wait3A_115] : memref<64x1000000xf32, #tpu.memory_space<hbm>> -> memref<64x128xf32, #tpu.memory_space<hbm>>
    tpu.wait_dma2 semaphore(%arg15 : memref<!tpu.dma_semaphore, #tpu.memory_space<semaphore_mem>>) src(%dma_wait3A_116 : memref<64x128xf32, #tpu.memory_space<hbm>>) dst(%dma_wait3A_113 : memref<64x128xf32, #tpu.memory_space<vmem>>)
    %dma_wait3A_117 = arith.constant 3 : i32
    %dma_wait3A_118 = arith.constant 0 : i32
    %dma_wait3A_119 = arith.constant 0 : i32
    %dma_wait3A_120 = tpu.memref_slice %arg10[%dma_wait3A_117, %dma_wait3A_118, %dma_wait3A_119] : memref<7x64x128xf32, #tpu.memory_space<vmem>> -> memref<1x64x128xf32, #tpu.memory_space<vmem>>
    %dma_wait3A_121 = tpu.memref_squeeze %dma_wait3A_120 : memref<1x64x128xf32, #tpu.memory_space<vmem>> -> memref<64x128xf32, #tpu.memory_space<vmem>>
    %dma_wait3A_122 = arith.constant 0 : i32
    %dma_wait3A_123 = arith.constant 0 : i32
    %dma_wait3A_124 = tpu.memref_slice %arg5[%dma_wait3A_122, %dma_wait3A_123] : memref<64x1000000xf32, #tpu.memory_space<hbm>> -> memref<64x128xf32, #tpu.memory_space<hbm>>
    %dma_wait3A_125 = arith.constant 0 : i32
    %dma_wait3A_126 = arith.constant 0 : i32
    %dma_wait3A_127 = tpu.memref_slice %arg10[%dma_wait3A_117, %dma_wait3A_125, %dma_wait3A_126] : memref<7x64x128xf32, #tpu.memory_space<vmem>> -> memref<1x64x128xf32, #tpu.memory_space<vmem>>
    %dma_wait3A_128 = tpu.memref_squeeze %dma_wait3A_127 : memref<1x64x128xf32, #tpu.memory_space<vmem>> -> memref<64x128xf32, #tpu.memory_space<vmem>>
    %dma_wait3A_129 = arith.constant 0 : i32
    %dma_wait3A_130 = arith.constant 0 : i32
    %dma_wait3A_131 = tpu.memref_slice %arg5[%dma_wait3A_129, %dma_wait3A_130] : memref<64x1000000xf32, #tpu.memory_space<hbm>> -> memref<64x128xf32, #tpu.memory_space<hbm>>
    tpu.wait_dma2 semaphore(%arg15 : memref<!tpu.dma_semaphore, #tpu.memory_space<semaphore_mem>>) src(%dma_wait3A_131 : memref<64x128xf32, #tpu.memory_space<hbm>>) dst(%dma_wait3A_128 : memref<64x128xf32, #tpu.memory_space<vmem>>)
    %dma_wait3A_132 = arith.constant 4 : i32
    %dma_wait3A_133 = arith.constant 0 : i32
    %dma_wait3A_134 = arith.constant 0 : i32
    %dma_wait3A_135 = tpu.memref_slice %arg9[%dma_wait3A_132, %dma_wait3A_133, %dma_wait3A_134] : memref<7x64x128xf32, #tpu.memory_space<vmem>> -> memref<1x64x128xf32, #tpu.memory_space<vmem>>
    %dma_wait3A_136 = tpu.memref_squeeze %dma_wait3A_135 : memref<1x64x128xf32, #tpu.memory_space<vmem>> -> memref<64x128xf32, #tpu.memory_space<vmem>>
    %dma_wait3A_137 = arith.constant 0 : i32
    %dma_wait3A_138 = arith.constant 0 : i32
    %dma_wait3A_139 = tpu.memref_slice %arg4[%dma_wait3A_137, %dma_wait3A_138] : memref<64x1000000xf32, #tpu.memory_space<hbm>> -> memref<64x128xf32, #tpu.memory_space<hbm>>
    %dma_wait3A_140 = arith.constant 0 : i32
    %dma_wait3A_141 = arith.constant 0 : i32
    %dma_wait3A_142 = tpu.memref_slice %arg9[%dma_wait3A_132, %dma_wait3A_140, %dma_wait3A_141] : memref<7x64x128xf32, #tpu.memory_space<vmem>> -> memref<1x64x128xf32, #tpu.memory_space<vmem>>
    %dma_wait3A_143 = tpu.memref_squeeze %dma_wait3A_142 : memref<1x64x128xf32, #tpu.memory_space<vmem>> -> memref<64x128xf32, #tpu.memory_space<vmem>>
    %dma_wait3A_144 = arith.constant 0 : i32
    %dma_wait3A_145 = arith.constant 0 : i32
    %dma_wait3A_146 = tpu.memref_slice %arg4[%dma_wait3A_144, %dma_wait3A_145] : memref<64x1000000xf32, #tpu.memory_space<hbm>> -> memref<64x128xf32, #tpu.memory_space<hbm>>
    tpu.wait_dma2 semaphore(%arg16 : memref<!tpu.dma_semaphore, #tpu.memory_space<semaphore_mem>>) src(%dma_wait3A_146 : memref<64x128xf32, #tpu.memory_space<hbm>>) dst(%dma_wait3A_143 : memref<64x128xf32, #tpu.memory_space<vmem>>)
    %dma_wait3A_147 = arith.constant 4 : i32
    %dma_wait3A_148 = arith.constant 0 : i32
    %dma_wait3A_149 = arith.constant 0 : i32
    %dma_wait3A_150 = tpu.memref_slice %arg10[%dma_wait3A_147, %dma_wait3A_148, %dma_wait3A_149] : memref<7x64x128xf32, #tpu.memory_space<vmem>> -> memref<1x64x128xf32, #tpu.memory_space<vmem>>
    %dma_wait3A_151 = tpu.memref_squeeze %dma_wait3A_150 : memref<1x64x128xf32, #tpu.memory_space<vmem>> -> memref<64x128xf32, #tpu.memory_space<vmem>>
    %dma_wait3A_152 = arith.constant 0 : i32
    %dma_wait3A_153 = arith.constant 0 : i32
    %dma_wait3A_154 = tpu.memref_slice %arg5[%dma_wait3A_152, %dma_wait3A_153] : memref<64x1000000xf32, #tpu.memory_space<hbm>> -> memref<64x128xf32, #tpu.memory_space<hbm>>
    %dma_wait3A_155 = arith.constant 0 : i32
    %dma_wait3A_156 = arith.constant 0 : i32
    %dma_wait3A_157 = tpu.memref_slice %arg10[%dma_wait3A_147, %dma_wait3A_155, %dma_wait3A_156] : memref<7x64x128xf32, #tpu.memory_space<vmem>> -> memref<1x64x128xf32, #tpu.memory_space<vmem>>
    %dma_wait3A_158 = tpu.memref_squeeze %dma_wait3A_157 : memref<1x64x128xf32, #tpu.memory_space<vmem>> -> memref<64x128xf32, #tpu.memory_space<vmem>>
    %dma_wait3A_159 = arith.constant 0 : i32
    %dma_wait3A_160 = arith.constant 0 : i32
    %dma_wait3A_161 = tpu.memref_slice %arg5[%dma_wait3A_159, %dma_wait3A_160] : memref<64x1000000xf32, #tpu.memory_space<hbm>> -> memref<64x128xf32, #tpu.memory_space<hbm>>
    tpu.wait_dma2 semaphore(%arg16 : memref<!tpu.dma_semaphore, #tpu.memory_space<semaphore_mem>>) src(%dma_wait3A_161 : memref<64x128xf32, #tpu.memory_space<hbm>>) dst(%dma_wait3A_158 : memref<64x128xf32, #tpu.memory_space<vmem>>)
    %dma_wait3A_162 = arith.constant 5 : i32
    %dma_wait3A_163 = arith.constant 0 : i32
    %dma_wait3A_164 = arith.constant 0 : i32
    %dma_wait3A_165 = tpu.memref_slice %arg9[%dma_wait3A_162, %dma_wait3A_163, %dma_wait3A_164] : memref<7x64x128xf32, #tpu.memory_space<vmem>> -> memref<1x64x128xf32, #tpu.memory_space<vmem>>
    %dma_wait3A_166 = tpu.memref_squeeze %dma_wait3A_165 : memref<1x64x128xf32, #tpu.memory_space<vmem>> -> memref<64x128xf32, #tpu.memory_space<vmem>>
    %dma_wait3A_167 = arith.constant 0 : i32
    %dma_wait3A_168 = arith.constant 0 : i32
    %dma_wait3A_169 = tpu.memref_slice %arg4[%dma_wait3A_167, %dma_wait3A_168] : memref<64x1000000xf32, #tpu.memory_space<hbm>> -> memref<64x128xf32, #tpu.memory_space<hbm>>
    %dma_wait3A_170 = arith.constant 0 : i32
    %dma_wait3A_171 = arith.constant 0 : i32
    %dma_wait3A_172 = tpu.memref_slice %arg9[%dma_wait3A_162, %dma_wait3A_170, %dma_wait3A_171] : memref<7x64x128xf32, #tpu.memory_space<vmem>> -> memref<1x64x128xf32, #tpu.memory_space<vmem>>
    %dma_wait3A_173 = tpu.memref_squeeze %dma_wait3A_172 : memref<1x64x128xf32, #tpu.memory_space<vmem>> -> memref<64x128xf32, #tpu.memory_space<vmem>>
    %dma_wait3A_174 = arith.constant 0 : i32
    %dma_wait3A_175 = arith.constant 0 : i32
    %dma_wait3A_176 = tpu.memref_slice %arg4[%dma_wait3A_174, %dma_wait3A_175] : memref<64x1000000xf32, #tpu.memory_space<hbm>> -> memref<64x128xf32, #tpu.memory_space<hbm>>
    tpu.wait_dma2 semaphore(%arg17 : memref<!tpu.dma_semaphore, #tpu.memory_space<semaphore_mem>>) src(%dma_wait3A_176 : memref<64x128xf32, #tpu.memory_space<hbm>>) dst(%dma_wait3A_173 : memref<64x128xf32, #tpu.memory_space<vmem>>)
    %dma_wait3A_177 = arith.constant 5 : i32
    %dma_wait3A_178 = arith.constant 0 : i32
    %dma_wait3A_179 = arith.constant 0 : i32
    %dma_wait3A_180 = tpu.memref_slice %arg10[%dma_wait3A_177, %dma_wait3A_178, %dma_wait3A_179] : memref<7x64x128xf32, #tpu.memory_space<vmem>> -> memref<1x64x128xf32, #tpu.memory_space<vmem>>
    %dma_wait3A_181 = tpu.memref_squeeze %dma_wait3A_180 : memref<1x64x128xf32, #tpu.memory_space<vmem>> -> memref<64x128xf32, #tpu.memory_space<vmem>>
    %dma_wait3A_182 = arith.constant 0 : i32
    %dma_wait3A_183 = arith.constant 0 : i32
    %dma_wait3A_184 = tpu.memref_slice %arg5[%dma_wait3A_182, %dma_wait3A_183] : memref<64x1000000xf32, #tpu.memory_space<hbm>> -> memref<64x128xf32, #tpu.memory_space<hbm>>
    %dma_wait3A_185 = arith.constant 0 : i32
    %dma_wait3A_186 = arith.constant 0 : i32
    %dma_wait3A_187 = tpu.memref_slice %arg10[%dma_wait3A_177, %dma_wait3A_185, %dma_wait3A_186] : memref<7x64x128xf32, #tpu.memory_space<vmem>> -> memref<1x64x128xf32, #tpu.memory_space<vmem>>
    %dma_wait3A_188 = tpu.memref_squeeze %dma_wait3A_187 : memref<1x64x128xf32, #tpu.memory_space<vmem>> -> memref<64x128xf32, #tpu.memory_space<vmem>>
    %dma_wait3A_189 = arith.constant 0 : i32
    %dma_wait3A_190 = arith.constant 0 : i32
    %dma_wait3A_191 = tpu.memref_slice %arg5[%dma_wait3A_189, %dma_wait3A_190] : memref<64x1000000xf32, #tpu.memory_space<hbm>> -> memref<64x128xf32, #tpu.memory_space<hbm>>
    tpu.wait_dma2 semaphore(%arg17 : memref<!tpu.dma_semaphore, #tpu.memory_space<semaphore_mem>>) src(%dma_wait3A_191 : memref<64x128xf32, #tpu.memory_space<hbm>>) dst(%dma_wait3A_188 : memref<64x128xf32, #tpu.memory_space<vmem>>)
    %dma_wait3A_192 = arith.constant 6 : i32
    %dma_wait3A_193 = arith.constant 0 : i32
    %dma_wait3A_194 = arith.constant 0 : i32
    %dma_wait3A_195 = tpu.memref_slice %arg9[%dma_wait3A_192, %dma_wait3A_193, %dma_wait3A_194] : memref<7x64x128xf32, #tpu.memory_space<vmem>> -> memref<1x64x128xf32, #tpu.memory_space<vmem>>
    %dma_wait3A_196 = tpu.memref_squeeze %dma_wait3A_195 : memref<1x64x128xf32, #tpu.memory_space<vmem>> -> memref<64x128xf32, #tpu.memory_space<vmem>>
    %dma_wait3A_197 = arith.constant 0 : i32
    %dma_wait3A_198 = arith.constant 0 : i32
    %dma_wait3A_199 = tpu.memref_slice %arg4[%dma_wait3A_197, %dma_wait3A_198] : memref<64x1000000xf32, #tpu.memory_space<hbm>> -> memref<64x128xf32, #tpu.memory_space<hbm>>
    %dma_wait3A_200 = arith.constant 0 : i32
    %dma_wait3A_201 = arith.constant 0 : i32
    %dma_wait3A_202 = tpu.memref_slice %arg9[%dma_wait3A_192, %dma_wait3A_200, %dma_wait3A_201] : memref<7x64x128xf32, #tpu.memory_space<vmem>> -> memref<1x64x128xf32, #tpu.memory_space<vmem>>
    %dma_wait3A_203 = tpu.memref_squeeze %dma_wait3A_202 : memref<1x64x128xf32, #tpu.memory_space<vmem>> -> memref<64x128xf32, #tpu.memory_space<vmem>>
    %dma_wait3A_204 = arith.constant 0 : i32
    %dma_wait3A_205 = arith.constant 0 : i32
    %dma_wait3A_206 = tpu.memref_slice %arg4[%dma_wait3A_204, %dma_wait3A_205] : memref<64x1000000xf32, #tpu.memory_space<hbm>> -> memref<64x128xf32, #tpu.memory_space<hbm>>
    tpu.wait_dma2 semaphore(%arg18 : memref<!tpu.dma_semaphore, #tpu.memory_space<semaphore_mem>>) src(%dma_wait3A_206 : memref<64x128xf32, #tpu.memory_space<hbm>>) dst(%dma_wait3A_203 : memref<64x128xf32, #tpu.memory_space<vmem>>)
    %dma_wait3A_207 = arith.constant 6 : i32
    %dma_wait3A_208 = arith.constant 0 : i32
    %dma_wait3A_209 = arith.constant 0 : i32
    %dma_wait3A_210 = tpu.memref_slice %arg10[%dma_wait3A_207, %dma_wait3A_208, %dma_wait3A_209] : memref<7x64x128xf32, #tpu.memory_space<vmem>> -> memref<1x64x128xf32, #tpu.memory_space<vmem>>
    %dma_wait3A_211 = tpu.memref_squeeze %dma_wait3A_210 : memref<1x64x128xf32, #tpu.memory_space<vmem>> -> memref<64x128xf32, #tpu.memory_space<vmem>>
    %dma_wait3A_212 = arith.constant 0 : i32
    %dma_wait3A_213 = arith.constant 0 : i32
    %dma_wait3A_214 = tpu.memref_slice %arg5[%dma_wait3A_212, %dma_wait3A_213] : memref<64x1000000xf32, #tpu.memory_space<hbm>> -> memref<64x128xf32, #tpu.memory_space<hbm>>
    %dma_wait3A_215 = arith.constant 0 : i32
    %dma_wait3A_216 = arith.constant 0 : i32
    %dma_wait3A_217 = tpu.memref_slice %arg10[%dma_wait3A_207, %dma_wait3A_215, %dma_wait3A_216] : memref<7x64x128xf32, #tpu.memory_space<vmem>> -> memref<1x64x128xf32, #tpu.memory_space<vmem>>
    %dma_wait3A_218 = tpu.memref_squeeze %dma_wait3A_217 : memref<1x64x128xf32, #tpu.memory_space<vmem>> -> memref<64x128xf32, #tpu.memory_space<vmem>>
    %dma_wait3A_219 = arith.constant 0 : i32
    %dma_wait3A_220 = arith.constant 0 : i32
    %dma_wait3A_221 = tpu.memref_slice %arg5[%dma_wait3A_219, %dma_wait3A_220] : memref<64x1000000xf32, #tpu.memory_space<hbm>> -> memref<64x128xf32, #tpu.memory_space<hbm>>
    tpu.wait_dma2 semaphore(%arg18 : memref<!tpu.dma_semaphore, #tpu.memory_space<semaphore_mem>>) src(%dma_wait3A_221 : memref<64x128xf32, #tpu.memory_space<hbm>>) dst(%dma_wait3A_218 : memref<64x128xf32, #tpu.memory_space<vmem>>)
    %scan3A_222 = arith.constant 0 : i32
    %scan3A_223 = arith.constant 511 : i32
    %add3A_224 = vector.broadcast %scan3A_223 : i32 to vector<16xi32>
    %add3A_225 = arith.addi %shift_right_arithmetic3A_7, %add3A_224 : vector<16xi32>
    %gather3A = tpu.vector_load_idx %arg7[%add3A_225] : memref<512xi32, #tpu.memory_space<vmem>>[vector<16xi32>], vector<16xi32>,
    %shift_right_arithmetic3A_226 = arith.constant 7 : i32
    %shift_right_arithmetic3A_227 = vector.broadcast %shift_right_arithmetic3A_226 : i32 to vector<16xi32>
    %shift_right_arithmetic3A_228 = arith.shrsi %gather3A, %shift_right_arithmetic3A_227 : vector<16xi32>
    %reduce_max3A = arith.constant true
    %reduce_max3A_229 = vector.broadcast %reduce_max3A : i1 to vector<16xi1>
    %reduce_max3A_230 = arith.constant -2147483648 : i32
    %reduce_max3A_231 = vector.broadcast %reduce_max3A_230 : i32 to vector<16xi32>
    %reduce_max3A_232 = arith.xori %shift_right_arithmetic3A_228, %reduce_max3A_231 : vector<16xi32>
    %reduce_max3A_233 = tpu.scan <max>, %reduce_max3A_232 masked %reduce_max3A_229 : vector<16xi32>, vector<16xi1> -> vector<16xi32>
    %reduce_max3A_234 = arith.xori %reduce_max3A_233, %reduce_max3A_231 : vector<16xi32>
    %reduce_max3A_235 = vector.extract %reduce_max3A_234[15] : i32 from vector<16xi32>
    %add3A_236 = vector.broadcast %scan3A_223 : i32 to vector<16xi32>
    %add3A_237 = arith.addi %shift_right_arithmetic3A_7, %add3A_236 : vector<16xi32>
    %gather3A_238 = tpu.vector_load_idx %arg8[%add3A_237] : memref<512xi32, #tpu.memory_space<vmem>>[vector<16xi32>], vector<16xi32>,
    %shift_right_arithmetic3A_239 = arith.constant 7 : i32
    %shift_right_arithmetic3A_240 = vector.broadcast %shift_right_arithmetic3A_239 : i32 to vector<16xi32>
    %shift_right_arithmetic3A_241 = arith.shrsi %gather3A_238, %shift_right_arithmetic3A_240 : vector<16xi32>
    %reduce_max3A_242 = arith.constant true
    %reduce_max3A_243 = vector.broadcast %reduce_max3A_242 : i1 to vector<16xi1>
    %reduce_max3A_244 = arith.constant -2147483648 : i32
    %reduce_max3A_245 = vector.broadcast %reduce_max3A_244 : i32 to vector<16xi32>
    %reduce_max3A_246 = arith.xori %shift_right_arithmetic3A_241, %reduce_max3A_245 : vector<16xi32>
    %reduce_max3A_247 = tpu.scan <max>, %reduce_max3A_246 masked %reduce_max3A_243 : vector<16xi32>, vector<16xi1> -> vector<16xi32>
    %reduce_max3A_248 = arith.xori %reduce_max3A_247, %reduce_max3A_245 : vector<16xi32>
    %reduce_max3A_249 = vector.extract %reduce_max3A_248[15] : i32 from vector<16xi32>
    %mul3A_250 = arith.constant 128 : i32
    %mul3A_251 = arith.muli %reduce_max3A_235, %mul3A_250 : i32
    %multiple_of3A = tpu.assume_multiple %mul3A_251, 128 : i32
    %mul3A_252 = arith.constant 128 : i32
    %mul3A_253 = arith.muli %reduce_max3A_249, %mul3A_252 : i32
    %multiple_of3A_254 = tpu.assume_multiple %mul3A_253, 128 : i32
    %dma_start3A = arith.constant 0 : i32
    %dma_start3A_255 = arith.constant 0 : i32
    %dma_start3A_256 = arith.constant 0 : i32
    %dma_start3A_257 = tpu.memref_slice %arg9[%dma_start3A, %dma_start3A_255, %dma_start3A_256] : memref<7x64x128xf32, #tpu.memory_space<vmem>> -> memref<1x64x128xf32, #tpu.memory_space<vmem>>
    %dma_start3A_258 = tpu.memref_squeeze %dma_start3A_257 : memref<1x64x128xf32, #tpu.memory_space<vmem>> -> memref<64x128xf32, #tpu.memory_space<vmem>>
    %dma_start3A_259 = arith.constant 0 : i32
    %dma_start3A_260 = tpu.memref_slice %arg4[%dma_start3A_259, %multiple_of3A] : memref<64x1000000xf32, #tpu.memory_space<hbm>> -> memref<64x128xf32, #tpu.memory_space<hbm>>
    %dma_start3A_261 = arith.constant 0 : i32
    %dma_start3A_262 = arith.constant 0 : i32
    %dma_start3A_263 = tpu.memref_slice %arg9[%dma_start3A, %dma_start3A_261, %dma_start3A_262] : memref<7x64x128xf32, #tpu.memory_space<vmem>> -> memref<1x64x128xf32, #tpu.memory_space<vmem>>
    %dma_start3A_264 = tpu.memref_squeeze %dma_start3A_263 : memref<1x64x128xf32, #tpu.memory_space<vmem>> -> memref<64x128xf32, #tpu.memory_space<vmem>>
    %dma_start3A_265 = arith.constant 0 : i32
    %dma_start3A_266 = tpu.memref_slice %arg4[%dma_start3A_265, %multiple_of3A] : memref<64x1000000xf32, #tpu.memory_space<hbm>> -> memref<64x128xf32, #tpu.memory_space<hbm>>
    tpu.enqueue_dma source(%dma_start3A_266 : memref<64x128xf32, #tpu.memory_space<hbm>>) target(%dma_start3A_264 : memref<64x128xf32, #tpu.memory_space<vmem>>) target_semaphore(%arg12 : memref<!tpu.dma_semaphore, #tpu.memory_space<semaphore_mem>>)
    %dma_start3A_267 = arith.constant 0 : i32
    %dma_start3A_268 = arith.constant 0 : i32
    %dma_start3A_269 = arith.constant 0 : i32
    %dma_start3A_270 = tpu.memref_slice %arg10[%dma_start3A_267, %dma_start3A_268, %dma_start3A_269] : memref<7x64x128xf32, #tpu.memory_space<vmem>> -> memref<1x64x128xf32, #tpu.memory_space<vmem>>
    %dma_start3A_271 = tpu.memref_squeeze %dma_start3A_270 : memref<1x64x128xf32, #tpu.memory_space<vmem>> -> memref<64x128xf32, #tpu.memory_space<vmem>>
    %dma_start3A_272 = arith.constant 0 : i32
    %dma_start3A_273 = tpu.memref_slice %arg5[%dma_start3A_272, %multiple_of3A_254] : memref<64x1000000xf32, #tpu.memory_space<hbm>> -> memref<64x128xf32, #tpu.memory_space<hbm>>
    %dma_start3A_274 = arith.constant 0 : i32
    %dma_start3A_275 = arith.constant 0 : i32
    %dma_start3A_276 = tpu.memref_slice %arg10[%dma_start3A_267, %dma_start3A_274, %dma_start3A_275] : memref<7x64x128xf32, #tpu.memory_space<vmem>> -> memref<1x64x128xf32, #tpu.memory_space<vmem>>
    %dma_start3A_277 = tpu.memref_squeeze %dma_start3A_276 : memref<1x64x128xf32, #tpu.memory_space<vmem>> -> memref<64x128xf32, #tpu.memory_space<vmem>>
    %dma_start3A_278 = arith.constant 0 : i32
    %dma_start3A_279 = tpu.memref_slice %arg5[%dma_start3A_278, %multiple_of3A_254] : memref<64x1000000xf32, #tpu.memory_space<hbm>> -> memref<64x128xf32, #tpu.memory_space<hbm>>
    tpu.enqueue_dma source(%dma_start3A_279 : memref<64x128xf32, #tpu.memory_space<hbm>>) target(%dma_start3A_277 : memref<64x128xf32, #tpu.memory_space<vmem>>) target_semaphore(%arg12 : memref<!tpu.dma_semaphore, #tpu.memory_space<semaphore_mem>>)
    %dma_wait3A_280 = arith.constant 0 : i32
    %dma_wait3A_281 = arith.constant 0 : i32
    %dma_wait3A_282 = arith.constant 0 : i32
    %dma_wait3A_283 = tpu.memref_slice %arg9[%dma_wait3A_280, %dma_wait3A_281, %dma_wait3A_282] : memref<7x64x128xf32, #tpu.memory_space<vmem>> -> memref<1x64x128xf32, #tpu.memory_space<vmem>>
    %dma_wait3A_284 = tpu.memref_squeeze %dma_wait3A_283 : memref<1x64x128xf32, #tpu.memory_space<vmem>> -> memref<64x128xf32, #tpu.memory_space<vmem>>
    %dma_wait3A_285 = arith.constant 0 : i32
    %dma_wait3A_286 = arith.constant 0 : i32
    %dma_wait3A_287 = tpu.memref_slice %arg4[%dma_wait3A_285, %dma_wait3A_286] : memref<64x1000000xf32, #tpu.memory_space<hbm>> -> memref<64x128xf32, #tpu.memory_space<hbm>>
    %dma_wait3A_288 = arith.constant 0 : i32
    %dma_wait3A_289 = arith.constant 0 : i32
    %dma_wait3A_290 = tpu.memref_slice %arg9[%dma_wait3A_280, %dma_wait3A_288, %dma_wait3A_289] : memref<7x64x128xf32, #tpu.memory_space<vmem>> -> memref<1x64x128xf32, #tpu.memory_space<vmem>>
    %dma_wait3A_291 = tpu.memref_squeeze %dma_wait3A_290 : memref<1x64x128xf32, #tpu.memory_space<vmem>> -> memref<64x128xf32, #tpu.memory_space<vmem>>
    %dma_wait3A_292 = arith.constant 0 : i32
    %dma_wait3A_293 = arith.constant 0 : i32
    %dma_wait3A_294 = tpu.memref_slice %arg4[%dma_wait3A_292, %dma_wait3A_293] : memref<64x1000000xf32, #tpu.memory_space<hbm>> -> memref<64x128xf32, #tpu.memory_space<hbm>>
    tpu.wait_dma2 semaphore(%arg12 : memref<!tpu.dma_semaphore, #tpu.memory_space<semaphore_mem>>) src(%dma_wait3A_294 : memref<64x128xf32, #tpu.memory_space<hbm>>) dst(%dma_wait3A_291 : memref<64x128xf32, #tpu.memory_space<vmem>>)
    %dma_wait3A_295 = arith.constant 0 : i32
    %dma_wait3A_296 = arith.constant 0 : i32
    %dma_wait3A_297 = arith.constant 0 : i32
    %dma_wait3A_298 = tpu.memref_slice %arg10[%dma_wait3A_295, %dma_wait3A_296, %dma_wait3A_297] : memref<7x64x128xf32, #tpu.memory_space<vmem>> -> memref<1x64x128xf32, #tpu.memory_space<vmem>>
    %dma_wait3A_299 = tpu.memref_squeeze %dma_wait3A_298 : memref<1x64x128xf32, #tpu.memory_space<vmem>> -> memref<64x128xf32, #tpu.memory_space<vmem>>
    %dma_wait3A_300 = arith.constant 0 : i32
    %dma_wait3A_301 = arith.constant 0 : i32
    %dma_wait3A_302 = tpu.memref_slice %arg5[%dma_wait3A_300, %dma_wait3A_301] : memref<64x1000000xf32, #tpu.memory_space<hbm>> -> memref<64x128xf32, #tpu.memory_space<hbm>>
    %dma_wait3A_303 = arith.constant 0 : i32
    %dma_wait3A_304 = arith.constant 0 : i32
    %dma_wait3A_305 = tpu.memref_slice %arg10[%dma_wait3A_295, %dma_wait3A_303, %dma_wait3A_304] : memref<7x64x128xf32, #tpu.memory_space<vmem>> -> memref<1x64x128xf32, #tpu.memory_space<vmem>>
    %dma_wait3A_306 = tpu.memref_squeeze %dma_wait3A_305 : memref<1x64x128xf32, #tpu.memory_space<vmem>> -> memref<64x128xf32, #tpu.memory_space<vmem>>
    %dma_wait3A_307 = arith.constant 0 : i32
    %dma_wait3A_308 = arith.constant 0 : i32
    %dma_wait3A_309 = tpu.memref_slice %arg5[%dma_wait3A_307, %dma_wait3A_308] : memref<64x1000000xf32, #tpu.memory_space<hbm>> -> memref<64x128xf32, #tpu.memory_space<hbm>>
    tpu.wait_dma2 semaphore(%arg12 : memref<!tpu.dma_semaphore, #tpu.memory_space<semaphore_mem>>) src(%dma_wait3A_309 : memref<64x128xf32, #tpu.memory_space<hbm>>) dst(%dma_wait3A_306 : memref<64x128xf32, #tpu.memory_space<vmem>>)
    %add3A_310 = vector.broadcast %scan3A_223 : i32 to vector<16xi32>
    %add3A_311 = arith.addi %shift_right_arithmetic3A_7, %add3A_310 : vector<16xi32>
    %gather3A_312 = tpu.vector_load_idx %arg7[%add3A_311] : memref<512xi32, #tpu.memory_space<vmem>>[vector<16xi32>], vector<16xi32>,
    %and3A = arith.constant 127 : i32
    %and3A_313 = vector.broadcast %and3A : i32 to vector<16xi32>
    %and3A_314 = arith.andi %gather3A_312, %and3A_313 : vector<16xi32>
    %add3A_315 = vector.broadcast %scan3A_223 : i32 to vector<16xi32>
    %add3A_316 = arith.addi %shift_right_arithmetic3A_7, %add3A_315 : vector<16xi32>
    %gather3A_317 = tpu.vector_load_idx %arg8[%add3A_316] : memref<512xi32, #tpu.memory_space<vmem>>[vector<16xi32>], vector<16xi32>,
    %and3A_318 = arith.constant 127 : i32
    %and3A_319 = vector.broadcast %and3A_318 : i32 to vector<16xi32>
    %and3A_320 = arith.andi %gather3A_317, %and3A_319 : vector<16xi32>
    %broadcast_in_dim3A = arith.constant 0.000000e+00 : f32
    %broadcast_in_dim3A_321 = vector.broadcast %broadcast_in_dim3A : f32 to vector<16xf32>
    %add3A_322 = arith.constant 0 : i32
    %add3A_323 = vector.broadcast %add3A_322 : i32 to vector<16xi32>
    %add3A_324 = arith.addi %iota3A, %add3A_323 : vector<16xi32>
    %gather3A_325 = arith.constant 0 : i32
    %gather3A_326 = arith.constant 0 : i32
    %gather3A_327 = arith.constant 0 : i32
    %gather3A_328 = tpu.memref_slice %arg9[%gather3A_325, %gather3A_326, %gather3A_327] : memref<7x64x128xf32, #tpu.memory_space<vmem>> -> memref<1x64x128xf32, #tpu.memory_space<vmem>>
    %gather3A_329 = tpu.memref_squeeze %gather3A_328 : memref<1x64x128xf32, #tpu.memory_space<vmem>> -> memref<64x128xf32, #tpu.memory_space<vmem>>
    %gather3A_330 = tpu.vector_load_idx %gather3A_329[%add3A_324, %and3A_314] : memref<64x128xf32, #tpu.memory_space<vmem>>[vector<16xi32>, vector<16xi32>], vector<16xf32>,
    %gather3A_331 = arith.constant 0 : i32
    %gather3A_332 = arith.constant 0 : i32
    %gather3A_333 = arith.constant 0 : i32
    %gather3A_334 = tpu.memref_slice %arg10[%gather3A_331, %gather3A_332, %gather3A_333] : memref<7x64x128xf32, #tpu.memory_space<vmem>> -> memref<1x64x128xf32, #tpu.memory_space<vmem>>
    %gather3A_335 = tpu.memref_squeeze %gather3A_334 : memref<1x64x128xf32, #tpu.memory_space<vmem>> -> memref<64x128xf32, #tpu.memory_space<vmem>>
    %gather3A_336 = tpu.vector_load_idx %gather3A_335[%add3A_324, %and3A_320] : memref<64x128xf32, #tpu.memory_space<vmem>>[vector<16xi32>, vector<16xi32>], vector<16xf32>,
    %mul3A_337 = arith.mulf %gather3A_330, %gather3A_336 : vector<16xf32>
    %add3A_338 = arith.addf %broadcast_in_dim3A_321, %mul3A_337 : vector<16xf32>
    %add3A_339 = arith.constant 16 : i32
    %add3A_340 = vector.broadcast %add3A_339 : i32 to vector<16xi32>
    %add3A_341 = arith.addi %iota3A, %add3A_340 : vector<16xi32>
    %gather3A_342 = arith.constant 0 : i32
    %gather3A_343 = arith.constant 0 : i32
    %gather3A_344 = arith.constant 0 : i32
    %gather3A_345 = tpu.memref_slice %arg9[%gather3A_342, %gather3A_343, %gather3A_344] : memref<7x64x128xf32, #tpu.memory_space<vmem>> -> memref<1x64x128xf32, #tpu.memory_space<vmem>>
    %gather3A_346 = tpu.memref_squeeze %gather3A_345 : memref<1x64x128xf32, #tpu.memory_space<vmem>> -> memref<64x128xf32, #tpu.memory_space<vmem>>
    %gather3A_347 = tpu.vector_load_idx %gather3A_346[%add3A_341, %and3A_314] : memref<64x128xf32, #tpu.memory_space<vmem>>[vector<16xi32>, vector<16xi32>], vector<16xf32>,
    %gather3A_348 = arith.constant 0 : i32
    %gather3A_349 = arith.constant 0 : i32
    %gather3A_350 = arith.constant 0 : i32
    %gather3A_351 = tpu.memref_slice %arg10[%gather3A_348, %gather3A_349, %gather3A_350] : memref<7x64x128xf32, #tpu.memory_space<vmem>> -> memref<1x64x128xf32, #tpu.memory_space<vmem>>
    %gather3A_352 = tpu.memref_squeeze %gather3A_351 : memref<1x64x128xf32, #tpu.memory_space<vmem>> -> memref<64x128xf32, #tpu.memory_space<vmem>>
    %gather3A_353 = tpu.vector_load_idx %gather3A_352[%add3A_341, %and3A_320] : memref<64x128xf32, #tpu.memory_space<vmem>>[vector<16xi32>, vector<16xi32>], vector<16xf32>,
    %mul3A_354 = arith.mulf %gather3A_347, %gather3A_353 : vector<16xf32>
    %add3A_355 = arith.addf %add3A_338, %mul3A_354 : vector<16xf32>
    %add3A_356 = arith.constant 32 : i32
    %add3A_357 = vector.broadcast %add3A_356 : i32 to vector<16xi32>
    %add3A_358 = arith.addi %iota3A, %add3A_357 : vector<16xi32>
    %gather3A_359 = arith.constant 0 : i32
    %gather3A_360 = arith.constant 0 : i32
    %gather3A_361 = arith.constant 0 : i32
    %gather3A_362 = tpu.memref_slice %arg9[%gather3A_359, %gather3A_360, %gather3A_361] : memref<7x64x128xf32, #tpu.memory_space<vmem>> -> memref<1x64x128xf32, #tpu.memory_space<vmem>>
    %gather3A_363 = tpu.memref_squeeze %gather3A_362 : memref<1x64x128xf32, #tpu.memory_space<vmem>> -> memref<64x128xf32, #tpu.memory_space<vmem>>
    %gather3A_364 = tpu.vector_load_idx %gather3A_363[%add3A_358, %and3A_314] : memref<64x128xf32, #tpu.memory_space<vmem>>[vector<16xi32>, vector<16xi32>], vector<16xf32>,
    %gather3A_365 = arith.constant 0 : i32
    %gather3A_366 = arith.constant 0 : i32
    %gather3A_367 = arith.constant 0 : i32
    %gather3A_368 = tpu.memref_slice %arg10[%gather3A_365, %gather3A_366, %gather3A_367] : memref<7x64x128xf32, #tpu.memory_space<vmem>> -> memref<1x64x128xf32, #tpu.memory_space<vmem>>
    %gather3A_369 = tpu.memref_squeeze %gather3A_368 : memref<1x64x128xf32, #tpu.memory_space<vmem>> -> memref<64x128xf32, #tpu.memory_space<vmem>>
    %gather3A_370 = tpu.vector_load_idx %gather3A_369[%add3A_358, %and3A_320] : memref<64x128xf32, #tpu.memory_space<vmem>>[vector<16xi32>, vector<16xi32>], vector<16xf32>,
    %mul3A_371 = arith.mulf %gather3A_364, %gather3A_370 : vector<16xf32>
    %add3A_372 = arith.addf %add3A_355, %mul3A_371 : vector<16xf32>
    %add3A_373 = arith.constant 48 : i32
    %add3A_374 = vector.broadcast %add3A_373 : i32 to vector<16xi32>
    %add3A_375 = arith.addi %iota3A, %add3A_374 : vector<16xi32>
    %gather3A_376 = arith.constant 0 : i32
    %gather3A_377 = arith.constant 0 : i32
    %gather3A_378 = arith.constant 0 : i32
    %gather3A_379 = tpu.memref_slice %arg9[%gather3A_376, %gather3A_377, %gather3A_378] : memref<7x64x128xf32, #tpu.memory_space<vmem>> -> memref<1x64x128xf32, #tpu.memory_space<vmem>>
    %gather3A_380 = tpu.memref_squeeze %gather3A_379 : memref<1x64x128xf32, #tpu.memory_space<vmem>> -> memref<64x128xf32, #tpu.memory_space<vmem>>
    %gather3A_381 = tpu.vector_load_idx %gather3A_380[%add3A_375, %and3A_314] : memref<64x128xf32, #tpu.memory_space<vmem>>[vector<16xi32>, vector<16xi32>], vector<16xf32>,
    %gather3A_382 = arith.constant 0 : i32
    %gather3A_383 = arith.constant 0 : i32
    %gather3A_384 = arith.constant 0 : i32
    %gather3A_385 = tpu.memref_slice %arg10[%gather3A_382, %gather3A_383, %gather3A_384] : memref<7x64x128xf32, #tpu.memory_space<vmem>> -> memref<1x64x128xf32, #tpu.memory_space<vmem>>
    %gather3A_386 = tpu.memref_squeeze %gather3A_385 : memref<1x64x128xf32, #tpu.memory_space<vmem>> -> memref<64x128xf32, #tpu.memory_space<vmem>>
    %gather3A_387 = tpu.vector_load_idx %gather3A_386[%add3A_375, %and3A_320] : memref<64x128xf32, #tpu.memory_space<vmem>>[vector<16xi32>, vector<16xi32>], vector<16xf32>,
    %mul3A_388 = arith.mulf %gather3A_381, %gather3A_387 : vector<16xf32>
    %add3A_389 = arith.addf %add3A_372, %mul3A_388 : vector<16xf32>
    %reduce_sum3A = arith.constant true
    %reduce_sum3A_390 = vector.broadcast %reduce_sum3A : i1 to vector<16xi1>
    %reduce_sum3A_391 = tpu.scan <sum>, %add3A_389 masked %reduce_sum3A_390 : vector<16xf32>, vector<16xi1> -> vector<16xf32>
    %reduce_sum3A_392 = vector.extract %reduce_sum3A_391[15] : f32 from vector<16xf32>
    %broadcast_in_dim3A_393 = arith.constant 0 : i32
    %broadcast_in_dim3A_394 = vector.broadcast %broadcast_in_dim3A_393 : i32 to vector<16xi32>
    %add3A_395 = vector.broadcast %scan3A_223 : i32 to vector<16xi32>
    %add3A_396 = arith.addi %broadcast_in_dim3A_394, %add3A_395 : vector<16xi32>
    %broadcast_in_dim3A_397 = arith.constant 0.000000e+00 : f32
    %broadcast_in_dim3A_398 = vector.broadcast %broadcast_in_dim3A_397 : f32 to vector<16xf32>
    %add3A_399 = vector.broadcast %reduce_sum3A_392 : f32 to vector<16xf32>
    %add3A_400 = arith.addf %broadcast_in_dim3A_398, %add3A_399 : vector<16xf32>
    tpu.vector_store_idx %arg11[%add3A_396], %add3A_400 masked %eq3A_4 : memref<512xf32, #tpu.memory_space<vmem>>[vector<16xi32>], vector<16xf32>, vector<16xi1>
    %scan3A_401 = arith.constant 1 : i32
    "tpu.region"() ({
      %run_scoped3A = tpu.sem_alloc : memref<!tpu.dma_semaphore, #tpu.memory_space<semaphore_mem>>
      %dma_start3A_402 = tpu.memref_slice %arg6[%mul3A_2] : memref<16384xf32, #tpu.memory_space<hbm>> -> memref<512xf32, #tpu.memory_space<hbm>>
      %dma_start3A_403 = tpu.memref_slice %arg6[%mul3A_2] : memref<16384xf32, #tpu.memory_space<hbm>> -> memref<512xf32, #tpu.memory_space<hbm>>
      tpu.enqueue_dma source(%arg11 : memref<512xf32, #tpu.memory_space<vmem>>) target(%dma_start3A_403 : memref<512xf32, #tpu.memory_space<hbm>>) target_semaphore(%run_scoped3A : memref<!tpu.dma_semaphore, #tpu.memory_space<semaphore_mem>>)
      %dma_wait3A_404 = tpu.memref_slice %arg6[%mul3A_2] : memref<16384xf32, #tpu.memory_space<hbm>> -> memref<512xf32, #tpu.memory_space<hbm>>
      %dma_wait3A_405 = tpu.memref_slice %arg6[%mul3A_2] : memref<16384xf32, #tpu.memory_space<hbm>> -> memref<512xf32, #tpu.memory_space<hbm>>
      tpu.wait_dma2 semaphore(%run_scoped3A : memref<!tpu.dma_semaphore, #tpu.memory_space<semaphore_mem>>) src(%arg11 : memref<512xf32, #tpu.memory_space<vmem>>) dst(%dma_wait3A_405 : memref<512xf32, #tpu.memory_space<hbm>>)
      tpu.yield
    }) : () -> ()
    return
  }
}

</mosaic_0001>

<sc_bundles>
// kernel: kernel.3.cloned.1.call-start
scs
__scs_entry_jumppad:
0x0: {  	(pc) =	sbr.rel $0x88, $3  }
0x1: {  	(tag) =	ssettag $0x0;
	lr =	simm.s32 $0x1  }
0x2: {  	[smem:$0x3F9D] =	sst lr;
	_ =	strace $0xD0000000  }
0x3: {  	_ = 	snop  }
0x4: {  	_ = 	snop  }
0x5: {  	_ = 	snop  }
0x6: {  	_ = 	snop  }
0x7: {  	_ = 	snop  }
__scs_overlays_trampoline_lowered:
0x8: {  	[smem:$0x3FAC] =	sst s0  }
0x9: {  	[smem:$0x3FAD] =	sst s1  }
0xa: {  	[smem:$0x3FAE] =	sst s2  }
0xb: {  	[smem:$0x3FAF] =	sst s3  }
0xc: {  	[smem:$0x3FB0] =	sst s4  }
0xd: {  	[smem:$0x3FB1] =	sst s5  }
0xe: {  	[smem:$0x3FB2] =	sst s6  }
0xf: {  	[smem:$0x3FB3] =	sst s7  }
0x10: {  	[smem:$0x3FB4] =	sst s8  }
0x11: {  	[smem:$0x3FB5] =	sst s9;
	s0 =	simm.s32 @!p0 $0x0  }
0x12: {  	s1 =	sld [smem:$0x3F9B];
	s0 =	simm.s32 @p0 $0x1  }
0x13: {  	[smem:$0x3FB6] =	sst s0;
	s0 =	simm.s32 @!p1 $0x0  }
0x14: {  	s2 =	sld [smem:$0x3F9A];
	s0 =	simm.s32 @p1 $0x1  }
0x15: {  	[smem:$0x3FB7] =	sst s0;
	s0 =	simm.s32 @!p2 $0x0  }
0x16: {  	s3 =	sld [smem:$0x3FDB];
	s0 =	simm.s32 @p2 $0x1  }
0x17: {  	s4 =	simm.s32 $0x1BF5;
	[smem:$0x3FB9] =	sst s0  }
0x18: {  	s0 =	sld [smem:$0x3F9C];
	_ =	swait.ge [sflag:s4], $0x0  }
0x19: {  	s7 =	sld [smem:$0x3F9D]  }
0x1a: {  	s8 =	sadd.s32 $0xFFFFE003, lr  }
0x1b: {  	s9 =	sadd.s32 $0xFFFFFEF7, lr;
	s5 =	simm.s32 $0xFFFFFFFF;
	p2 =	slt.u32 s8, $0xFFFFF086  }
0x1c: {  	p1 =	slt.u32 s9, $0xF7A;
	s5 =	simm.s32 @!p2 $0x0  }
0x1d: {  	s5 =	simm.s32 @p1 $0x1;
	p0 =	seq.s32 s7, s2  }
0x1e: {  	s7 =	smul.u32 @!p0 $0xF7A, s2;
	p2 =	seq.s32 @!p0 s5, $0x0  }
0x1f: {  	s9 =	smul.u32 $0xF7A, s1;
	s8 =	simm.s32 @!p0 $0x1BF5;
	p2 =	por !p2, p0  }
0x20: {  	[sflag:s8] =	ssyncset.s32 @!p0 $0xFFFFF086;
	s6 =	sadd.s32 @!p0 s3, s7;
	s7 =	simm.s32 @!p0 $0x108  }
0x21: {  	s3 =	sadd.s32 s3, s9;
	s6 =	sadd.s32 @!p0 $0x88, s6;
	s7 =	simm.s32 @p2 $0x1082  }
0x22: {  	[simem:s7], [sflag:s8] =	dma.local @!p0 [hbm:s6], $0xF7A  }
0x23: {  	s9 =	sor.u32 $0xD0000000, s2;
	s6 =	simm.s32 $0x108;
	_ =	swait.ge @!p0 [sflag:s8], $0x0  }
0x24: {  	s3 =	sadd.s32 $0x88, s3;
	s6 =	simm.s32 @!p1 $0x1082;
	[sflag:s4] =	ssyncset.s32 $0xFFFFF086  }
0x25: {  	[simem:s6], [sflag:s4] =	dma.local [hbm:s3], $0xF7A  }
0x26: {  	[smem:$0x3F9D] =	sst s1;
	(tag) =	ssettag s2;
	_ =	strace s9  }
0x27: {  	s1 =	sld [smem:$0x3FAD]  }
0x28: {  	s2 =	sld [smem:$0x3FAE]  }
0x29: {  	s4 =	sld [smem:$0x3FB0]  }
0x2a: {  	p0 =	seq.s32 s5, $0x0;
	s5 =	sld [smem:$0x3FB1]  }
0x2b: {  	s6 =	sld [smem:$0x3FB2]  }
0x2c: {  	s7 =	sld [smem:$0x3FB3]  }
0x2d: {  	s3 =	simm.s32 $0x108;
	s8 =	sld [smem:$0x3FB4]  }
0x2e: {  	s3 =	simm.s32 @!p0 $0x1082;
	s9 =	sld [smem:$0x3FB5]  }
0x2f: {  	lr =	sadd.s32 s0, s3;
	s0 =	sld [smem:$0x3FAC]  }
0x30: {  	s3 =	sld [smem:$0x3FAF]  }
0x31: {  	[smem:$0x3FB8] =	sst s10  }
0x32: {  	s10 =	sld [smem:$0x3FB6];
	_ =	sdelay $0x3  }
0x33: {  	p0 =	seq.s32 s10, $0x1;
	s10 =	sld [smem:$0x3FB8];
	_ =	sdelay $0x3  }
0x34: {  	[smem:$0x3FB8] =	sst s10  }
0x35: {  	s10 =	sld [smem:$0x3FB7];
	_ =	sdelay $0x3  }
0x36: {  	p1 =	seq.s32 s10, $0x1;
	s10 =	sld [smem:$0x3FB8];
	_ =	sdelay $0x3  }
0x37: {  	[smem:$0x3FB8] =	sst s10  }
0x38: {  	s10 =	sld [smem:$0x3FB9]  }
0x39: {  	_ = 	snop;
	(pc) =	sbr.ind lr, $3  }
0x3a: {  	_ = 	snop  }
0x3b: {  	_ = 	snop  }
0x3c: {  	p2 =	seq.s32 s10, $0x1;
	s10 =	sld [smem:$0x3FB8]  }
0x3d: {  	_ =	shalt  }
0x3e: {  	_ =	shalt  }
0x3f: {  	_ =	shalt  }
0x40: {  	_ =	shalt  }
0x41: {  	_ =	shalt  }
0x42: {  	_ =	shalt  }
0x43: {  	_ =	shalt  }
0x44: {  	_ =	shalt  }
0x45: {  	_ =	shalt  }
0x46: {  	_ =	shalt  }
0x47: {  	_ =	shalt  }
0x48: {  	_ =	shalt  }
0x49: {  	_ =	shalt  }
0x4a: {  	_ =	shalt  }
0x4b: {  	_ =	shalt  }
0x4c: {  	_ =	shalt  }
0x4d: {  	_ =	shalt  }
0x4e: {  	_ =	shalt  }
0x4f: {  	_ =	shalt  }
0x50: {  	_ =	shalt  }
0x51: {  	_ =	shalt  }
0x52: {  	_ =	shalt  }
0x53: {  	_ =	shalt  }
0x54: {  	_ =	shalt  }
0x55: {  	_ =	shalt  }
0x56: {  	_ =	shalt  }
0x57: {  	_ =	shalt  }
0x58: {  	_ =	shalt  }
0x59: {  	_ =	shalt  }
0x5a: {  	_ =	shalt  }
0x5b: {  	_ =	shalt  }
0x5c: {  	_ =	shalt  }
0x5d: {  	_ =	shalt  }
0x5e: {  	_ =	shalt  }
0x5f: {  	_ =	shalt  }
0x60: {  	_ =	shalt  }
0x61: {  	_ =	shalt  }
0x62: {  	_ =	shalt  }
0x63: {  	_ =	shalt  }
0x64: {  	_ =	shalt  }
0x65: {  	_ =	shalt  }
0x66: {  	_ =	shalt  }
0x67: {  	_ =	shalt  }
0x68: {  	_ =	shalt  }
0x69: {  	_ =	shalt  }
0x6a: {  	_ =	shalt  }
0x6b: {  	_ =	shalt  }
0x6c: {  	_ =	shalt  }
0x6d: {  	_ =	shalt  }
0x6e: {  	_ =	shalt  }
0x6f: {  	_ =	shalt  }
0x70: {  	_ =	shalt  }
0x71: {  	_ =	shalt  }
0x72: {  	_ =	shalt  }
0x73: {  	_ =	shalt  }
0x74: {  	_ =	shalt  }
0x75: {  	_ =	shalt  }
0x76: {  	_ =	shalt  }
0x77: {  	_ =	shalt  }
0x78: {  	_ =	shalt  }
0x79: {  	_ =	shalt  }
0x7a: {  	_ =	shalt  }
0x7b: {  	_ =	shalt  }
0x7c: {  	_ =	shalt  }
0x7d: {  	_ =	shalt  }
0x7e: {  	_ =	shalt  }
0x7f: {  	_ =	shalt  }
0x80: {  	_ =	shalt  }
0x81: {  	_ =	shalt  }
0x82: {  	_ =	shalt  }
0x83: {  	_ =	shalt  }
0x84: {  	_ =	shalt  }
0x85: {  	_ =	shalt  }
0x86: {  	_ =	shalt  }
0x87: {  	_ =	shalt  }
.Lfunc_end0:
.L_simem_size_0:
called_computation_lowered:
.L_overlay_start_0:
0x88: {  	s2 =	sld [smem:$0x3FD9]  }
0x89: {  	s3 =	sld [smem:$0x3FFE];
	_ =	sdelay $0x1  }
0x8a: {  	s1 =	srdreg.scid  }
0x8b: {  	s0 =	sand.u32 $0x1, s1  }
0x8c: {  	s18 =	sshll.u32 s0, $0xA;
	s2 =	sadd.s32 s3, s2  }
0x8d: {  	s2 =	sadd.s32 s2, s18  }
0x8e: {  	[smem:$0x3FC4] =	sst s2  }
0x8f: {  	_ = 	snop  }
0x90: {  	s2 =	sld [smem:$0x3FC9]  }
0x91: {  	s19 =	sld [smem:$0x3FC8]  }
0x92: {  	s4 =	sld [smem:$0x3FC7]  }
0x93: {  	s5 =	sld [smem:$0x3FC6]  }
0x94: {  	s6 =	sld [smem:$0x3FD0];
	(tm) =	ssettm $0x1  }
0x95: {  	s7 =	sld [smem:$0x3FFB];
	_ =	sdelay $0x3  }
0x96: {  	_ =	strace s7  }
0x97: {  	s7 =	sld [smem:$0x3FFC];
	_ =	sdelay $0x3  }
0x98: {  	_ =	strace s7  }
0x99: {  	s7 =	sld [smem:$0x3FFD];
	_ =	sdelay $0x3  }
0x9a: {  	_ =	strace s7  }
0x9b: {  	_ =	strace $0x8FFFFFFF  }
0x9c: {  	s20 =	sld [smem:$0x3FDB];
	_ =	sdelay $0x1  }
0x9d: {  	s8 =	simm.s32 $_scs_section_size  }
0x9e: {  	s9 =	simm.s32 $_size__tile_overlayer_lowered;
	s10 =	simm.s32 $_tile_overlayer_lowered  }
0x9f: {  	s23 =	simm.s32 $0x1BFF;
	s22 =	sshll.u32 s10, $0x1;
	s7 =	sadd.s32 s8, s20  }
0xa0: {  	s11 =	simm.s32 $0x0;
	s21 =	sshll.u32 s9, $0x1;
	s9 =	sadd.s32 s22, s7  }
0xa1: {  	[timem:s11], [sflag:s23] =	dma.local [hbm:s9], s21  }
0xa2: {  	_ =	swait.ge [sflag:s23], s21  }
0xa3: {  	s8 =	ssub.s32 $0x0, s21;
	[sflag:s23] =	ssyncset.done $0x0  }
0xa4: {  	[sflag:s23] =	ssyncadd.s32 s8;
	_ =	sdelay $0x1  }
0xa5: {  	s24 =	simm.s32 $0x1B8B  }
0xa6: {  	_ =	swait.ge [sflag:s24], $0x1  }
0xa7: {  	[sflag:s24] =	ssyncset.done $0x0  }
0xa8: {  	s25 =	simm.s32 $0x1B8E;
	[sflag:s24] =	ssyncadd.s32 $0xFFFFFFFF  }
0xa9: {  	s26 =	simm.s32 $execute0_lowered;
	[smem:$0x3FD2] =	sst s25  }
0xaa: {  	s8 =	sshll.u32 s26, $0x1;
	_ =	strace $0x80000046;
	[dreg:$0x1] =	wrdreg $0xFFFFFFFF  }
0xab: {  	s28 =	simm.s32 $_size_execute0_lowered;
	s7 =	sadd.s32 s7, s8;
	[dreg:$0x0] =	wrdreg $0x0  }
0xac: {  	s8 =	sshll.u32 s28, $0x1;
	[dreg:$0x2] =	wrdreg s7  }
0xad: {  	[dreg:$0x3] =	wrdreg s8  }
0xae: {  	[dreg:$0x4] =	wrdreg $0xC0  }
0xaf: {  	_ =	task [dreg:s11], $0x5FFFF  }
0xb0: {  	[dreg:$0x1] =	wrdreg $0xFFFFFFFF  }
0xb1: {  	[dreg:$0x0] =	wrdreg $0x60  }
0xb2: {  	[dreg:$0x2] =	wrdreg s2  }
0xb3: {  	[dreg:$0x3] =	wrdreg s19  }
0xb4: {  	[dreg:$0x4] =	wrdreg s4  }
0xb5: {  	[dreg:$0x5] =	wrdreg s5  }
0xb6: {  	[dreg:$0x6] =	wrdreg s6  }
0xb7: {  	[dreg:$0x7] =	wrdreg $0x9  }
0xb8: {  	_ =	task.clear_ibuf [dreg:s11], $0x8FFFF;
	_ =	strace $0x90000046  }
0xb9: {  	s29 =	simm.s32 $0x9;
	_ =	strace $0x80000048  }
0xba: {  	_ =	swait.ge [sflag:s29], $0x1  }
0xbb: {  	[sflag:s29] =	ssyncadd.s32 $0xFFFFFFFF  }
0xbc: {  	_ =	strace $0x90000048  }
0xbd: {  	_ =	sfence  }
0xbe: {  	s30 =	sld [smem:$0x0];
	_ =	sdelay $0x2  }
0xbf: {  	s31 =	sshll.u32 s1, $0xD;
	s1 =	sshrl.u32 s1, $0x2  }
0xc0: {  	s3 =	sand.u32 $0x4000, s31;
	s1 =	sadd.s32 s1, s30  }
0xc1: {  	s0 =	sor.u32 s3, s0;
	s1 =	sshll.u32 s1, $0x11  }
0xc2: {  	s0 =	sor.u32 s1, s0  }
0xc3: {  	s0 =	sadd.s32 $0x8F2B, s0  }
0xc4: {  	[sflag:s0] =	ssyncadd.remote.s32 $0x1  }
0xc5: {  	_ =	sfence.sel $0xFFFF  }
0xc6: {  	[dreg:$0x0] =	wrdreg $0xFFFFFFFF;
	(pc) =	sbr.abs _section_cstart, $3  }
0xc7: {  	[dreg:$0x1] =	wrdreg $0xFFFFFFFF  }
0xc8: {  	_ =	task.clear_ibuf [dreg:s11], $0x2FFFF;
	_ =	strace $0x9FFFFFFF  }
0xc9: {  	(tm) =	ssettm $0x7FFFFFFF  }
tec
execute0_lowered:
.L_overlay_start_1:
0x0: {  	(tag) =	ssettag $0x1  }
0x1: {  	s0 =	rddreg [dreg:$0x0]  }
0x2: {  	s3 =	rddreg [dreg:$0x1]  }
0x3: {  	s1 =	rddreg [dreg:$0x2]  }
0x4: {  	s2 =	rddreg [dreg:$0x3]  }
0x5: {  	s5 =	rddreg [dreg:$0x4];
	s6 =	srdreg.scid;
	s4 =	simm.s32 $0x0  }
0x6: {  	s9 =	stileid.u32;
	s10 =	simm.s32 $0x200;
	s11 =	simm.s32 $0x7A1400  }
0x7: {  	s12 =	simm.s32 $0x400;
	s13 =	simm.s32 $0xE400;
	s14 =	simm.s32 $0x2400  }
0x8: {  	s15 =	simm.s32 $0x10400;
	s16 =	simm.s32 $0x4400;
	s17 =	simm.s32 $0x12400  }
0x9: {  	s18 =	simm.s32 $0x6400;
	s19 =	simm.s32 $0x14400;
	s20 =	simm.s32 $0x8400  }
0xa: {  	s21 =	simm.s32 $0x16400;
	s22 =	simm.s32 $0xA400;
	s23 =	simm.s32 $0x18400  }
0xb: {  	s28 =	simm.s32 $0x1C400;
	s29 =	simm.s32 $0x2;
	s30 =	simm.s32 $0x3  }
0xc: {  	s31 =	simm.s32 $0x4;
	s6 =	sand.u32 $0x1, s6;
	[smem:$0x7FF] =	sst s4  }
0xd: {  	s9 =	sshll.u32 s9, $0x7;
	s7 =	ssub.s32 $0x2, s6;
	s6 =	sshll.u32 s6, $0x6  }
0xe: {  	_ =	strace $0x80000047;
	s8 =	sshrl.u32 s7, $0x1;
	s6 =	sor.u32 s6, s9  }
0xf: {  	s7 =	ssub.s32 s7, s8;
	s0 =	sadd.s32 s0, s6;
	s24 =	sadd.s32 s3, s6  }
.Ltmp0:
0x10: {  	s25 =	sadd.s32 s5, s6;
	[dreg:$0x6] =	wrdreg s0;
	(pc) =	sbr.rel .LBB2_1-.Ltmp0, $4  }
0x11: {  	v0 =	vlaneseq.u32;
	s8 =	simm.s32 $0x8;
	s3 =	simm.s32 $0x6;
	[dreg:$0x7] =	wrdreg s24  }
0x12: {  	v0 =	vmul.u32 $0x80, v0;
	s5 =	simm.s32 $0x7;
	s6 =	simm.s32 $0x0;
	[dreg:$0x8] =	wrdreg s25  }
0x13: {  	v4 =	vimm.s32 $0x1FF;
	s26 =	smax.u32 s7, $0x1;
	s24 =	simm.s32 $0xC400;
	s25 =	simm.s32 $0x1A400  }
0x14: {  	v1 =	vor.u32 $0x800, v0;
	v2 =	vor.u32 $0x1000, v0;
	v3 =	vor.u32 $0x1800, v0;
	s0 =	simm.s32 $0x5;
	[dreg:$0x9] =	wrdreg s26;
	s26 =	simm.s32 $0x1  }
.LBB2_5:
0x15: {  	_ =	swait.ge [sflag:s26], $0x2000  }
0x16: {  	[sflag:s26] =	ssyncset.done $0x0  }
0x17: {  	[sflag:s26] =	ssyncadd.s32 $0xFFFFE000  }
0x18: {  	_ =	swait.ge [sflag:s26], $0x2000  }
0x19: {  	[sflag:s26] =	ssyncset.done $0x0  }
0x1a: {  	[sflag:s26] =	ssyncadd.s32 $0xFFFFE000  }
0x1b: {  	_ =	swait.ge [sflag:s29], $0x2000  }
0x1c: {  	[sflag:s29] =	ssyncset.done $0x0  }
0x1d: {  	[sflag:s29] =	ssyncadd.s32 $0xFFFFE000  }
0x1e: {  	_ =	swait.ge [sflag:s29], $0x2000  }
0x1f: {  	[sflag:s29] =	ssyncset.done $0x0  }
0x20: {  	[sflag:s29] =	ssyncadd.s32 $0xFFFFE000  }
0x21: {  	_ =	swait.ge [sflag:s30], $0x2000  }
0x22: {  	[sflag:s30] =	ssyncset.done $0x0  }
0x23: {  	[sflag:s30] =	ssyncadd.s32 $0xFFFFE000  }
0x24: {  	_ =	swait.ge [sflag:s30], $0x2000  }
0x25: {  	[sflag:s30] =	ssyncset.done $0x0  }
0x26: {  	[sflag:s30] =	ssyncadd.s32 $0xFFFFE000  }
0x27: {  	_ =	swait.ge [sflag:s31], $0x2000  }
0x28: {  	[sflag:s31] =	ssyncset.done $0x0  }
0x29: {  	[sflag:s31] =	ssyncadd.s32 $0xFFFFE000  }
0x2a: {  	_ =	swait.ge [sflag:s31], $0x2000  }
0x2b: {  	[sflag:s31] =	ssyncset.done $0x0  }
0x2c: {  	[sflag:s31] =	ssyncadd.s32 $0xFFFFE000  }
0x2d: {  	_ =	swait.ge [sflag:s0], $0x2000  }
0x2e: {  	[sflag:s0] =	ssyncset.done $0x0  }
0x2f: {  	[sflag:s0] =	ssyncadd.s32 $0xFFFFE000  }
0x30: {  	_ =	swait.ge [sflag:s0], $0x2000  }
0x31: {  	[sflag:s0] =	ssyncset.done $0x0  }
0x32: {  	[sflag:s0] =	ssyncadd.s32 $0xFFFFE000  }
0x33: {  	_ =	swait.ge [sflag:s3], $0x2000  }
0x34: {  	[sflag:s3] =	ssyncset.done $0x0  }
0x35: {  	[sflag:s3] =	ssyncadd.s32 $0xFFFFE000  }
0x36: {  	_ =	swait.ge [sflag:s3], $0x2000  }
0x37: {  	[sflag:s3] =	ssyncset.done $0x0  }
0x38: {  	[sflag:s3] =	ssyncadd.s32 $0xFFFFE000  }
0x39: {  	_ =	swait.ge [sflag:s5], $0x2000  }
0x3a: {  	v5 =	vadd.s32 $0x1FF, v5;
	[sflag:s5] =	ssyncset.done $0x0  }
0x3b: {  	[sflag:s5] =	ssyncadd.s32 $0xFFFFE000  }
0x3c: {  	_ =	swait.ge [sflag:s5], $0x2000  }
0x3d: {  	[sflag:s5] =	ssyncset.done $0x0  }
0x3e: {  	[sflag:s5] =	ssyncadd.s32 $0xFFFFE000  }
0x3f: {  	v6 =	vld.idx.msk [tilespmem:v5+s10+$0x0], $0xffff  }
0x40: {  	v7 =	vld.idx.msk [tilespmem:v5+s4+$0x0], $0xffff;
	_ =	sdelay $0x3  }
0x41: {  	v6 =	vshra.s32 v6, $0x7  }
0x42: {  	v7 =	vshra.s32 v7, $0x7;
	v6 =	vxor.u32 $0x80000000, v6  }
0x43: {  	(xrf0) =	vmax.scan.msk.u32 $0xffff, v6;
	v6 =	vxor.u32 $0x80000000, v7  }
0x44: {  	(xrf0) =	vmax.scan.msk.u32 $0xffff, v6;
	_ =	sdelay $0x4  }
0x45: {  	v6, _, _ =	vpop (xrf0)  }
0x46: {  	(v2sf) =	vpush v6, $0xF;
	v6, _, _ =	vpop (xrf0)  }
0x47: {  	(v2sf) =	vpush v6, $0xF;
	_ =	sdelay $0xd  }
0x48: {  	s7 =	spop (v2sf)  }
0x49: {  	s8 =	spop (v2sf)  }
0x4a: {  	s8 =	sshll.u32 s8, $0x7  }
0x4b: {  	s7 =	sshll.u32 s7, $0x7;
	s8 =	sand.u32 $0x1FFFFF80, s8  }
0x4c: {  	s7 =	sand.u32 $0x1FFFFF80, s7;
	s8 =	sadd.s32 s1, s8  }
0x4d: {  	[tilespmem:s12], [sflag:$0x1] =	stream.strided.gather [hbm4b:s8+s12], $0x2000, s11, s12, $0x38;
	[tilespmem:$0x1C600] =	vst v63  }
0x4e: {  	s7 =	sadd.s32 s2, s7  }
0x4f: {  	[tilespmem:s13], [sflag:$0x1] =	stream.strided.gather [hbm4b:s7+s12], $0x2000, s11, s12, $0x38;
	[tilespmem:$0x1C600] =	vst v63  }
0x50: {  	_ =	swait.ge [sflag:s26], $0x2000  }
0x51: {  	[sflag:s26] =	ssyncset.done $0x0  }
0x52: {  	[sflag:s26] =	ssyncadd.s32 $0xFFFFE000  }
0x53: {  	_ =	swait.ge [sflag:s26], $0x2000  }
0x54: {  	[sflag:s26] =	ssyncset.done $0x0  }
0x55: {  	[sflag:s26] =	ssyncadd.s32 $0xFFFFE000  }
0x56: {  	v6 =	vld.idx.msk [tilespmem:v5+s4+$0x0], $0xffff  }
0x57: {  	v5 =	vld.idx.msk [tilespmem:v5+s10+$0x0], $0xffff;
	_ =	sdelay $0x3  }
0x58: {  	v6 =	vand.u32 $0x7F, v6  }
0x59: {  	v5 =	vand.u32 $0x7F, v5;
	v7 =	vor.u32 v0, v6  }
0x5a: {  	v8 =	vor.u32 v0, v5  }
0x5b: {  	v9 =	vor.u32 v1, v6  }
0x5c: {  	v10 =	vor.u32 v1, v5  }
0x5d: {  	v11 =	vor.u32 v2, v6  }
0x5e: {  	v12 =	vor.u32 v2, v5;
	v7 =	vld.idx.msk [tilespmem:v7+s12+$0x0], $0xffff  }
0x5f: {  	v6 =	vor.u32 v3, v6;
	v8 =	vld.idx.msk [tilespmem:v8+s13+$0x0], $0xffff  }
0x60: {  	v5 =	vor.u32 v3, v5;
	v9 =	vld.idx.msk [tilespmem:v9+s12+$0x0], $0xffff  }
0x61: {  	v10 =	vld.idx.msk [tilespmem:v10+s13+$0x0], $0xffff  }
0x62: {  	v11 =	vld.idx.msk [tilespmem:v11+s12+$0x0], $0xffff  }
0x63: {  	v12 =	vld.idx.msk [tilespmem:v12+s13+$0x0], $0xffff  }
0x64: {  	v6 =	vld.idx.msk [tilespmem:v6+s12+$0x0], $0xffff;
	v7 =	vmul.f32 v8, v7  }
0x65: {  	v5 =	vld.idx.msk [tilespmem:v5+s13+$0x0], $0xffff  }
0x66: {  	v62 =	vmul.f32 v10, v9;
	v7 =	vadd.f32 $0.0e+00, v7;
	_ =	sdelay $0x1  }
0x67: {  	v63 =	vmul.f32 v12, v11;
	v7 =	vadd.f32 v62, v7;
	_ =	sdelay $0x1  }
0x68: {  	v5 =	vmul.f32 v5, v6;
	v7 =	vadd.f32 v63, v7;
	_ =	sdelay $0x1  }
0x69: {  	v5 =	vadd.f32 v5, v7;
	_ =	sdelay $0x1  }
0x6a: {  	(xrf2) =	vadd.scan.msk.f32 $0xffff, v5;
	_ =	sdelay $0x9  }
0x6b: {  	v5, _, _ =	vpop (xrf2)  }
0x6c: {  	v5 =	vadd.f32 $0.0e+00, v5;
	_ =	sdelay $0x1  }
0x6d: {  	v5 =	vbroadcast v5, $0xF;
	_ =	sdelay $0x1  }
0x6e: {  	s8 =	rddreg [dreg:$0x8];
	[tilespmem:v4+s28+$0x0] =	vst.idx.msk $0x1, v5  }
0x6f: {  	[hbm4b:s8+s4] =	stream.linear.scatter [tilespmem:s28], [sflag:$0x8], $0x200, $0x38;
	[tilespmem:$0x1C600] =	vst v63  }
0x70: {  	s8 =	simm.s32 $0x8  }
0x71: {  	_ =	swait.ge [sflag:s8], $0x200  }
0x72: {  	s6 =	sadd.s32 $0x1, s6;
	s9 =	rddreg [dreg:$0x9]  }
0x73: {  	p0 =	sne.s32 s6, s9  }
.Ltmp1:
0x74: {  	_ = 	snop;
	(pc) =	sbr.rel @!p0 .LBB2_6-.Ltmp1, $3  }
0x75: {  	_ =	sdelay $0x1  }
0x76: {  	[sflag:s8] =	ssyncset.done $0x0  }
0x77: {  	[sflag:s8] =	ssyncadd.s32 $0xFFFFFE00  }
.LBB2_1:
0x78: {  	s7 =	rddreg [dreg:$0x6]  }
0x79: {  	[tilespmem:s4], [sflag:$0x8] =	stream.linear.gather [hbm4b:s7+s4], $0x200, $0x38;
	[tilespmem:$0x1C600] =	vst v63  }
0x7a: {  	_ =	swait.ge [sflag:s8], $0x200  }
0x7b: {  	[sflag:s8] =	ssyncset.done $0x0  }
0x7c: {  	s9 =	rddreg [dreg:$0x7];
	[sflag:s8] =	ssyncadd.s32 $0xFFFFFE00  }
0x7d: {  	[tilespmem:s10], [sflag:$0x8] =	stream.linear.gather [hbm4b:s9+s4], $0x200, $0x38;
	[tilespmem:$0x1C600] =	vst v63  }
0x7e: {  	_ =	swait.ge [sflag:s8], $0x200  }
0x7f: {  	[sflag:s8] =	ssyncset.done $0x0  }
0x80: {  	[sflag:s8] =	ssyncadd.s32 $0xFFFFFE00  }
0x81: {  	v5 =	vld [tilespmem:$0x0];
	_ =	sdelay $0x2  }
.Ltmp2:
0x82: {  	_ = 	snop;
	(pc) =	sbr.rel .LBB2_2-.Ltmp2, $4  }
0x83: {  	_ = 	snop  }
0x84: {  	v5 =	vshra.s32 v5, $0x1E  }
0x85: {  	v6 =	vadd.s32 $0x1, v5;
	v7 =	vadd.s32 $0x2, v5;
	v8 =	vadd.s32 $0x3, v5  }
0x86: {  	s7 =	simm.s32 $0x0;
	v9 =	vadd.s32 $0x4, v5;
	v10 =	vadd.s32 $0x5, v5;
	v11 =	vadd.s32 $0x6, v5  }
.LBB2_4:
0x87: {  	_ =	swait.ge [sflag:s26], $0x2000  }
0x88: {  	v12 =	vadd.s32 s7, v5;
	[sflag:s26] =	ssyncset.done $0x0  }
0x89: {  	[sflag:s26] =	ssyncadd.s32 $0xFFFFE000  }
0x8a: {  	_ =	swait.ge [sflag:s26], $0x2000  }
0x8b: {  	[sflag:s26] =	ssyncset.done $0x0  }
0x8c: {  	[sflag:s26] =	ssyncadd.s32 $0xFFFFE000  }
0x8d: {  	v13 =	vld.idx.msk [tilespmem:v12+s4+$0x0], $0xffff  }
0x8e: {  	v12 =	vld.idx.msk [tilespmem:v12+s10+$0x0], $0xffff;
	_ =	sdelay $0x3  }
0x8f: {  	v13 =	vand.u32 $0x7F, v13  }
0x90: {  	v12 =	vand.u32 $0x7F, v12;
	v14 =	vor.u32 v0, v13  }
0x91: {  	v15 =	vor.u32 v0, v12  }
0x92: {  	v16 =	vor.u32 v1, v13  }
0x93: {  	v17 =	vor.u32 v1, v12  }
0x94: {  	v18 =	vor.u32 v2, v13  }
0x95: {  	v19 =	vor.u32 v2, v12;
	v14 =	vld.idx.msk [tilespmem:v14+s12+$0x0], $0xffff  }
0x96: {  	v13 =	vor.u32 v3, v13;
	v15 =	vld.idx.msk [tilespmem:v15+s13+$0x0], $0xffff  }
0x97: {  	v12 =	vor.u32 v3, v12;
	v16 =	vld.idx.msk [tilespmem:v16+s12+$0x0], $0xffff  }
0x98: {  	v17 =	vld.idx.msk [tilespmem:v17+s13+$0x0], $0xffff  }
0x99: {  	v18 =	vld.idx.msk [tilespmem:v18+s12+$0x0], $0xffff  }
0x9a: {  	v19 =	vld.idx.msk [tilespmem:v19+s13+$0x0], $0xffff  }
0x9b: {  	v13 =	vld.idx.msk [tilespmem:v13+s12+$0x0], $0xffff;
	v14 =	vmul.f32 v15, v14  }
0x9c: {  	v12 =	vld.idx.msk [tilespmem:v12+s13+$0x0], $0xffff  }
0x9d: {  	v47 =	vmul.f32 v17, v16;
	v14 =	vadd.f32 $0.0e+00, v14;
	_ =	sdelay $0x1  }
0x9e: {  	v48 =	vmul.f32 v19, v18;
	v14 =	vadd.f32 v47, v14;
	_ =	sdelay $0x1  }
0x9f: {  	v12 =	vmul.f32 v12, v13;
	v14 =	vadd.f32 v48, v14;
	_ =	sdelay $0x1  }
0xa0: {  	v12 =	vadd.f32 v12, v14;
	_ =	sdelay $0x1  }
0xa1: {  	(xrf2) =	vadd.scan.msk.f32 $0xffff, v12;
	_ =	sdelay $0x8  }
0xa2: {  	s8 =	smin.u32 s7, $0x1F7  }
0xa3: {  	v49 =	vmov s7;
	s8 =	sadd.s32 $0x7, s8;
	v50, _, _ =	vpop (xrf2)  }
0xa4: {  	v51 =	vadd.s32 s8, v5;
	v13 =	vadd.f32 $0.0e+00, v50;
	_ =	sdelay $0x1  }
0xa5: {  	v13 =	vbroadcast v13, $0xF;
	_ =	sdelay $0x1  }
0xa6: {  	[tilespmem:v49+s28+$0x0] =	vst.idx.msk $0x1, v13  }
0xa7: {  	v12 =	vld.idx.msk [tilespmem:v51+s10+$0x0], $0xffff  }
0xa8: {  	v13 =	vld.idx.msk [tilespmem:v51+s4+$0x0], $0xffff;
	_ =	sdelay $0x3  }
0xa9: {  	v12 =	vshra.s32 v12, $0x7  }
0xaa: {  	v13 =	vshra.s32 v13, $0x7;
	v12 =	vxor.u32 $0x80000000, v12  }
0xab: {  	v52 =	vxor.u32 $0x80000000, v13;
	(xrf0) =	vmax.scan.msk.u32 $0xffff, v12  }
0xac: {  	(xrf0) =	vmax.scan.msk.u32 $0xffff, v52;
	_ =	sdelay $0x4  }
0xad: {  	v53, _, _ =	vpop (xrf0)  }
0xae: {  	(v2sf) =	vpush v53, $0xF;
	v54, _, _ =	vpop (xrf0)  }
0xaf: {  	(v2sf) =	vpush v54, $0xF;
	_ =	sdelay $0xd  }
0xb0: {  	s8 =	spop (v2sf)  }
0xb1: {  	s9 =	spop (v2sf)  }
0xb2: {  	s9 =	sshll.u32 s9, $0x7  }
0xb3: {  	s8 =	sshll.u32 s8, $0x7;
	s9 =	sand.u32 $0x1FFFFF80, s9  }
0xb4: {  	s8 =	sand.u32 $0x1FFFFF80, s8;
	s9 =	sadd.s32 s1, s9  }
0xb5: {  	[tilespmem:s12], [sflag:$0x1] =	stream.strided.gather [hbm4b:s9+s12], $0x2000, s11, s12, $0x38;
	[tilespmem:$0x1C600] =	vst v63  }
0xb6: {  	s8 =	sadd.s32 s2, s8  }
0xb7: {  	[tilespmem:s13], [sflag:$0x1] =	stream.strided.gather [hbm4b:s8+s12], $0x2000, s11, s12, $0x38;
	[tilespmem:$0x1C600] =	vst v63  }
0xb8: {  	s8 =	sadd.s32 $0x1, s7;
	_ =	swait.ge [sflag:s29], $0x2000  }
0xb9: {  	v55 =	vadd.s32 s8, v5;
	[sflag:s29] =	ssyncset.done $0x0  }
0xba: {  	[sflag:s29] =	ssyncadd.s32 $0xFFFFE000  }
0xbb: {  	_ =	swait.ge [sflag:s29], $0x2000  }
0xbc: {  	[sflag:s29] =	ssyncset.done $0x0  }
0xbd: {  	[sflag:s29] =	ssyncadd.s32 $0xFFFFE000  }
0xbe: {  	v56 =	vld.idx.msk [tilespmem:v55+s4+$0x0], $0xffff  }
0xbf: {  	v12 =	vld.idx.msk [tilespmem:v55+s10+$0x0], $0xffff;
	_ =	sdelay $0x3  }
0xc0: {  	v13 =	vand.u32 $0x7F, v56  }
0xc1: {  	v12 =	vand.u32 $0x7F, v12;
	v57 =	vor.u32 v0, v13  }
0xc2: {  	v58 =	vor.u32 v0, v12  }
0xc3: {  	v59 =	vor.u32 v1, v13  }
0xc4: {  	v60 =	vor.u32 v1, v12  }
0xc5: {  	v61 =	vor.u32 v2, v13  }
0xc6: {  	v62 =	vor.u32 v2, v12;
	v14 =	vld.idx.msk [tilespmem:v57+s14+$0x0], $0xffff  }
0xc7: {  	v13 =	vor.u32 v3, v13;
	v15 =	vld.idx.msk [tilespmem:v58+s15+$0x0], $0xffff  }
0xc8: {  	v12 =	vor.u32 v3, v12;
	v16 =	vld.idx.msk [tilespmem:v59+s14+$0x0], $0xffff  }
0xc9: {  	v17 =	vld.idx.msk [tilespmem:v60+s15+$0x0], $0xffff  }
0xca: {  	v18 =	vld.idx.msk [tilespmem:v61+s14+$0x0], $0xffff  }
0xcb: {  	v19 =	vld.idx.msk [tilespmem:v62+s15+$0x0], $0xffff  }
0xcc: {  	v13 =	vld.idx.msk [tilespmem:v13+s14+$0x0], $0xffff;
	v14 =	vmul.f32 v15, v14  }
0xcd: {  	v12 =	vld.idx.msk [tilespmem:v12+s15+$0x0], $0xffff  }
0xce: {  	v63 =	vmul.f32 v17, v16;
	v14 =	vadd.f32 $0.0e+00, v14;
	_ =	sdelay $0x1  }
0xcf: {  	v20 =	vmul.f32 v19, v18;
	v14 =	vadd.f32 v63, v14;
	_ =	sdelay $0x1  }
0xd0: {  	v12 =	vmul.f32 v12, v13;
	v14 =	vadd.f32 v20, v14;
	_ =	sdelay $0x1  }
0xd1: {  	v12 =	vadd.f32 v12, v14;
	_ =	sdelay $0x1  }
0xd2: {  	(xrf2) =	vadd.scan.msk.f32 $0xffff, v12;
	_ =	sdelay $0x8  }
0xd3: {  	s9 =	smin.u32 s7, $0x1F6  }
0xd4: {  	s9 =	sadd.s32 $0x8, s9;
	v21 =	vmov s8;
	v22, _, _ =	vpop (xrf2)  }
0xd5: {  	v23 =	vadd.s32 s9, v5;
	v13 =	vadd.f32 $0.0e+00, v22;
	_ =	sdelay $0x1  }
0xd6: {  	v13 =	vbroadcast v13, $0xF;
	_ =	sdelay $0x1  }
0xd7: {  	[tilespmem:v21+s28+$0x0] =	vst.idx.msk $0x1, v13  }
0xd8: {  	v12 =	vld.idx.msk [tilespmem:v23+s10+$0x0], $0xffff  }
0xd9: {  	v13 =	vld.idx.msk [tilespmem:v23+s4+$0x0], $0xffff;
	_ =	sdelay $0x3  }
0xda: {  	v12 =	vshra.s32 v12, $0x7  }
0xdb: {  	v13 =	vshra.s32 v13, $0x7;
	v12 =	vxor.u32 $0x80000000, v12  }
0xdc: {  	v24 =	vxor.u32 $0x80000000, v13;
	(xrf0) =	vmax.scan.msk.u32 $0xffff, v12  }
0xdd: {  	(xrf0) =	vmax.scan.msk.u32 $0xffff, v24;
	_ =	sdelay $0x4  }
0xde: {  	v25, _, _ =	vpop (xrf0)  }
0xdf: {  	(v2sf) =	vpush v25, $0xF;
	v26, _, _ =	vpop (xrf0)  }
0xe0: {  	(v2sf) =	vpush v26, $0xF;
	_ =	sdelay $0xd  }
0xe1: {  	s8 =	spop (v2sf)  }
0xe2: {  	s9 =	spop (v2sf)  }
0xe3: {  	s9 =	sshll.u32 s9, $0x7  }
0xe4: {  	s8 =	sshll.u32 s8, $0x7;
	s9 =	sand.u32 $0x1FFFFF80, s9  }
0xe5: {  	s8 =	sand.u32 $0x1FFFFF80, s8;
	s9 =	sadd.s32 s1, s9  }
0xe6: {  	[tilespmem:s14], [sflag:$0x2] =	stream.strided.gather [hbm4b:s9+s12], $0x2000, s11, s12, $0x38;
	[tilespmem:$0x1C600] =	vst v63  }
0xe7: {  	s8 =	sadd.s32 s2, s8  }
0xe8: {  	[tilespmem:s15], [sflag:$0x2] =	stream.strided.gather [hbm4b:s8+s12], $0x2000, s11, s12, $0x38;
	[tilespmem:$0x1C600] =	vst v63  }
0xe9: {  	s8 =	sadd.s32 $0x2, s7;
	_ =	swait.ge [sflag:s30], $0x2000  }
0xea: {  	v27 =	vadd.s32 s8, v5;
	[sflag:s30] =	ssyncset.done $0x0  }
0xeb: {  	[sflag:s30] =	ssyncadd.s32 $0xFFFFE000  }
0xec: {  	_ =	swait.ge [sflag:s30], $0x2000  }
0xed: {  	[sflag:s30] =	ssyncset.done $0x0  }
0xee: {  	[sflag:s30] =	ssyncadd.s32 $0xFFFFE000  }
0xef: {  	v28 =	vld.idx.msk [tilespmem:v27+s4+$0x0], $0xffff  }
0xf0: {  	v12 =	vld.idx.msk [tilespmem:v27+s10+$0x0], $0xffff;
	_ =	sdelay $0x3  }
0xf1: {  	v13 =	vand.u32 $0x7F, v28  }
0xf2: {  	v12 =	vand.u32 $0x7F, v12;
	v29 =	vor.u32 v0, v13  }
0xf3: {  	v30 =	vor.u32 v0, v12  }
0xf4: {  	v31 =	vor.u32 v1, v13  }
0xf5: {  	v32 =	vor.u32 v1, v12  }
0xf6: {  	v33 =	vor.u32 v2, v13  }
0xf7: {  	v34 =	vor.u32 v2, v12;
	v14 =	vld.idx.msk [tilespmem:v29+s16+$0x0], $0xffff  }
0xf8: {  	v13 =	vor.u32 v3, v13;
	v15 =	vld.idx.msk [tilespmem:v30+s17+$0x0], $0xffff  }
0xf9: {  	v12 =	vor.u32 v3, v12;
	v16 =	vld.idx.msk [tilespmem:v31+s16+$0x0], $0xffff  }
0xfa: {  	v17 =	vld.idx.msk [tilespmem:v32+s17+$0x0], $0xffff  }
0xfb: {  	v18 =	vld.idx.msk [tilespmem:v33+s16+$0x0], $0xffff  }
0xfc: {  	v19 =	vld.idx.msk [tilespmem:v34+s17+$0x0], $0xffff  }
0xfd: {  	v13 =	vld.idx.msk [tilespmem:v13+s16+$0x0], $0xffff;
	v14 =	vmul.f32 v15, v14  }
0xfe: {  	v12 =	vld.idx.msk [tilespmem:v12+s17+$0x0], $0xffff  }
0xff: {  	v35 =	vmul.f32 v17, v16;
	v14 =	vadd.f32 $0.0e+00, v14;
	_ =	sdelay $0x1  }
0x100: {  	v36 =	vmul.f32 v19, v18;
	v14 =	vadd.f32 v35, v14;
	_ =	sdelay $0x1  }
0x101: {  	v12 =	vmul.f32 v12, v13;
	v14 =	vadd.f32 v36, v14;
	_ =	sdelay $0x1  }
0x102: {  	v12 =	vadd.f32 v12, v14;
	_ =	sdelay $0x1  }
0x103: {  	(xrf2) =	vadd.scan.msk.f32 $0xffff, v12;
	_ =	sdelay $0x8  }
0x104: {  	s9 =	smin.u32 s7, $0x1F5  }
0x105: {  	s9 =	sadd.s32 $0x9, s9;
	v37 =	vmov s8;
	v38, _, _ =	vpop (xrf2)  }
0x106: {  	v39 =	vadd.s32 s9, v5;
	v13 =	vadd.f32 $0.0e+00, v38;
	_ =	sdelay $0x1  }
0x107: {  	v13 =	vbroadcast v13, $0xF;
	_ =	sdelay $0x1  }
0x108: {  	[tilespmem:v37+s28+$0x0] =	vst.idx.msk $0x1, v13  }
0x109: {  	v12 =	vld.idx.msk [tilespmem:v39+s10+$0x0], $0xffff  }
0x10a: {  	v13 =	vld.idx.msk [tilespmem:v39+s4+$0x0], $0xffff;
	_ =	sdelay $0x3  }
0x10b: {  	v12 =	vshra.s32 v12, $0x7  }
0x10c: {  	v13 =	vshra.s32 v13, $0x7;
	v12 =	vxor.u32 $0x80000000, v12  }
0x10d: {  	v40 =	vxor.u32 $0x80000000, v13;
	(xrf0) =	vmax.scan.msk.u32 $0xffff, v12  }
0x10e: {  	(xrf0) =	vmax.scan.msk.u32 $0xffff, v40;
	_ =	sdelay $0x4  }
0x10f: {  	v41, _, _ =	vpop (xrf0)  }
0x110: {  	(v2sf) =	vpush v41, $0xF;
	v42, _, _ =	vpop (xrf0)  }
0x111: {  	(v2sf) =	vpush v42, $0xF;
	_ =	sdelay $0xd  }
0x112: {  	s8 =	spop (v2sf)  }
0x113: {  	s9 =	spop (v2sf)  }
0x114: {  	s9 =	sshll.u32 s9, $0x7  }
0x115: {  	s8 =	sshll.u32 s8, $0x7;
	s9 =	sand.u32 $0x1FFFFF80, s9  }
0x116: {  	s8 =	sand.u32 $0x1FFFFF80, s8;
	s9 =	sadd.s32 s1, s9  }
0x117: {  	[tilespmem:s16], [sflag:$0x3] =	stream.strided.gather [hbm4b:s9+s12], $0x2000, s11, s12, $0x38;
	[tilespmem:$0x1C600] =	vst v63  }
0x118: {  	s8 =	sadd.s32 s2, s8  }
0x119: {  	[tilespmem:s17], [sflag:$0x3] =	stream.strided.gather [hbm4b:s8+s12], $0x2000, s11, s12, $0x38;
	[tilespmem:$0x1C600] =	vst v63  }
0x11a: {  	s8 =	sadd.s32 $0x3, s7;
	_ =	swait.ge [sflag:s31], $0x2000  }
0x11b: {  	v43 =	vadd.s32 s8, v5;
	[sflag:s31] =	ssyncset.done $0x0  }
0x11c: {  	[sflag:s31] =	ssyncadd.s32 $0xFFFFE000  }
0x11d: {  	_ =	swait.ge [sflag:s31], $0x2000  }
0x11e: {  	[sflag:s31] =	ssyncset.done $0x0  }
0x11f: {  	[sflag:s31] =	ssyncadd.s32 $0xFFFFE000  }
0x120: {  	v44 =	vld.idx.msk [tilespmem:v43+s4+$0x0], $0xffff  }
0x121: {  	v12 =	vld.idx.msk [tilespmem:v43+s10+$0x0], $0xffff;
	_ =	sdelay $0x3  }
0x122: {  	v13 =	vand.u32 $0x7F, v44  }
0x123: {  	v12 =	vand.u32 $0x7F, v12;
	v45 =	vor.u32 v0, v13  }
0x124: {  	v46 =	vor.u32 v0, v12  }
0x125: {  	v47 =	vor.u32 v1, v13  }
0x126: {  	v48 =	vor.u32 v1, v12  }
0x127: {  	v49 =	vor.u32 v2, v13  }
0x128: {  	v50 =	vor.u32 v2, v12;
	v14 =	vld.idx.msk [tilespmem:v45+s18+$0x0], $0xffff  }
0x129: {  	v13 =	vor.u32 v3, v13;
	v15 =	vld.idx.msk [tilespmem:v46+s19+$0x0], $0xffff  }
0x12a: {  	v12 =	vor.u32 v3, v12;
	v16 =	vld.idx.msk [tilespmem:v47+s18+$0x0], $0xffff  }
0x12b: {  	v17 =	vld.idx.msk [tilespmem:v48+s19+$0x0], $0xffff  }
0x12c: {  	v18 =	vld.idx.msk [tilespmem:v49+s18+$0x0], $0xffff  }
0x12d: {  	v19 =	vld.idx.msk [tilespmem:v50+s19+$0x0], $0xffff  }
0x12e: {  	v13 =	vld.idx.msk [tilespmem:v13+s18+$0x0], $0xffff;
	v14 =	vmul.f32 v15, v14  }
0x12f: {  	v12 =	vld.idx.msk [tilespmem:v12+s19+$0x0], $0xffff  }
0x130: {  	v51 =	vmul.f32 v17, v16;
	v14 =	vadd.f32 $0.0e+00, v14;
	_ =	sdelay $0x1  }
0x131: {  	v52 =	vmul.f32 v19, v18;
	v14 =	vadd.f32 v51, v14;
	_ =	sdelay $0x1  }
0x132: {  	v12 =	vmul.f32 v12, v13;
	v14 =	vadd.f32 v52, v14;
	_ =	sdelay $0x1  }
0x133: {  	v12 =	vadd.f32 v12, v14;
	_ =	sdelay $0x1  }
0x134: {  	(xrf2) =	vadd.scan.msk.f32 $0xffff, v12;
	_ =	sdelay $0x8  }
0x135: {  	s9 =	smin.u32 s7, $0x1F4  }
0x136: {  	s9 =	sadd.s32 $0xA, s9;
	v53 =	vmov s8;
	v54, _, _ =	vpop (xrf2)  }
0x137: {  	v55 =	vadd.s32 s9, v5;
	v13 =	vadd.f32 $0.0e+00, v54;
	_ =	sdelay $0x1  }
0x138: {  	v13 =	vbroadcast v13, $0xF;
	_ =	sdelay $0x1  }
0x139: {  	[tilespmem:v53+s28+$0x0] =	vst.idx.msk $0x1, v13  }
0x13a: {  	v12 =	vld.idx.msk [tilespmem:v55+s10+$0x0], $0xffff  }
0x13b: {  	v13 =	vld.idx.msk [tilespmem:v55+s4+$0x0], $0xffff;
	_ =	sdelay $0x3  }
0x13c: {  	v12 =	vshra.s32 v12, $0x7  }
0x13d: {  	v13 =	vshra.s32 v13, $0x7;
	v12 =	vxor.u32 $0x80000000, v12  }
0x13e: {  	v56 =	vxor.u32 $0x80000000, v13;
	(xrf0) =	vmax.scan.msk.u32 $0xffff, v12  }
0x13f: {  	(xrf0) =	vmax.scan.msk.u32 $0xffff, v56;
	_ =	sdelay $0x4  }
0x140: {  	v57, _, _ =	vpop (xrf0)  }
0x141: {  	(v2sf) =	vpush v57, $0xF;
	v58, _, _ =	vpop (xrf0)  }
0x142: {  	(v2sf) =	vpush v58, $0xF;
	_ =	sdelay $0xd  }
0x143: {  	s8 =	spop (v2sf)  }
0x144: {  	s9 =	spop (v2sf)  }
0x145: {  	s9 =	sshll.u32 s9, $0x7  }
0x146: {  	s8 =	sshll.u32 s8, $0x7;
	s9 =	sand.u32 $0x1FFFFF80, s9  }
0x147: {  	s8 =	sand.u32 $0x1FFFFF80, s8;
	s9 =	sadd.s32 s1, s9  }
0x148: {  	[tilespmem:s18], [sflag:$0x4] =	stream.strided.gather [hbm4b:s9+s12], $0x2000, s11, s12, $0x38;
	[tilespmem:$0x1C600] =	vst v63  }
0x149: {  	s8 =	sadd.s32 s2, s8  }
0x14a: {  	[tilespmem:s19], [sflag:$0x4] =	stream.strided.gather [hbm4b:s8+s12], $0x2000, s11, s12, $0x38;
	[tilespmem:$0x1C600] =	vst v63  }
0x14b: {  	s8 =	sadd.s32 $0x4, s7;
	_ =	swait.ge [sflag:s0], $0x2000  }
0x14c: {  	v59 =	vadd.s32 s8, v5;
	[sflag:s0] =	ssyncset.done $0x0  }
0x14d: {  	[sflag:s0] =	ssyncadd.s32 $0xFFFFE000  }
0x14e: {  	_ =	swait.ge [sflag:s0], $0x2000  }
0x14f: {  	[sflag:s0] =	ssyncset.done $0x0  }
0x150: {  	[sflag:s0] =	ssyncadd.s32 $0xFFFFE000  }
0x151: {  	v60 =	vld.idx.msk [tilespmem:v59+s4+$0x0], $0xffff  }
0x152: {  	v12 =	vld.idx.msk [tilespmem:v59+s10+$0x0], $0xffff;
	_ =	sdelay $0x3  }
0x153: {  	v13 =	vand.u32 $0x7F, v60  }
0x154: {  	v12 =	vand.u32 $0x7F, v12;
	v61 =	vor.u32 v0, v13  }
0x155: {  	v62 =	vor.u32 v0, v12  }
0x156: {  	v63 =	vor.u32 v1, v13  }
0x157: {  	v21 =	vor.u32 v1, v12  }
0x158: {  	v22 =	vor.u32 v2, v13  }
0x159: {  	v23 =	vor.u32 v2, v12;
	v14 =	vld.idx.msk [tilespmem:v61+s20+$0x0], $0xffff  }
0x15a: {  	v13 =	vor.u32 v3, v13;
	v15 =	vld.idx.msk [tilespmem:v62+s21+$0x0], $0xffff  }
0x15b: {  	v12 =	vor.u32 v3, v12;
	v16 =	vld.idx.msk [tilespmem:v63+s20+$0x0], $0xffff  }
0x15c: {  	v17 =	vld.idx.msk [tilespmem:v21+s21+$0x0], $0xffff  }
0x15d: {  	v18 =	vld.idx.msk [tilespmem:v22+s20+$0x0], $0xffff  }
0x15e: {  	v19 =	vld.idx.msk [tilespmem:v23+s21+$0x0], $0xffff  }
0x15f: {  	v13 =	vld.idx.msk [tilespmem:v13+s20+$0x0], $0xffff;
	v14 =	vmul.f32 v15, v14  }
0x160: {  	v12 =	vld.idx.msk [tilespmem:v12+s21+$0x0], $0xffff  }
0x161: {  	v24 =	vmul.f32 v17, v16;
	v14 =	vadd.f32 $0.0e+00, v14;
	_ =	sdelay $0x1  }
0x162: {  	v25 =	vmul.f32 v19, v18;
	v14 =	vadd.f32 v24, v14;
	_ =	sdelay $0x1  }
0x163: {  	v12 =	vmul.f32 v12, v13;
	v14 =	vadd.f32 v25, v14;
	_ =	sdelay $0x1  }
0x164: {  	v12 =	vadd.f32 v12, v14;
	_ =	sdelay $0x1  }
0x165: {  	(xrf2) =	vadd.scan.msk.f32 $0xffff, v12;
	_ =	sdelay $0x8  }
0x166: {  	s9 =	smin.u32 s7, $0x1F3  }
0x167: {  	s9 =	sadd.s32 $0xB, s9;
	v26 =	vmov s8;
	v27, _, _ =	vpop (xrf2)  }
0x168: {  	v28 =	vadd.s32 s9, v5;
	v13 =	vadd.f32 $0.0e+00, v27;
	_ =	sdelay $0x1  }
0x169: {  	v13 =	vbroadcast v13, $0xF;
	_ =	sdelay $0x1  }
0x16a: {  	[tilespmem:v26+s28+$0x0] =	vst.idx.msk $0x1, v13  }
0x16b: {  	v12 =	vld.idx.msk [tilespmem:v28+s10+$0x0], $0xffff  }
0x16c: {  	v13 =	vld.idx.msk [tilespmem:v28+s4+$0x0], $0xffff;
	_ =	sdelay $0x3  }
0x16d: {  	v12 =	vshra.s32 v12, $0x7  }
0x16e: {  	v13 =	vshra.s32 v13, $0x7;
	v12 =	vxor.u32 $0x80000000, v12  }
0x16f: {  	v29 =	vxor.u32 $0x80000000, v13;
	(xrf0) =	vmax.scan.msk.u32 $0xffff, v12  }
0x170: {  	(xrf0) =	vmax.scan.msk.u32 $0xffff, v29;
	_ =	sdelay $0x4  }
0x171: {  	v30, _, _ =	vpop (xrf0)  }
0x172: {  	(v2sf) =	vpush v30, $0xF;
	v31, _, _ =	vpop (xrf0)  }
0x173: {  	(v2sf) =	vpush v31, $0xF;
	_ =	sdelay $0xd  }
0x174: {  	s8 =	spop (v2sf)  }
0x175: {  	s9 =	spop (v2sf)  }
0x176: {  	s9 =	sshll.u32 s9, $0x7  }
0x177: {  	s8 =	sshll.u32 s8, $0x7;
	s9 =	sand.u32 $0x1FFFFF80, s9  }
0x178: {  	s8 =	sand.u32 $0x1FFFFF80, s8;
	s9 =	sadd.s32 s1, s9  }
0x179: {  	[tilespmem:s20], [sflag:$0x5] =	stream.strided.gather [hbm4b:s9+s12], $0x2000, s11, s12, $0x38;
	[tilespmem:$0x1C600] =	vst v63  }
0x17a: {  	s8 =	sadd.s32 s2, s8  }
0x17b: {  	[tilespmem:s21], [sflag:$0x5] =	stream.strided.gather [hbm4b:s8+s12], $0x2000, s11, s12, $0x38;
	[tilespmem:$0x1C600] =	vst v63  }
0x17c: {  	s8 =	sadd.s32 $0x5, s7;
	_ =	swait.ge [sflag:s3], $0x2000  }
0x17d: {  	v32 =	vadd.s32 s8, v5;
	[sflag:s3] =	ssyncset.done $0x0  }
0x17e: {  	[sflag:s3] =	ssyncadd.s32 $0xFFFFE000  }
0x17f: {  	_ =	swait.ge [sflag:s3], $0x2000  }
0x180: {  	[sflag:s3] =	ssyncset.done $0x0  }
0x181: {  	[sflag:s3] =	ssyncadd.s32 $0xFFFFE000  }
0x182: {  	v33 =	vld.idx.msk [tilespmem:v32+s4+$0x0], $0xffff  }
0x183: {  	v12 =	vld.idx.msk [tilespmem:v32+s10+$0x0], $0xffff;
	_ =	sdelay $0x3  }
0x184: {  	v13 =	vand.u32 $0x7F, v33  }
0x185: {  	v12 =	vand.u32 $0x7F, v12;
	v34 =	vor.u32 v0, v13  }
0x186: {  	v35 =	vor.u32 v0, v12  }
0x187: {  	v36 =	vor.u32 v1, v13  }
0x188: {  	v37 =	vor.u32 v1, v12  }
0x189: {  	v38 =	vor.u32 v2, v13  }
0x18a: {  	v39 =	vor.u32 v2, v12;
	v14 =	vld.idx.msk [tilespmem:v34+s22+$0x0], $0xffff  }
0x18b: {  	v13 =	vor.u32 v3, v13;
	v15 =	vld.idx.msk [tilespmem:v35+s23+$0x0], $0xffff  }
0x18c: {  	v12 =	vor.u32 v3, v12;
	v16 =	vld.idx.msk [tilespmem:v36+s22+$0x0], $0xffff  }
0x18d: {  	v17 =	vld.idx.msk [tilespmem:v37+s23+$0x0], $0xffff  }
0x18e: {  	v18 =	vld.idx.msk [tilespmem:v38+s22+$0x0], $0xffff  }
0x18f: {  	v19 =	vld.idx.msk [tilespmem:v39+s23+$0x0], $0xffff  }
0x190: {  	v13 =	vld.idx.msk [tilespmem:v13+s22+$0x0], $0xffff;
	v14 =	vmul.f32 v15, v14  }
0x191: {  	v12 =	vld.idx.msk [tilespmem:v12+s23+$0x0], $0xffff  }
0x192: {  	v40 =	vmul.f32 v17, v16;
	v14 =	vadd.f32 $0.0e+00, v14;
	_ =	sdelay $0x1  }
0x193: {  	v41 =	vmul.f32 v19, v18;
	v14 =	vadd.f32 v40, v14;
	_ =	sdelay $0x1  }
0x194: {  	v12 =	vmul.f32 v12, v13;
	v14 =	vadd.f32 v41, v14;
	_ =	sdelay $0x1  }
0x195: {  	v12 =	vadd.f32 v12, v14;
	_ =	sdelay $0x1  }
0x196: {  	(xrf2) =	vadd.scan.msk.f32 $0xffff, v12;
	_ =	sdelay $0x8  }
0x197: {  	s9 =	smin.u32 s7, $0x1F2  }
0x198: {  	s9 =	sadd.s32 $0xC, s9;
	v42 =	vmov s8;
	v43, _, _ =	vpop (xrf2)  }
0x199: {  	v44 =	vadd.s32 s9, v5;
	v13 =	vadd.f32 $0.0e+00, v43;
	_ =	sdelay $0x1  }
0x19a: {  	v13 =	vbroadcast v13, $0xF;
	_ =	sdelay $0x1  }
0x19b: {  	[tilespmem:v42+s28+$0x0] =	vst.idx.msk $0x1, v13  }
0x19c: {  	v12 =	vld.idx.msk [tilespmem:v44+s10+$0x0], $0xffff  }
0x19d: {  	v13 =	vld.idx.msk [tilespmem:v44+s4+$0x0], $0xffff;
	_ =	sdelay $0x3  }
0x19e: {  	v12 =	vshra.s32 v12, $0x7  }
0x19f: {  	v13 =	vshra.s32 v13, $0x7;
	v12 =	vxor.u32 $0x80000000, v12  }
0x1a0: {  	v45 =	vxor.u32 $0x80000000, v13;
	(xrf0) =	vmax.scan.msk.u32 $0xffff, v12  }
0x1a1: {  	(xrf0) =	vmax.scan.msk.u32 $0xffff, v45;
	_ =	sdelay $0x4  }
0x1a2: {  	v46, _, _ =	vpop (xrf0)  }
0x1a3: {  	(v2sf) =	vpush v46, $0xF;
	v47, _, _ =	vpop (xrf0)  }
0x1a4: {  	(v2sf) =	vpush v47, $0xF;
	_ =	sdelay $0xd  }
0x1a5: {  	s8 =	spop (v2sf)  }
0x1a6: {  	s9 =	spop (v2sf)  }
0x1a7: {  	s9 =	sshll.u32 s9, $0x7  }
0x1a8: {  	s8 =	sshll.u32 s8, $0x7;
	s9 =	sand.u32 $0x1FFFFF80, s9  }
0x1a9: {  	s8 =	sand.u32 $0x1FFFFF80, s8;
	s9 =	sadd.s32 s1, s9  }
0x1aa: {  	[tilespmem:s22], [sflag:$0x6] =	stream.strided.gather [hbm4b:s9+s12], $0x2000, s11, s12, $0x38;
	[tilespmem:$0x1C600] =	vst v63  }
0x1ab: {  	s8 =	sadd.s32 s2, s8  }
0x1ac: {  	[tilespmem:s23], [sflag:$0x6] =	stream.strided.gather [hbm4b:s8+s12], $0x2000, s11, s12, $0x38;
	[tilespmem:$0x1C600] =	vst v63  }
0x1ad: {  	s8 =	sadd.s32 $0x6, s7;
	_ =	swait.ge [sflag:s5], $0x2000  }
0x1ae: {  	v48 =	vadd.s32 s8, v5;
	[sflag:s5] =	ssyncset.done $0x0  }
0x1af: {  	[sflag:s5] =	ssyncadd.s32 $0xFFFFE000  }
0x1b0: {  	_ =	swait.ge [sflag:s5], $0x2000  }
0x1b1: {  	[sflag:s5] =	ssyncset.done $0x0  }
0x1b2: {  	[sflag:s5] =	ssyncadd.s32 $0xFFFFE000  }
0x1b3: {  	v49 =	vld.idx.msk [tilespmem:v48+s4+$0x0], $0xffff  }
0x1b4: {  	v12 =	vld.idx.msk [tilespmem:v48+s10+$0x0], $0xffff;
	_ =	sdelay $0x3  }
0x1b5: {  	v13 =	vand.u32 $0x7F, v49  }
0x1b6: {  	v12 =	vand.u32 $0x7F, v12;
	v50 =	vor.u32 v0, v13  }
0x1b7: {  	v51 =	vor.u32 v0, v12  }
0x1b8: {  	v52 =	vor.u32 v1, v13  }
0x1b9: {  	v53 =	vor.u32 v1, v12  }
0x1ba: {  	v54 =	vor.u32 v2, v13  }
0x1bb: {  	v55 =	vor.u32 v2, v12;
	v14 =	vld.idx.msk [tilespmem:v50+s24+$0x0], $0xffff  }
0x1bc: {  	v13 =	vor.u32 v3, v13;
	v15 =	vld.idx.msk [tilespmem:v51+s25+$0x0], $0xffff  }
0x1bd: {  	v12 =	vor.u32 v3, v12;
	v16 =	vld.idx.msk [tilespmem:v52+s24+$0x0], $0xffff  }
0x1be: {  	v17 =	vld.idx.msk [tilespmem:v53+s25+$0x0], $0xffff  }
0x1bf: {  	v18 =	vld.idx.msk [tilespmem:v54+s24+$0x0], $0xffff  }
0x1c0: {  	v19 =	vld.idx.msk [tilespmem:v55+s25+$0x0], $0xffff  }
0x1c1: {  	v13 =	vld.idx.msk [tilespmem:v13+s24+$0x0], $0xffff;
	v14 =	vmul.f32 v15, v14  }
0x1c2: {  	v12 =	vld.idx.msk [tilespmem:v12+s25+$0x0], $0xffff  }
0x1c3: {  	v56 =	vmul.f32 v17, v16;
	v14 =	vadd.f32 $0.0e+00, v14;
	_ =	sdelay $0x1  }
0x1c4: {  	v57 =	vmul.f32 v19, v18;
	v14 =	vadd.f32 v56, v14;
	_ =	sdelay $0x1  }
0x1c5: {  	v12 =	vmul.f32 v12, v13;
	v14 =	vadd.f32 v57, v14;
	_ =	sdelay $0x1  }
0x1c6: {  	v12 =	vadd.f32 v12, v14;
	_ =	sdelay $0x1  }
0x1c7: {  	(xrf2) =	vadd.scan.msk.f32 $0xffff, v12;
	_ =	sdelay $0x8  }
0x1c8: {  	s9 =	smin.u32 s7, $0x1F1  }
0x1c9: {  	s9 =	sadd.s32 $0xD, s9;
	v58 =	vmov s8;
	v59, _, _ =	vpop (xrf2)  }
0x1ca: {  	v60 =	vadd.s32 s9, v5;
	v13 =	vadd.f32 $0.0e+00, v59;
	_ =	sdelay $0x1  }
0x1cb: {  	v13 =	vbroadcast v13, $0xF;
	_ =	sdelay $0x1  }
0x1cc: {  	[tilespmem:v58+s28+$0x0] =	vst.idx.msk $0x1, v13  }
0x1cd: {  	v12 =	vld.idx.msk [tilespmem:v60+s10+$0x0], $0xffff  }
0x1ce: {  	v13 =	vld.idx.msk [tilespmem:v60+s4+$0x0], $0xffff;
	_ =	sdelay $0x3  }
0x1cf: {  	v12 =	vshra.s32 v12, $0x7  }
0x1d0: {  	v13 =	vshra.s32 v13, $0x7;
	v12 =	vxor.u32 $0x80000000, v12  }
0x1d1: {  	v61 =	vxor.u32 $0x80000000, v13;
	(xrf0) =	vmax.scan.msk.u32 $0xffff, v12  }
0x1d2: {  	(xrf0) =	vmax.scan.msk.u32 $0xffff, v61;
	_ =	sdelay $0x4  }
0x1d3: {  	v62, _, _ =	vpop (xrf0)  }
0x1d4: {  	(v2sf) =	vpush v62, $0xF;
	v63, _, _ =	vpop (xrf0)  }
0x1d5: {  	(v2sf) =	vpush v63, $0xF;
	_ =	sdelay $0xd  }
0x1d6: {  	s8 =	spop (v2sf)  }
0x1d7: {  	s7 =	sadd.s32 $0x7, s7;
	s9 =	spop (v2sf)  }
0x1d8: {  	p0 =	sne.s32 s7, $0x1FF;
	s9 =	sshll.u32 s9, $0x7  }
.Ltmp3:
0x1d9: {  	s8 =	sshll.u32 s8, $0x7;
	s9 =	sand.u32 $0x1FFFFF80, s9;
	(pc) =	sbr.rel @!p0 .LBB2_5-.Ltmp3, $4  }
0x1da: {  	s8 =	sand.u32 $0x1FFFFF80, s8;
	s9 =	sadd.s32 s1, s9  }
0x1db: {  	[tilespmem:s24], [sflag:$0x7] =	stream.strided.gather [hbm4b:s9+s12], $0x2000, s11, s12, $0x38;
	[tilespmem:$0x1C600] =	vst v63  }
0x1dc: {  	s8 =	sadd.s32 s2, s8  }
0x1dd: {  	[tilespmem:s25], [sflag:$0x7] =	stream.strided.gather [hbm4b:s8+s12], $0x2000, s11, s12, $0x38;
	[tilespmem:$0x1C600] =	vst v63  }
.LBB2_2:
0x1de: {  	p0 =	sne.s32 s7, $0x0  }
.Ltmp4:
0x1df: {  	_ = 	snop;
	(pc) =	sbr.rel @p0 .LBB2_4-.Ltmp4, $1  }
0x1e0: {  	_ =	sdelay $0x3  }
0x1e1: {  	_ =	sdelay $0x3  }
0x1e2: {  	v12 =	vld.idx.msk [tilespmem:v5+s10+$0x0], $0xffff  }
0x1e3: {  	v13 =	vld.idx.msk [tilespmem:v5+s4+$0x0], $0xffff;
	_ =	sdelay $0x3  }
0x1e4: {  	v12 =	vshra.s32 v12, $0x7  }
0x1e5: {  	v13 =	vshra.s32 v13, $0x7;
	v12 =	vxor.u32 $0x80000000, v12  }
0x1e6: {  	v31 =	vxor.u32 $0x80000000, v13;
	(xrf0) =	vmax.scan.msk.u32 $0xffff, v12  }
0x1e7: {  	(xrf0) =	vmax.scan.msk.u32 $0xffff, v31;
	_ =	sdelay $0x4  }
0x1e8: {  	v32, _, _ =	vpop (xrf0)  }
0x1e9: {  	(v2sf) =	vpush v32, $0xF;
	v33, _, _ =	vpop (xrf0)  }
0x1ea: {  	(v2sf) =	vpush v33, $0xF;
	_ =	sdelay $0xd  }
0x1eb: {  	s8 =	spop (v2sf)  }
0x1ec: {  	s9 =	spop (v2sf)  }
0x1ed: {  	s9 =	sshll.u32 s9, $0x7  }
0x1ee: {  	s8 =	sshll.u32 s8, $0x7;
	s9 =	sand.u32 $0x1FFFFF80, s9  }
0x1ef: {  	s8 =	sand.u32 $0x1FFFFF80, s8;
	s9 =	sadd.s32 s1, s9  }
0x1f0: {  	[tilespmem:s12], [sflag:$0x1] =	stream.strided.gather [hbm4b:s9+s12], $0x2000, s11, s12, $0x38;
	[tilespmem:$0x1C600] =	vst v63  }
0x1f1: {  	s8 =	sadd.s32 s2, s8  }
0x1f2: {  	[tilespmem:s13], [sflag:$0x1] =	stream.strided.gather [hbm4b:s8+s12], $0x2000, s11, s12, $0x38;
	[tilespmem:$0x1C600] =	vst v63  }
0x1f3: {  	v34 =	vld.idx.msk [tilespmem:v6+s10+$0x0], $0xffff  }
0x1f4: {  	v35 =	vld.idx.msk [tilespmem:v6+s4+$0x0], $0xffff;
	_ =	sdelay $0x3  }
0x1f5: {  	v12 =	vshra.s32 v34, $0x7  }
0x1f6: {  	v13 =	vshra.s32 v35, $0x7;
	v12 =	vxor.u32 $0x80000000, v12  }
0x1f7: {  	v36 =	vxor.u32 $0x80000000, v13;
	(xrf0) =	vmax.scan.msk.u32 $0xffff, v12  }
0x1f8: {  	(xrf0) =	vmax.scan.msk.u32 $0xffff, v36;
	_ =	sdelay $0x4  }
0x1f9: {  	v37, _, _ =	vpop (xrf0)  }
0x1fa: {  	(v2sf) =	vpush v37, $0xF;
	v38, _, _ =	vpop (xrf0)  }
0x1fb: {  	(v2sf) =	vpush v38, $0xF;
	_ =	sdelay $0xd  }
0x1fc: {  	s8 =	spop (v2sf)  }
0x1fd: {  	s9 =	spop (v2sf)  }
0x1fe: {  	s9 =	sshll.u32 s9, $0x7  }
0x1ff: {  	s8 =	sshll.u32 s8, $0x7;
	s9 =	sand.u32 $0x1FFFFF80, s9  }
0x200: {  	s8 =	sand.u32 $0x1FFFFF80, s8;
	s9 =	sadd.s32 s1, s9  }
0x201: {  	[tilespmem:s14], [sflag:$0x2] =	stream.strided.gather [hbm4b:s9+s12], $0x2000, s11, s12, $0x38;
	[tilespmem:$0x1C600] =	vst v63  }
0x202: {  	s8 =	sadd.s32 s2, s8  }
0x203: {  	[tilespmem:s15], [sflag:$0x2] =	stream.strided.gather [hbm4b:s8+s12], $0x2000, s11, s12, $0x38;
	[tilespmem:$0x1C600] =	vst v63  }
0x204: {  	v39 =	vld.idx.msk [tilespmem:v7+s10+$0x0], $0xffff  }
0x205: {  	v40 =	vld.idx.msk [tilespmem:v7+s4+$0x0], $0xffff;
	_ =	sdelay $0x3  }
0x206: {  	v12 =	vshra.s32 v39, $0x7  }
0x207: {  	v13 =	vshra.s32 v40, $0x7;
	v12 =	vxor.u32 $0x80000000, v12  }
0x208: {  	v41 =	vxor.u32 $0x80000000, v13;
	(xrf0) =	vmax.scan.msk.u32 $0xffff, v12  }
0x209: {  	(xrf0) =	vmax.scan.msk.u32 $0xffff, v41;
	_ =	sdelay $0x4  }
0x20a: {  	v42, _, _ =	vpop (xrf0)  }
0x20b: {  	(v2sf) =	vpush v42, $0xF;
	v43, _, _ =	vpop (xrf0)  }
0x20c: {  	(v2sf) =	vpush v43, $0xF;
	_ =	sdelay $0xd  }
0x20d: {  	s8 =	spop (v2sf)  }
0x20e: {  	s9 =	spop (v2sf)  }
0x20f: {  	s9 =	sshll.u32 s9, $0x7  }
0x210: {  	s8 =	sshll.u32 s8, $0x7;
	s9 =	sand.u32 $0x1FFFFF80, s9  }
0x211: {  	s8 =	sand.u32 $0x1FFFFF80, s8;
	s9 =	sadd.s32 s1, s9  }
0x212: {  	[tilespmem:s16], [sflag:$0x3] =	stream.strided.gather [hbm4b:s9+s12], $0x2000, s11, s12, $0x38;
	[tilespmem:$0x1C600] =	vst v63  }
0x213: {  	s8 =	sadd.s32 s2, s8  }
0x214: {  	[tilespmem:s17], [sflag:$0x3] =	stream.strided.gather [hbm4b:s8+s12], $0x2000, s11, s12, $0x38;
	[tilespmem:$0x1C600] =	vst v63  }
0x215: {  	v44 =	vld.idx.msk [tilespmem:v8+s10+$0x0], $0xffff  }
0x216: {  	v45 =	vld.idx.msk [tilespmem:v8+s4+$0x0], $0xffff;
	_ =	sdelay $0x3  }
0x217: {  	v12 =	vshra.s32 v44, $0x7  }
0x218: {  	v13 =	vshra.s32 v45, $0x7;
	v12 =	vxor.u32 $0x80000000, v12  }
0x219: {  	v46 =	vxor.u32 $0x80000000, v13;
	(xrf0) =	vmax.scan.msk.u32 $0xffff, v12  }
0x21a: {  	(xrf0) =	vmax.scan.msk.u32 $0xffff, v46;
	_ =	sdelay $0x4  }
0x21b: {  	v47, _, _ =	vpop (xrf0)  }
0x21c: {  	(v2sf) =	vpush v47, $0xF;
	v48, _, _ =	vpop (xrf0)  }
0x21d: {  	(v2sf) =	vpush v48, $0xF;
	_ =	sdelay $0xd  }
0x21e: {  	s8 =	spop (v2sf)  }
0x21f: {  	s9 =	spop (v2sf)  }
0x220: {  	s9 =	sshll.u32 s9, $0x7  }
0x221: {  	s8 =	sshll.u32 s8, $0x7;
	s9 =	sand.u32 $0x1FFFFF80, s9  }
0x222: {  	s8 =	sand.u32 $0x1FFFFF80, s8;
	s9 =	sadd.s32 s1, s9  }
0x223: {  	[tilespmem:s18], [sflag:$0x4] =	stream.strided.gather [hbm4b:s9+s12], $0x2000, s11, s12, $0x38;
	[tilespmem:$0x1C600] =	vst v63  }
0x224: {  	s8 =	sadd.s32 s2, s8  }
0x225: {  	[tilespmem:s19], [sflag:$0x4] =	stream.strided.gather [hbm4b:s8+s12], $0x2000, s11, s12, $0x38;
	[tilespmem:$0x1C600] =	vst v63  }
0x226: {  	v49 =	vld.idx.msk [tilespmem:v9+s10+$0x0], $0xffff  }
0x227: {  	v50 =	vld.idx.msk [tilespmem:v9+s4+$0x0], $0xffff;
	_ =	sdelay $0x3  }
0x228: {  	v12 =	vshra.s32 v49, $0x7  }
0x229: {  	v13 =	vshra.s32 v50, $0x7;
	v12 =	vxor.u32 $0x80000000, v12  }
0x22a: {  	v51 =	vxor.u32 $0x80000000, v13;
	(xrf0) =	vmax.scan.msk.u32 $0xffff, v12  }
0x22b: {  	(xrf0) =	vmax.scan.msk.u32 $0xffff, v51;
	_ =	sdelay $0x4  }
0x22c: {  	v52, _, _ =	vpop (xrf0)  }
0x22d: {  	(v2sf) =	vpush v52, $0xF;
	v53, _, _ =	vpop (xrf0)  }
0x22e: {  	(v2sf) =	vpush v53, $0xF;
	_ =	sdelay $0xd  }
0x22f: {  	s8 =	spop (v2sf)  }
0x230: {  	s9 =	spop (v2sf)  }
0x231: {  	s9 =	sshll.u32 s9, $0x7  }
0x232: {  	s8 =	sshll.u32 s8, $0x7;
	s9 =	sand.u32 $0x1FFFFF80, s9  }
0x233: {  	s8 =	sand.u32 $0x1FFFFF80, s8;
	s9 =	sadd.s32 s1, s9  }
0x234: {  	[tilespmem:s20], [sflag:$0x5] =	stream.strided.gather [hbm4b:s9+s12], $0x2000, s11, s12, $0x38;
	[tilespmem:$0x1C600] =	vst v63  }
0x235: {  	s8 =	sadd.s32 s2, s8  }
0x236: {  	[tilespmem:s21], [sflag:$0x5] =	stream.strided.gather [hbm4b:s8+s12], $0x2000, s11, s12, $0x38;
	[tilespmem:$0x1C600] =	vst v63  }
0x237: {  	v54 =	vld.idx.msk [tilespmem:v10+s10+$0x0], $0xffff  }
0x238: {  	v55 =	vld.idx.msk [tilespmem:v10+s4+$0x0], $0xffff;
	_ =	sdelay $0x3  }
0x239: {  	v12 =	vshra.s32 v54, $0x7  }
0x23a: {  	v13 =	vshra.s32 v55, $0x7;
	v12 =	vxor.u32 $0x80000000, v12  }
0x23b: {  	v56 =	vxor.u32 $0x80000000, v13;
	(xrf0) =	vmax.scan.msk.u32 $0xffff, v12  }
0x23c: {  	(xrf0) =	vmax.scan.msk.u32 $0xffff, v56;
	_ =	sdelay $0x4  }
0x23d: {  	v57, _, _ =	vpop (xrf0)  }
0x23e: {  	(v2sf) =	vpush v57, $0xF;
	v58, _, _ =	vpop (xrf0)  }
0x23f: {  	(v2sf) =	vpush v58, $0xF;
	_ =	sdelay $0xd  }
0x240: {  	s8 =	spop (v2sf)  }
0x241: {  	s9 =	spop (v2sf)  }
0x242: {  	s9 =	sshll.u32 s9, $0x7  }
0x243: {  	s8 =	sshll.u32 s8, $0x7;
	s9 =	sand.u32 $0x1FFFFF80, s9  }
0x244: {  	s8 =	sand.u32 $0x1FFFFF80, s8;
	s9 =	sadd.s32 s1, s9  }
0x245: {  	[tilespmem:s22], [sflag:$0x6] =	stream.strided.gather [hbm4b:s9+s12], $0x2000, s11, s12, $0x38;
	[tilespmem:$0x1C600] =	vst v63  }
0x246: {  	s8 =	sadd.s32 s2, s8  }
0x247: {  	[tilespmem:s23], [sflag:$0x6] =	stream.strided.gather [hbm4b:s8+s12], $0x2000, s11, s12, $0x38;
	[tilespmem:$0x1C600] =	vst v63  }
0x248: {  	v59 =	vld.idx.msk [tilespmem:v11+s10+$0x0], $0xffff  }
0x249: {  	v60 =	vld.idx.msk [tilespmem:v11+s4+$0x0], $0xffff;
	_ =	sdelay $0x3  }
0x24a: {  	v12 =	vshra.s32 v59, $0x7  }
0x24b: {  	v13 =	vshra.s32 v60, $0x7;
	v12 =	vxor.u32 $0x80000000, v12  }
0x24c: {  	v61 =	vxor.u32 $0x80000000, v13;
	(xrf0) =	vmax.scan.msk.u32 $0xffff, v12  }
0x24d: {  	(xrf0) =	vmax.scan.msk.u32 $0xffff, v61;
	_ =	sdelay $0x4  }
0x24e: {  	v62, _, _ =	vpop (xrf0)  }
0x24f: {  	(v2sf) =	vpush v62, $0xF;
	v63, _, _ =	vpop (xrf0)  }
0x250: {  	(v2sf) =	vpush v63, $0xF;
	_ =	sdelay $0xd  }
0x251: {  	s8 =	spop (v2sf)  }
0x252: {  	s9 =	spop (v2sf)  }
0x253: {  	s9 =	sshll.u32 s9, $0x7  }
.Ltmp5:
0x254: {  	s8 =	sshll.u32 s8, $0x7;
	s9 =	sand.u32 $0x1FFFFF80, s9;
	(pc) =	sbr.rel .LBB2_4-.Ltmp5, $4  }
0x255: {  	s8 =	sand.u32 $0x1FFFFF80, s8;
	s9 =	sadd.s32 s1, s9  }
0x256: {  	[tilespmem:s24], [sflag:$0x7] =	stream.strided.gather [hbm4b:s9+s12], $0x2000, s11, s12, $0x38;
	[tilespmem:$0x1C600] =	vst v63  }
0x257: {  	s8 =	sadd.s32 s2, s8  }
0x258: {  	[tilespmem:s25], [sflag:$0x7] =	stream.strided.gather [hbm4b:s8+s12], $0x2000, s11, s12, $0x38;
	[tilespmem:$0x1C600] =	vst v63  }
.LBB2_6:
0x259: {  	_ =	sfence.sel $0x180000  }
0x25a: {  	[bflag:$0x0] =	sbarrier.arrive $0xFFFF  }
0x25b: {  	_ =	strace $0x90000047  }
0x25c: {  	s0 =	stileid.u32;
	[bflag:$0x2] =	sbarrier.arrive $0xFFFF  }
0x25d: {  	p0 =	sne.s32 s0, $0x0;
	s0 =	rddreg [dreg:$0x5]  }
0x25e: {  	s0 =	sadd.s32 @!p0 $0x100000, s0  }
0x25f: {  	[sflag:s0] =	ssyncadd.tile.s32 @!p0 $0x1;
	_ =	shalt  }
.Lfunc_end2:
_tile_overlayer_lowered:
.L_overlay_start_2:
0x260: {  	(tag) =	ssettag $0x2  }
0x261: {  	s0 =	rddreg [dreg:$0x0];
	s2 =	stileid.u32  }
0x262: {  	s1 =	rddreg [dreg:$0x1];
	p0 =	sne.s32 s2, $0x0  }
0x263: {  	s3 =	rddreg [dreg:$0x2];
	[bflag:$0x3] =	sbarrier.arrive $0xFFFF;
	s2 =	simm.s32 @!p0 $0x1C08  }
0x264: {  	[timem:s3], [sflag:s2] =	dma.local @!p0 [hbm:s0], s1  }
0x265: {  	s0 =	simm.s32 @!p0 $0x8  }
0x266: {  	_ =	swait.ge @!p0 [sflag:s0], s1  }
0x267: {  	s1 =	ssub.s32 @!p0 $0x0, s1;
	[sflag:s0] =	ssyncset.done @!p0 $0x0  }
0x268: {  	[sflag:s0] =	ssyncadd.s32 @!p0 s1  }
0x269: {  	[bflag:$0x3] =	sbarrier.arrive $0xFFFF  }
0x26a: {  	_ =	shalt  }

</sc_bundles>
